<compile_context>
chip_gen: v7x
topology: tpu7x:2x2x1
jax: 0.10.2.dev20260603
libtpu: 0.0.44.dev20260713+nightly
codegen_flags: <defaults>
</compile_context>

<pallas_src>
import functools

import jax
import jax.numpy as jnp
from jax import lax
from jax.experimental import pallas as pl
from jax.experimental.pallas import tpu as pltpu
from jax.experimental.pallas import tpu_sc as plsc

N = 10000
NPAD = 10016
DISCARD = 10008
IN_CH = 128
HID = 16
HH = 8
OUT_CH = 40
E = 320000
NC = 2
NS = 16
NW = NC * NS
CHUNK = 128
NCHUNK = 2560
EPAD = NCHUNK * CHUNK
CPTM = NCHUNK // NS
NBUF = 8
ROWS_PT = 632
ROWS_LAST = NPAD - ROWS_PT * (NS - 1)
TROWS_PT = 632
TROWS_LAST = N - TROWS_PT * (NS - 1)

_MESH = plsc.VectorSubcoreMesh(
    core_axis_name="c", subcore_axis_name="s", num_cores=NC, num_subcores=NS
)
_SC_PARAMS_NL = pltpu.CompilerParams(use_tc_tiling_on_sc=False,
                                     needs_layout_passes=False)


@functools.partial(
    pl.kernel,
    out_type=jax.ShapeDtypeStruct((N, HID), jnp.float32),
    mesh=_MESH,
    scratch_types=[
        pltpu.VMEM((CPTM, CHUNK), jnp.int32),
        pltpu.VMEM((CPTM, CHUNK), jnp.int32),
        [pltpu.VMEM((CHUNK, HH), jnp.float32)] * NBUF,
        [pltpu.SemaphoreType.DMA] * NBUF,
        [pltpu.SemaphoreType.DMA] * NBUF,
        pltpu.VMEM((TROWS_PT, HH), jnp.float32),
        pltpu.VMEM((TROWS_PT, HH), jnp.float32),
        pltpu.VMEM((TROWS_PT, HH), jnp.float32),
        pltpu.VMEM((TROWS_PT, HH), jnp.float32),
        pltpu.VMEM((16,), jnp.float32),
        pltpu.VMEM((CHUNK,), jnp.float32),
        pltpu.VMEM((640,), jnp.float32),
        pltpu.SemaphoreType.DMA,
        pltpu.VMEM_SHARED((N, HH), jnp.float32),
        pltpu.VMEM_SHARED((N, HH), jnp.float32),
        pltpu.VMEM_SHARED((NPAD, HH), jnp.float32),
        pltpu.VMEM_SHARED((NPAD,), jnp.float32),
    ],
    compiler_params=_SC_PARAMS_NL,
)
def _sc_mega(xw_hbm, edges_hbm, b1p_hbm, zeros8_hbm, zeros1_hbm, out_hbm,
             src_v, dst_v, rows, gsem, ssem,
             ybuf, xbuf, t2buf, gbuf, bbuf, ones_v, disb, dsem,
             table1, table2, acc, dacc):
    c = lax.axis_index("c")
    s = lax.axis_index("s")
    start = pl.multiple_of(CPTM * s, 8)
    pltpu.sync_copy(edges_hbm.at[0, pl.ds(start, CPTM)], src_v)
    pltpu.sync_copy(edges_hbm.at[1, pl.ds(start, CPTM)], dst_v)
    pltpu.sync_copy(b1p_hbm.at[c], bbuf)
    for i in range(CHUNK // 16):
        ones_v[pl.ds(i * 16, 16)] = jnp.ones((16,), jnp.float32)

    nbase = pl.multiple_of(s * TROWS_PT, 8)
    abase = pl.multiple_of(s * ROWS_PT, 8)
    last = NS - 1

    @pl.when(s < last)
    def _():
        pltpu.sync_copy(zeros1_hbm.at[pl.ds(abase, ROWS_PT)],
                        dacc.at[pl.ds(abase, ROWS_PT)])

    @pl.when(s == last)
    def _():
        pltpu.sync_copy(zeros1_hbm.at[pl.ds(abase, ROWS_LAST)],
                        dacc.at[pl.ds(abase, ROWS_LAST)])

    plsc.subcore_barrier()

    def dfire(j, carry):
        pltpu.async_copy(ones_v, dacc.at[dst_v.at[j]], dsem, add=True)
        return carry

    lax.fori_loop(0, CPTM, dfire, 0)

    def stage(nrows, arows):
        for cc in range(NC):
            @pl.when(c == cc)
            def _():
                pltpu.sync_copy(
                    xw_hbm.at[pl.ds(nbase, nrows), pl.ds(cc * HH, HH)],
                    xbuf.at[pl.ds(0, nrows)])
        pltpu.sync_copy(zeros8_hbm.at[pl.ds(abase, arows)],
                        acc.at[pl.ds(abase, arows)])

    @pl.when(s < last)
    def _():
        stage(TROWS_PT, ROWS_PT)

    @pl.when(s == last)
    def _():
        stage(TROWS_LAST, ROWS_LAST)

    def ddrain(j, carry):
        pltpu.make_async_copy(ones_v, dacc.at[dst_v.at[0]], dsem).wait()
        return carry

    lax.fori_loop(0, CPTM, ddrain, 0)
    plsc.subcore_barrier()

    @pl.when(s < last)
    def _():
        pltpu.sync_copy(dacc.at[pl.ds(nbase, TROWS_PT)],
                        disb.at[pl.ds(0, TROWS_PT)])

    @pl.when(s == last)
    def _():
        pltpu.sync_copy(dacc.at[pl.ds(nbase, TROWS_LAST)],
                        disb.at[pl.ds(0, TROWS_LAST)])

    magic = jnp.full((16,), 0x5F3759DF, jnp.int32)

    def newton(k, carry):
        xv = disb[pl.ds(k * 16, 16)] + 1.0
        iv = magic - lax.shift_right_logical(plsc.bitcast(xv, jnp.int32), 1)
        yv = plsc.bitcast(iv, jnp.float32)
        for _ in range(3):
            yv = yv * (1.5 - 0.5 * xv * yv * yv)
        disb[pl.ds(k * 16, 16)] = yv
        return carry

    lax.fori_loop(0, 640 // 16, newton, 0)

    i16 = lax.iota(jnp.int32, 16)
    r0 = lax.shift_right_logical(i16, 3)
    cidx = lax.bitwise_and(i16, jnp.full((16,), 7, jnp.int32))
    npairs = jnp.where(s == last, TROWS_LAST // 2, TROWS_PT // 2)

    def prerow(k, carry):
        r = r0 + 2 * k
        dv = plsc.load_gather(disb, [r])
        tv = plsc.load_gather(xbuf, [r, cidx]) * dv
        plsc.store_scatter(gbuf, [r, cidx], tv)
        return carry

    lax.fori_loop(0, npairs, prerow, 0)

    @pl.when(s < last)
    def _():
        pltpu.sync_copy(gbuf.at[pl.ds(0, TROWS_PT)],
                        table1.at[pl.ds(nbase, TROWS_PT)])

    @pl.when(s == last)
    def _():
        pltpu.sync_copy(gbuf.at[pl.ds(0, TROWS_LAST)],
                        table1.at[pl.ds(nbase, TROWS_LAST)])

    plsc.subcore_barrier()

    def run_pass(table):
        def gather(k, i):
            pltpu.async_copy(table.at[src_v.at[k]], rows[i], gsem[i])

        def gather_done(i):
            pltpu.make_async_copy(table.at[src_v.at[0]], rows[i],
                                  gsem[i]).wait()

        def scatter(k, i):
            pltpu.async_copy(rows[i], acc.at[dst_v.at[k]], ssem[i], add=True)

        def scatter_done(i):
            pltpu.make_async_copy(rows[i], acc.at[dst_v.at[0]],
                                  ssem[i]).wait()

        for i in range(NBUF):
            gather(i, i)

        nsup = CPTM // NBUF

        def superchunk(t, carry):
            base = NBUF * t
            for i in range(NBUF):
                k = base + i
                gather_done(i)
                scatter(k, i)

                @pl.when(t < nsup - 1)
                def _():
                    scatter_done(i)
                    gather(k + NBUF, i)
            return carry

        lax.fori_loop(0, nsup, superchunk, 0)
        for i in range(NBUF):
            scatter_done(i)

    run_pass(table1)
    plsc.subcore_barrier()

    b1v = bbuf[...]

    def load_rows(nrows):
        pltpu.sync_copy(acc.at[pl.ds(nbase, nrows)], ybuf.at[pl.ds(0, nrows)])
        pltpu.sync_copy(table1.at[pl.ds(nbase, nrows)],
                        xbuf.at[pl.ds(0, nrows)])

    @pl.when(s < last)
    def _():
        load_rows(TROWS_PT)

    @pl.when(s == last)
    def _():
        load_rows(TROWS_LAST)

    def midrow(k, carry):
        r = r0 + 2 * k
        yv = plsc.load_gather(ybuf, [r, cidx])
        xv = plsc.load_gather(xbuf, [r, cidx])
        dv = plsc.load_gather(disb, [r])
        hv = jnp.maximum(dv * (yv + xv) + b1v, 0.0)
        plsc.store_scatter(t2buf, [r, cidx], hv * dv)
        return carry

    lax.fori_loop(0, npairs, midrow, 0)

    def put_t2(nrows, arows):
        pltpu.sync_copy(t2buf.at[pl.ds(0, nrows)],
                        table2.at[pl.ds(nbase, nrows)])
        pltpu.sync_copy(zeros8_hbm.at[pl.ds(abase, arows)],
                        acc.at[pl.ds(abase, arows)])

    @pl.when(s < last)
    def _():
        put_t2(TROWS_PT, ROWS_PT)

    @pl.when(s == last)
    def _():
        put_t2(TROWS_LAST, ROWS_LAST)

    plsc.subcore_barrier()
    run_pass(table2)
    plsc.subcore_barrier()

    @pl.when(s < last)
    def _():
        pltpu.sync_copy(acc.at[pl.ds(nbase, TROWS_PT)],
                        ybuf.at[pl.ds(0, TROWS_PT)])

    @pl.when(s == last)
    def _():
        pltpu.sync_copy(acc.at[pl.ds(nbase, TROWS_LAST)],
                        ybuf.at[pl.ds(0, TROWS_LAST)])

    def finrow(k, carry):
        r = r0 + 2 * k
        yv = plsc.load_gather(ybuf, [r, cidx])
        xv = plsc.load_gather(t2buf, [r, cidx])
        dv = plsc.load_gather(disb, [r])
        plsc.store_scatter(gbuf, [r, cidx], dv * (yv + xv))
        return carry

    lax.fori_loop(0, npairs, finrow, 0)

    def put_g(nrows):
        for cc in range(NC):
            @pl.when(c == cc)
            def _():
                pltpu.sync_copy(
                    gbuf.at[pl.ds(0, nrows)],
                    out_hbm.at[pl.ds(nbase, nrows), pl.ds(cc * HH, HH)])

    @pl.when(s < last)
    def _():
        put_g(TROWS_PT)

    @pl.when(s == last)
    def _():
        put_g(TROWS_LAST)


def _tc_mm_body(x_ref, w1_ref, xw_ref):
    xw_ref[...] = jnp.dot(x_ref[...], w1_ref[...],
                          preferred_element_type=jnp.float32)


def _tc3_body(g_ref, w2_ref, b2_ref, out_ref):
    o = jnp.dot(g_ref[...], w2_ref[...],
                preferred_element_type=jnp.float32) + b2_ref[...]
    m = jnp.max(o, axis=1, keepdims=True)
    e = o - m
    lse = jnp.log(jnp.sum(jnp.exp(e), axis=1, keepdims=True))
    out_ref[...] = e - lse


def kernel(x, edge_index, W1, b1, W2, b2):
    e32 = edge_index.astype(jnp.int32)
    padcols = jnp.stack([
        jnp.zeros((EPAD - E,), jnp.int32),
        jnp.full((EPAD - E,), DISCARD, jnp.int32),
    ])
    edges = jnp.concatenate([e32, padcols], axis=1).reshape(2, NCHUNK, CHUNK)
    z1 = jnp.zeros((NPAD,), jnp.float32)
    z8 = jnp.zeros((NPAD, HH), jnp.float32)
    b1p = jnp.stack([jnp.tile(b1[:HH], 2), jnp.tile(b1[HH:], 2)])

    xw = pl.pallas_call(
        _tc_mm_body,
        out_shape=jax.ShapeDtypeStruct((N, HID), jnp.float32),
    )(x, W1)

    g = _sc_mega(xw, edges, b1p, z8, z1)

    out = pl.pallas_call(
        _tc3_body,
        out_shape=jax.ShapeDtypeStruct((N, OUT_CH), jnp.float32),
    )(g, W2, b2.reshape(1, OUT_CH))
    return out

# --- scband reference (transcript-rebuilt; emitter-appended) ---
"""Pipeline reference for scband-gcnnet-14053132993017 (READ-ONLY COPY).

The authoritative reference and input builder live on the scoring server;
editing this copy changes nothing except your own understanding.
"""

import jax, jax.numpy as jnp
import numpy as np

N_NODES = 10000
IN_CH = 128
NUM_HID = 16
OUT_CH = 40
N_EDGES = 320000


def setup_inputs(seed: int = 0) -> dict:
    key = jax.random.key(seed)
    k1, k2, k3, k4, k5, k6 = jax.random.split(key, 6)
    x = jax.random.normal(k1, (N_NODES, IN_CH), dtype=jnp.float32)
    edge_index = jax.random.randint(k2, (2, N_EDGES), 0, N_NODES, dtype=jnp.int64)
    # Glorot-style init for GCN layer weights
    s1 = float(np.sqrt(6.0 / (IN_CH + NUM_HID)))
    s2 = float(np.sqrt(6.0 / (NUM_HID + OUT_CH)))
    W1 = jax.random.uniform(k3, (IN_CH, NUM_HID), minval=-s1, maxval=s1, dtype=jnp.float32)
    b1 = jnp.zeros((NUM_HID,), dtype=jnp.float32)
    W2 = jax.random.uniform(k4, (NUM_HID, OUT_CH), minval=-s2, maxval=s2, dtype=jnp.float32)
    b2 = jnp.zeros((OUT_CH,), dtype=jnp.float32)
    return {"x": x, "edge_index": edge_index, "W1": W1, "b1": b1, "W2": W2, "b2": b2}


def _gcn_conv(x, src, dst, W, b, n_nodes):
    # x' = D^{-1/2} (A + I) D^{-1/2} X W + b  (PyG GCNConv semantics)
    xw = x @ W
    deg = jnp.zeros((n_nodes,), dtype=x.dtype).at[dst].add(1.0)
    deg_inv_sqrt = jnp.where(deg > 0, jax.lax.rsqrt(jnp.maximum(deg, 1e-12)), 0.0)
    norm = deg_inv_sqrt[src] * deg_inv_sqrt[dst]
    msg = xw[src] * norm[:, None]
    out = jnp.zeros((n_nodes, W.shape[1]), dtype=x.dtype).at[dst].add(msg)
    return out + b


def reference(x, edge_index, W1, b1, W2, b2):
    n_nodes = x.shape[0]
    loop = jnp.arange(n_nodes, dtype=edge_index.dtype)
    src = jnp.concatenate([edge_index[0], loop])
    dst = jnp.concatenate([edge_index[1], loop])
    h = _gcn_conv(x, src, dst, W1, b1, n_nodes)
    h = jax.nn.relu(h)
    # dropout is identity in eval / deterministic reference
    h = _gcn_conv(h, src, dst, W2, b2, n_nodes)
    return jax.nn.log_softmax(h, axis=-1)

if __name__ == "__main__":
    import jax
    _d = setup_inputs()
    print(jax.jit(kernel)(*tuple(_d.values())))

</pallas_src>

<mosaic_0001>
#map = affine_map<(d0, d1) -> (0, 0)>
#map1 = affine_map<(d0, d1) -> (0, 0, 0)>
#map2 = affine_map<(d0, d1) -> (0)>
module attributes {stable_mosaic.version = 14 : i64} {
  func.func @_sc_mega(%arg0: i32, %arg1: i32, %arg2: memref<10000x16xf32, #tpu.memory_space<hbm>>, %arg3: memref<2x2560x128xi32, #tpu.memory_space<hbm>>, %arg4: memref<2x16xf32, #tpu.memory_space<hbm>>, %arg5: memref<10016x8xf32, #tpu.memory_space<hbm>>, %arg6: memref<10016xf32, #tpu.memory_space<hbm>>, %arg7: memref<10000x16xf32, #tpu.memory_space<hbm>>, %arg8: memref<160x128xi32, #tpu.memory_space<vmem>>, %arg9: memref<160x128xi32, #tpu.memory_space<vmem>>, %arg10: memref<128x8xf32, #tpu.memory_space<vmem>>, %arg11: memref<128x8xf32, #tpu.memory_space<vmem>>, %arg12: memref<128x8xf32, #tpu.memory_space<vmem>>, %arg13: memref<128x8xf32, #tpu.memory_space<vmem>>, %arg14: memref<128x8xf32, #tpu.memory_space<vmem>>, %arg15: memref<128x8xf32, #tpu.memory_space<vmem>>, %arg16: memref<128x8xf32, #tpu.memory_space<vmem>>, %arg17: memref<128x8xf32, #tpu.memory_space<vmem>>, %arg18: memref<!tpu.dma_semaphore, #tpu.memory_space<semaphore_mem>>, %arg19: memref<!tpu.dma_semaphore, #tpu.memory_space<semaphore_mem>>, %arg20: memref<!tpu.dma_semaphore, #tpu.memory_space<semaphore_mem>>, %arg21: memref<!tpu.dma_semaphore, #tpu.memory_space<semaphore_mem>>, %arg22: memref<!tpu.dma_semaphore, #tpu.memory_space<semaphore_mem>>, %arg23: memref<!tpu.dma_semaphore, #tpu.memory_space<semaphore_mem>>, %arg24: memref<!tpu.dma_semaphore, #tpu.memory_space<semaphore_mem>>, %arg25: memref<!tpu.dma_semaphore, #tpu.memory_space<semaphore_mem>>, %arg26: memref<!tpu.dma_semaphore, #tpu.memory_space<semaphore_mem>>, %arg27: memref<!tpu.dma_semaphore, #tpu.memory_space<semaphore_mem>>, %arg28: memref<!tpu.dma_semaphore, #tpu.memory_space<semaphore_mem>>, %arg29: memref<!tpu.dma_semaphore, #tpu.memory_space<semaphore_mem>>, %arg30: memref<!tpu.dma_semaphore, #tpu.memory_space<semaphore_mem>>, %arg31: memref<!tpu.dma_semaphore, #tpu.memory_space<semaphore_mem>>, %arg32: memref<!tpu.dma_semaphore, #tpu.memory_space<semaphore_mem>>, %arg33: memref<!tpu.dma_semaphore, #tpu.memory_space<semaphore_mem>>, %arg34: memref<632x8xf32, #tpu.memory_space<vmem>>, %arg35: memref<632x8xf32, #tpu.memory_space<vmem>>, %arg36: memref<632x8xf32, #tpu.memory_space<vmem>>, %arg37: memref<632x8xf32, #tpu.memory_space<vmem>>, %arg38: memref<16xf32, #tpu.memory_space<vmem>>, %arg39: memref<128xf32, #tpu.memory_space<vmem>>, %arg40: memref<640xf32, #tpu.memory_space<vmem>>, %arg41: memref<!tpu.dma_semaphore, #tpu.memory_space<semaphore_mem>>, %arg42: memref<10000x8xf32, #tpu.memory_space<vmem_shared>>, %arg43: memref<10000x8xf32, #tpu.memory_space<vmem_shared>>, %arg44: memref<10016x8xf32, #tpu.memory_space<vmem_shared>>, %arg45: memref<10016xf32, #tpu.memory_space<vmem_shared>>) attributes {dimension_semantics = [#tpu.dimension_semantics<core_parallel>, #tpu.dimension_semantics<subcore_parallel>], iteration_bounds = array<i64: 2, 16>, scalar_prefetch = 0 : i64, scratch_operands = 38 : i64, tpu.core_type = #tpu.core_type<sc_vector_subcore>, window_params = [{transform_indices = #map}, {transform_indices = #map1}, {transform_indices = #map}, {transform_indices = #map}, {transform_indices = #map2}, {transform_indices = #map}]} {
    %mul3A = arith.constant 160 : i32
    %mul3A_0 = arith.muli %mul3A, %arg1 : i32
    %multiple_of3A = tpu.assume_multiple %mul3A_0, 8 : i32
    %run_scoped3A = arith.constant 0 : i32
    "tpu.region"() ({
      %run_scoped3A_409 = tpu.sem_alloc : memref<!tpu.dma_semaphore, #tpu.memory_space<semaphore_mem>>
      %dma_start3A_410 = arith.constant 0 : i32
      %dma_start3A_411 = tpu.memref_slice %arg3[%run_scoped3A, %multiple_of3A, %dma_start3A_410] : memref<2x2560x128xi32, #tpu.memory_space<hbm>> -> memref<1x160x128xi32, #tpu.memory_space<hbm>>
      %dma_start3A_412 = tpu.memref_squeeze %dma_start3A_411 : memref<1x160x128xi32, #tpu.memory_space<hbm>> -> memref<160x128xi32, #tpu.memory_space<hbm>>
      %dma_start3A_413 = arith.constant 0 : i32
      %dma_start3A_414 = tpu.memref_slice %arg3[%run_scoped3A, %multiple_of3A, %dma_start3A_413] : memref<2x2560x128xi32, #tpu.memory_space<hbm>> -> memref<1x160x128xi32, #tpu.memory_space<hbm>>
      %dma_start3A_415 = tpu.memref_squeeze %dma_start3A_414 : memref<1x160x128xi32, #tpu.memory_space<hbm>> -> memref<160x128xi32, #tpu.memory_space<hbm>>
      tpu.enqueue_dma source(%dma_start3A_415 : memref<160x128xi32, #tpu.memory_space<hbm>>) target(%arg8 : memref<160x128xi32, #tpu.memory_space<vmem>>) target_semaphore(%run_scoped3A_409 : memref<!tpu.dma_semaphore, #tpu.memory_space<semaphore_mem>>)
      %dma_wait3A_416 = arith.constant 0 : i32
      %dma_wait3A_417 = tpu.memref_slice %arg3[%run_scoped3A, %multiple_of3A, %dma_wait3A_416] : memref<2x2560x128xi32, #tpu.memory_space<hbm>> -> memref<1x160x128xi32, #tpu.memory_space<hbm>>
      %dma_wait3A_418 = tpu.memref_squeeze %dma_wait3A_417 : memref<1x160x128xi32, #tpu.memory_space<hbm>> -> memref<160x128xi32, #tpu.memory_space<hbm>>
      %dma_wait3A_419 = arith.constant 0 : i32
      %dma_wait3A_420 = tpu.memref_slice %arg3[%run_scoped3A, %multiple_of3A, %dma_wait3A_419] : memref<2x2560x128xi32, #tpu.memory_space<hbm>> -> memref<1x160x128xi32, #tpu.memory_space<hbm>>
      %dma_wait3A_421 = tpu.memref_squeeze %dma_wait3A_420 : memref<1x160x128xi32, #tpu.memory_space<hbm>> -> memref<160x128xi32, #tpu.memory_space<hbm>>
      tpu.wait_dma2 semaphore(%run_scoped3A_409 : memref<!tpu.dma_semaphore, #tpu.memory_space<semaphore_mem>>) src(%dma_wait3A_421 : memref<160x128xi32, #tpu.memory_space<hbm>>) dst(%arg8 : memref<160x128xi32, #tpu.memory_space<vmem>>)
      tpu.yield
    }) : () -> ()
    %run_scoped3A_1 = arith.constant 1 : i32
    "tpu.region"() ({
      %run_scoped3A_409 = tpu.sem_alloc : memref<!tpu.dma_semaphore, #tpu.memory_space<semaphore_mem>>
      %dma_start3A_410 = arith.constant 0 : i32
      %dma_start3A_411 = tpu.memref_slice %arg3[%run_scoped3A_1, %multiple_of3A, %dma_start3A_410] : memref<2x2560x128xi32, #tpu.memory_space<hbm>> -> memref<1x160x128xi32, #tpu.memory_space<hbm>>
      %dma_start3A_412 = tpu.memref_squeeze %dma_start3A_411 : memref<1x160x128xi32, #tpu.memory_space<hbm>> -> memref<160x128xi32, #tpu.memory_space<hbm>>
      %dma_start3A_413 = arith.constant 0 : i32
      %dma_start3A_414 = tpu.memref_slice %arg3[%run_scoped3A_1, %multiple_of3A, %dma_start3A_413] : memref<2x2560x128xi32, #tpu.memory_space<hbm>> -> memref<1x160x128xi32, #tpu.memory_space<hbm>>
      %dma_start3A_415 = tpu.memref_squeeze %dma_start3A_414 : memref<1x160x128xi32, #tpu.memory_space<hbm>> -> memref<160x128xi32, #tpu.memory_space<hbm>>
      tpu.enqueue_dma source(%dma_start3A_415 : memref<160x128xi32, #tpu.memory_space<hbm>>) target(%arg9 : memref<160x128xi32, #tpu.memory_space<vmem>>) target_semaphore(%run_scoped3A_409 : memref<!tpu.dma_semaphore, #tpu.memory_space<semaphore_mem>>)
      %dma_wait3A_416 = arith.constant 0 : i32
      %dma_wait3A_417 = tpu.memref_slice %arg3[%run_scoped3A_1, %multiple_of3A, %dma_wait3A_416] : memref<2x2560x128xi32, #tpu.memory_space<hbm>> -> memref<1x160x128xi32, #tpu.memory_space<hbm>>
      %dma_wait3A_418 = tpu.memref_squeeze %dma_wait3A_417 : memref<1x160x128xi32, #tpu.memory_space<hbm>> -> memref<160x128xi32, #tpu.memory_space<hbm>>
      %dma_wait3A_419 = arith.constant 0 : i32
      %dma_wait3A_420 = tpu.memref_slice %arg3[%run_scoped3A_1, %multiple_of3A, %dma_wait3A_419] : memref<2x2560x128xi32, #tpu.memory_space<hbm>> -> memref<1x160x128xi32, #tpu.memory_space<hbm>>
      %dma_wait3A_421 = tpu.memref_squeeze %dma_wait3A_420 : memref<1x160x128xi32, #tpu.memory_space<hbm>> -> memref<160x128xi32, #tpu.memory_space<hbm>>
      tpu.wait_dma2 semaphore(%run_scoped3A_409 : memref<!tpu.dma_semaphore, #tpu.memory_space<semaphore_mem>>) src(%dma_wait3A_421 : memref<160x128xi32, #tpu.memory_space<hbm>>) dst(%arg9 : memref<160x128xi32, #tpu.memory_space<vmem>>)
      tpu.yield
    }) : () -> ()
    "tpu.region"() ({
      %run_scoped3A_409 = tpu.sem_alloc : memref<!tpu.dma_semaphore, #tpu.memory_space<semaphore_mem>>
      %dma_start3A_410 = arith.constant 0 : i32
      %dma_start3A_411 = tpu.memref_slice %arg4[%arg0, %dma_start3A_410] : memref<2x16xf32, #tpu.memory_space<hbm>> -> memref<1x16xf32, #tpu.memory_space<hbm>>
      %dma_start3A_412 = tpu.memref_squeeze %dma_start3A_411 : memref<1x16xf32, #tpu.memory_space<hbm>> -> memref<16xf32, #tpu.memory_space<hbm>>
      %dma_start3A_413 = arith.constant 0 : i32
      %dma_start3A_414 = tpu.memref_slice %arg4[%arg0, %dma_start3A_413] : memref<2x16xf32, #tpu.memory_space<hbm>> -> memref<1x16xf32, #tpu.memory_space<hbm>>
      %dma_start3A_415 = tpu.memref_squeeze %dma_start3A_414 : memref<1x16xf32, #tpu.memory_space<hbm>> -> memref<16xf32, #tpu.memory_space<hbm>>
      tpu.enqueue_dma source(%dma_start3A_415 : memref<16xf32, #tpu.memory_space<hbm>>) target(%arg38 : memref<16xf32, #tpu.memory_space<vmem>>) target_semaphore(%run_scoped3A_409 : memref<!tpu.dma_semaphore, #tpu.memory_space<semaphore_mem>>)
      %dma_wait3A_416 = arith.constant 0 : i32
      %dma_wait3A_417 = tpu.memref_slice %arg4[%arg0, %dma_wait3A_416] : memref<2x16xf32, #tpu.memory_space<hbm>> -> memref<1x16xf32, #tpu.memory_space<hbm>>
      %dma_wait3A_418 = tpu.memref_squeeze %dma_wait3A_417 : memref<1x16xf32, #tpu.memory_space<hbm>> -> memref<16xf32, #tpu.memory_space<hbm>>
      %dma_wait3A_419 = arith.constant 0 : i32
      %dma_wait3A_420 = tpu.memref_slice %arg4[%arg0, %dma_wait3A_419] : memref<2x16xf32, #tpu.memory_space<hbm>> -> memref<1x16xf32, #tpu.memory_space<hbm>>
      %dma_wait3A_421 = tpu.memref_squeeze %dma_wait3A_420 : memref<1x16xf32, #tpu.memory_space<hbm>> -> memref<16xf32, #tpu.memory_space<hbm>>
      tpu.wait_dma2 semaphore(%run_scoped3A_409 : memref<!tpu.dma_semaphore, #tpu.memory_space<semaphore_mem>>) src(%dma_wait3A_421 : memref<16xf32, #tpu.memory_space<hbm>>) dst(%arg38 : memref<16xf32, #tpu.memory_space<vmem>>)
      tpu.yield
    }) : () -> ()
    %broadcast_in_dim3A = arith.constant 1.000000e+00 : f32
    %broadcast_in_dim3A_2 = vector.broadcast %broadcast_in_dim3A : f32 to vector<16xf32>
    %swap3A = arith.constant 0 : index
    %swap3A_3 = tpu.vector_load %arg39[%swap3A] {strides = array<i32>} : memref<128xf32, #tpu.memory_space<vmem>>, vector<16xf32>,
    tpu.vector_store %arg39[%swap3A], %broadcast_in_dim3A_2 {strides = array<i32>} : memref<128xf32, #tpu.memory_space<vmem>>, vector<16xf32>,
    %broadcast_in_dim3A_4 = arith.constant 1.000000e+00 : f32
    %broadcast_in_dim3A_5 = vector.broadcast %broadcast_in_dim3A_4 : f32 to vector<16xf32>
    %swap3A_6 = arith.constant 16 : index
    %swap3A_7 = tpu.vector_load %arg39[%swap3A_6] {strides = array<i32>} : memref<128xf32, #tpu.memory_space<vmem>>, vector<16xf32>,
    tpu.vector_store %arg39[%swap3A_6], %broadcast_in_dim3A_5 {strides = array<i32>} : memref<128xf32, #tpu.memory_space<vmem>>, vector<16xf32>,
    %broadcast_in_dim3A_8 = arith.constant 1.000000e+00 : f32
    %broadcast_in_dim3A_9 = vector.broadcast %broadcast_in_dim3A_8 : f32 to vector<16xf32>
    %swap3A_10 = arith.constant 32 : index
    %swap3A_11 = tpu.vector_load %arg39[%swap3A_10] {strides = array<i32>} : memref<128xf32, #tpu.memory_space<vmem>>, vector<16xf32>,
    tpu.vector_store %arg39[%swap3A_10], %broadcast_in_dim3A_9 {strides = array<i32>} : memref<128xf32, #tpu.memory_space<vmem>>, vector<16xf32>,
    %broadcast_in_dim3A_12 = arith.constant 1.000000e+00 : f32
    %broadcast_in_dim3A_13 = vector.broadcast %broadcast_in_dim3A_12 : f32 to vector<16xf32>
    %swap3A_14 = arith.constant 48 : index
    %swap3A_15 = tpu.vector_load %arg39[%swap3A_14] {strides = array<i32>} : memref<128xf32, #tpu.memory_space<vmem>>, vector<16xf32>,
    tpu.vector_store %arg39[%swap3A_14], %broadcast_in_dim3A_13 {strides = array<i32>} : memref<128xf32, #tpu.memory_space<vmem>>, vector<16xf32>,
    %broadcast_in_dim3A_16 = arith.constant 1.000000e+00 : f32
    %broadcast_in_dim3A_17 = vector.broadcast %broadcast_in_dim3A_16 : f32 to vector<16xf32>
    %swap3A_18 = arith.constant 64 : index
    %swap3A_19 = tpu.vector_load %arg39[%swap3A_18] {strides = array<i32>} : memref<128xf32, #tpu.memory_space<vmem>>, vector<16xf32>,
    tpu.vector_store %arg39[%swap3A_18], %broadcast_in_dim3A_17 {strides = array<i32>} : memref<128xf32, #tpu.memory_space<vmem>>, vector<16xf32>,
    %broadcast_in_dim3A_20 = arith.constant 1.000000e+00 : f32
    %broadcast_in_dim3A_21 = vector.broadcast %broadcast_in_dim3A_20 : f32 to vector<16xf32>
    %swap3A_22 = arith.constant 80 : index
    %swap3A_23 = tpu.vector_load %arg39[%swap3A_22] {strides = array<i32>} : memref<128xf32, #tpu.memory_space<vmem>>, vector<16xf32>,
    tpu.vector_store %arg39[%swap3A_22], %broadcast_in_dim3A_21 {strides = array<i32>} : memref<128xf32, #tpu.memory_space<vmem>>, vector<16xf32>,
    %broadcast_in_dim3A_24 = arith.constant 1.000000e+00 : f32
    %broadcast_in_dim3A_25 = vector.broadcast %broadcast_in_dim3A_24 : f32 to vector<16xf32>
    %swap3A_26 = arith.constant 96 : index
    %swap3A_27 = tpu.vector_load %arg39[%swap3A_26] {strides = array<i32>} : memref<128xf32, #tpu.memory_space<vmem>>, vector<16xf32>,
    tpu.vector_store %arg39[%swap3A_26], %broadcast_in_dim3A_25 {strides = array<i32>} : memref<128xf32, #tpu.memory_space<vmem>>, vector<16xf32>,
    %broadcast_in_dim3A_28 = arith.constant 1.000000e+00 : f32
    %broadcast_in_dim3A_29 = vector.broadcast %broadcast_in_dim3A_28 : f32 to vector<16xf32>
    %swap3A_30 = arith.constant 112 : index
    %swap3A_31 = tpu.vector_load %arg39[%swap3A_30] {strides = array<i32>} : memref<128xf32, #tpu.memory_space<vmem>>, vector<16xf32>,
    tpu.vector_store %arg39[%swap3A_30], %broadcast_in_dim3A_29 {strides = array<i32>} : memref<128xf32, #tpu.memory_space<vmem>>, vector<16xf32>,
    %mul3A_32 = arith.constant 632 : i32
    %mul3A_33 = arith.muli %arg1, %mul3A_32 : i32
    %multiple_of3A_34 = tpu.assume_multiple %mul3A_33, 8 : i32
    %mul3A_35 = arith.constant 632 : i32
    %mul3A_36 = arith.muli %arg1, %mul3A_35 : i32
    %multiple_of3A_37 = tpu.assume_multiple %mul3A_36, 8 : i32
    %lt3A = arith.constant 15 : i32
    %lt3A_38 = arith.cmpi slt, %arg1, %lt3A : i32
    %convert_element_type3A = arith.extui %lt3A_38 : i1 to i32
    %cond3A = arith.constant 0 : i32
    %cond3A_39 = arith.cmpi ne, %convert_element_type3A, %cond3A : i32
    scf.if %cond3A_39 {
      "tpu.region"() ({
        %run_scoped3A_409 = tpu.sem_alloc : memref<!tpu.dma_semaphore, #tpu.memory_space<semaphore_mem>>
        %dma_start3A_410 = tpu.memref_slice %arg45[%multiple_of3A_37] : memref<10016xf32, #tpu.memory_space<vmem_shared>> -> memref<632xf32, #tpu.memory_space<vmem_shared>>
        %dma_start3A_411 = tpu.memref_slice %arg6[%multiple_of3A_37] : memref<10016xf32, #tpu.memory_space<hbm>> -> memref<632xf32, #tpu.memory_space<hbm>>
        tpu.enqueue_dma source(%dma_start3A_411 : memref<632xf32, #tpu.memory_space<hbm>>) target(%dma_start3A_410 : memref<632xf32, #tpu.memory_space<vmem_shared>>) target_semaphore(%run_scoped3A_409 : memref<!tpu.dma_semaphore, #tpu.memory_space<semaphore_mem>>)
        %dma_wait3A_412 = tpu.memref_slice %arg45[%multiple_of3A_37] : memref<10016xf32, #tpu.memory_space<vmem_shared>> -> memref<632xf32, #tpu.memory_space<vmem_shared>>
        %dma_wait3A_413 = tpu.memref_slice %arg6[%multiple_of3A_37] : memref<10016xf32, #tpu.memory_space<hbm>> -> memref<632xf32, #tpu.memory_space<hbm>>
        tpu.wait_dma2 semaphore(%run_scoped3A_409 : memref<!tpu.dma_semaphore, #tpu.memory_space<semaphore_mem>>) src(%dma_wait3A_413 : memref<632xf32, #tpu.memory_space<hbm>>) dst(%dma_wait3A_412 : memref<632xf32, #tpu.memory_space<vmem_shared>>)
        tpu.yield
      }) : () -> ()
    } else {
    }
    %eq3A = arith.constant 15 : i32
    %eq3A_40 = arith.cmpi eq, %arg1, %eq3A : i32
    %convert_element_type3A_41 = arith.extui %eq3A_40 : i1 to i32
    %cond3A_42 = arith.constant 0 : i32
    %cond3A_43 = arith.cmpi ne, %convert_element_type3A_41, %cond3A_42 : i32
    scf.if %cond3A_43 {
      "tpu.region"() ({
        %run_scoped3A_409 = tpu.sem_alloc : memref<!tpu.dma_semaphore, #tpu.memory_space<semaphore_mem>>
        %dma_start3A_410 = tpu.memref_slice %arg45[%multiple_of3A_37] : memref<10016xf32, #tpu.memory_space<vmem_shared>> -> memref<536xf32, #tpu.memory_space<vmem_shared>>
        %dma_start3A_411 = tpu.memref_slice %arg6[%multiple_of3A_37] : memref<10016xf32, #tpu.memory_space<hbm>> -> memref<536xf32, #tpu.memory_space<hbm>>
        tpu.enqueue_dma source(%dma_start3A_411 : memref<536xf32, #tpu.memory_space<hbm>>) target(%dma_start3A_410 : memref<536xf32, #tpu.memory_space<vmem_shared>>) target_semaphore(%run_scoped3A_409 : memref<!tpu.dma_semaphore, #tpu.memory_space<semaphore_mem>>)
        %dma_wait3A_412 = tpu.memref_slice %arg45[%multiple_of3A_37] : memref<10016xf32, #tpu.memory_space<vmem_shared>> -> memref<536xf32, #tpu.memory_space<vmem_shared>>
        %dma_wait3A_413 = tpu.memref_slice %arg6[%multiple_of3A_37] : memref<10016xf32, #tpu.memory_space<hbm>> -> memref<536xf32, #tpu.memory_space<hbm>>
        tpu.wait_dma2 semaphore(%run_scoped3A_409 : memref<!tpu.dma_semaphore, #tpu.memory_space<semaphore_mem>>) src(%dma_wait3A_413 : memref<536xf32, #tpu.memory_space<hbm>>) dst(%dma_wait3A_412 : memref<536xf32, #tpu.memory_space<vmem_shared>>)
        tpu.yield
      }) : () -> ()
    } else {
    }
    %barrier3A = arith.constant 0 : index
    tpu.barrier barrier_id(%barrier3A)
    %scan3A = arith.constant 0 : i32
    %scan3A_44 = arith.constant 0 : i32
    %scan3A_45 = arith.constant 160 : i32
    %scan3A_46 = arith.addi %scan3A_44, %scan3A_45 : i32
    %scan3A_47 = arith.constant 1 : i32
    scf.for %scan3A_409 = %scan3A_44 to %scan3A_46 step %scan3A_47  : i32 {
      %dma_start3A_410 = arith.constant 0 : i32
      %dma_start3A_411 = tpu.memref_slice %arg9[%scan3A_409, %dma_start3A_410] : memref<160x128xi32, #tpu.memory_space<vmem>> -> memref<1x128xi32, #tpu.memory_space<vmem>>
      %dma_start3A_412 = tpu.memref_squeeze %dma_start3A_411 : memref<1x128xi32, #tpu.memory_space<vmem>> -> memref<128xi32, #tpu.memory_space<vmem>>
      %dma_start3A_413 = arith.constant 0 : i32
      %dma_start3A_414 = tpu.memref_slice %arg45[%dma_start3A_413] : memref<10016xf32, #tpu.memory_space<vmem_shared>> -> memref<10016xf32, #tpu.memory_space<vmem_shared>>
      tpu.enqueue_indirect_dma source(%arg39 : memref<128xf32, #tpu.memory_space<vmem>>) target(%dma_start3A_414 : memref<10016xf32, #tpu.memory_space<vmem_shared>>) offsets(%dma_start3A_412 : memref<128xi32, #tpu.memory_space<vmem>>) semaphore(%arg41 : memref<!tpu.dma_semaphore, #tpu.memory_space<semaphore_mem>>) {add = true}
    }
    %scan3A_48 = arith.constant 160 : i32
    %lt3A_49 = arith.constant 15 : i32
    %lt3A_50 = arith.cmpi slt, %arg1, %lt3A_49 : i32
    %convert_element_type3A_51 = arith.extui %lt3A_50 : i1 to i32
    %cond3A_52 = arith.constant 0 : i32
    %cond3A_53 = arith.cmpi ne, %convert_element_type3A_51, %cond3A_52 : i32
    scf.if %cond3A_53 {
      %eq3A_409 = arith.constant 0 : i32
      %eq3A_410 = arith.cmpi eq, %arg0, %eq3A_409 : i32
      %convert_element_type3A_411 = arith.extui %eq3A_410 : i1 to i32
      %cond3A_412 = arith.constant 0 : i32
      %cond3A_413 = arith.cmpi ne, %convert_element_type3A_411, %cond3A_412 : i32
      scf.if %cond3A_413 {
        "tpu.region"() ({
          %run_scoped3A_419 = tpu.sem_alloc : memref<!tpu.dma_semaphore, #tpu.memory_space<semaphore_mem>>
          %dma_start3A_420 = arith.constant 0 : i32
          %dma_start3A_421 = arith.constant 0 : i32
          %dma_start3A_422 = tpu.memref_slice %arg35[%dma_start3A_420, %dma_start3A_421] : memref<632x8xf32, #tpu.memory_space<vmem>> -> memref<632x8xf32, #tpu.memory_space<vmem>>
          %dma_start3A_423 = arith.constant 0 : i32
          %dma_start3A_424 = tpu.memref_slice %arg2[%multiple_of3A_34, %dma_start3A_423] : memref<10000x16xf32, #tpu.memory_space<hbm>> -> memref<632x8xf32, #tpu.memory_space<hbm>>
          %dma_start3A_425 = arith.constant 0 : i32
          %dma_start3A_426 = arith.constant 0 : i32
          %dma_start3A_427 = tpu.memref_slice %arg35[%dma_start3A_425, %dma_start3A_426] : memref<632x8xf32, #tpu.memory_space<vmem>> -> memref<632x8xf32, #tpu.memory_space<vmem>>
          %dma_start3A_428 = arith.constant 0 : i32
          %dma_start3A_429 = tpu.memref_slice %arg2[%multiple_of3A_34, %dma_start3A_428] : memref<10000x16xf32, #tpu.memory_space<hbm>> -> memref<632x8xf32, #tpu.memory_space<hbm>>
          tpu.enqueue_dma source(%dma_start3A_429 : memref<632x8xf32, #tpu.memory_space<hbm>>) target(%dma_start3A_427 : memref<632x8xf32, #tpu.memory_space<vmem>>) target_semaphore(%run_scoped3A_419 : memref<!tpu.dma_semaphore, #tpu.memory_space<semaphore_mem>>)
          %dma_wait3A_430 = arith.constant 0 : i32
          %dma_wait3A_431 = arith.constant 0 : i32
          %dma_wait3A_432 = tpu.memref_slice %arg35[%dma_wait3A_430, %dma_wait3A_431] : memref<632x8xf32, #tpu.memory_space<vmem>> -> memref<632x8xf32, #tpu.memory_space<vmem>>
          %dma_wait3A_433 = arith.constant 0 : i32
          %dma_wait3A_434 = tpu.memref_slice %arg2[%multiple_of3A_34, %dma_wait3A_433] : memref<10000x16xf32, #tpu.memory_space<hbm>> -> memref<632x8xf32, #tpu.memory_space<hbm>>
          %dma_wait3A_435 = arith.constant 0 : i32
          %dma_wait3A_436 = arith.constant 0 : i32
          %dma_wait3A_437 = tpu.memref_slice %arg35[%dma_wait3A_435, %dma_wait3A_436] : memref<632x8xf32, #tpu.memory_space<vmem>> -> memref<632x8xf32, #tpu.memory_space<vmem>>
          %dma_wait3A_438 = arith.constant 0 : i32
          %dma_wait3A_439 = tpu.memref_slice %arg2[%multiple_of3A_34, %dma_wait3A_438] : memref<10000x16xf32, #tpu.memory_space<hbm>> -> memref<632x8xf32, #tpu.memory_space<hbm>>
          tpu.wait_dma2 semaphore(%run_scoped3A_419 : memref<!tpu.dma_semaphore, #tpu.memory_space<semaphore_mem>>) src(%dma_wait3A_439 : memref<632x8xf32, #tpu.memory_space<hbm>>) dst(%dma_wait3A_437 : memref<632x8xf32, #tpu.memory_space<vmem>>)
          tpu.yield
        }) : () -> ()
      } else {
      }
      %eq3A_414 = arith.constant 1 : i32
      %eq3A_415 = arith.cmpi eq, %arg0, %eq3A_414 : i32
      %convert_element_type3A_416 = arith.extui %eq3A_415 : i1 to i32
      %cond3A_417 = arith.constant 0 : i32
      %cond3A_418 = arith.cmpi ne, %convert_element_type3A_416, %cond3A_417 : i32
      scf.if %cond3A_418 {
        "tpu.region"() ({
          %run_scoped3A_419 = tpu.sem_alloc : memref<!tpu.dma_semaphore, #tpu.memory_space<semaphore_mem>>
          %dma_start3A_420 = arith.constant 0 : i32
          %dma_start3A_421 = arith.constant 0 : i32
          %dma_start3A_422 = tpu.memref_slice %arg35[%dma_start3A_420, %dma_start3A_421] : memref<632x8xf32, #tpu.memory_space<vmem>> -> memref<632x8xf32, #tpu.memory_space<vmem>>
          %dma_start3A_423 = arith.constant 8 : i32
          %dma_start3A_424 = tpu.memref_slice %arg2[%multiple_of3A_34, %dma_start3A_423] : memref<10000x16xf32, #tpu.memory_space<hbm>> -> memref<632x8xf32, #tpu.memory_space<hbm>>
          %dma_start3A_425 = arith.constant 0 : i32
          %dma_start3A_426 = arith.constant 0 : i32
          %dma_start3A_427 = tpu.memref_slice %arg35[%dma_start3A_425, %dma_start3A_426] : memref<632x8xf32, #tpu.memory_space<vmem>> -> memref<632x8xf32, #tpu.memory_space<vmem>>
          %dma_start3A_428 = arith.constant 8 : i32
          %dma_start3A_429 = tpu.memref_slice %arg2[%multiple_of3A_34, %dma_start3A_428] : memref<10000x16xf32, #tpu.memory_space<hbm>> -> memref<632x8xf32, #tpu.memory_space<hbm>>
          tpu.enqueue_dma source(%dma_start3A_429 : memref<632x8xf32, #tpu.memory_space<hbm>>) target(%dma_start3A_427 : memref<632x8xf32, #tpu.memory_space<vmem>>) target_semaphore(%run_scoped3A_419 : memref<!tpu.dma_semaphore, #tpu.memory_space<semaphore_mem>>)
          %dma_wait3A_430 = arith.constant 0 : i32
          %dma_wait3A_431 = arith.constant 0 : i32
          %dma_wait3A_432 = tpu.memref_slice %arg35[%dma_wait3A_430, %dma_wait3A_431] : memref<632x8xf32, #tpu.memory_space<vmem>> -> memref<632x8xf32, #tpu.memory_space<vmem>>
          %dma_wait3A_433 = arith.constant 8 : i32
          %dma_wait3A_434 = tpu.memref_slice %arg2[%multiple_of3A_34, %dma_wait3A_433] : memref<10000x16xf32, #tpu.memory_space<hbm>> -> memref<632x8xf32, #tpu.memory_space<hbm>>
          %dma_wait3A_435 = arith.constant 0 : i32
          %dma_wait3A_436 = arith.constant 0 : i32
          %dma_wait3A_437 = tpu.memref_slice %arg35[%dma_wait3A_435, %dma_wait3A_436] : memref<632x8xf32, #tpu.memory_space<vmem>> -> memref<632x8xf32, #tpu.memory_space<vmem>>
          %dma_wait3A_438 = arith.constant 8 : i32
          %dma_wait3A_439 = tpu.memref_slice %arg2[%multiple_of3A_34, %dma_wait3A_438] : memref<10000x16xf32, #tpu.memory_space<hbm>> -> memref<632x8xf32, #tpu.memory_space<hbm>>
          tpu.wait_dma2 semaphore(%run_scoped3A_419 : memref<!tpu.dma_semaphore, #tpu.memory_space<semaphore_mem>>) src(%dma_wait3A_439 : memref<632x8xf32, #tpu.memory_space<hbm>>) dst(%dma_wait3A_437 : memref<632x8xf32, #tpu.memory_space<vmem>>)
          tpu.yield
        }) : () -> ()
      } else {
      }
      "tpu.region"() ({
        %run_scoped3A_419 = tpu.sem_alloc : memref<!tpu.dma_semaphore, #tpu.memory_space<semaphore_mem>>
        %dma_start3A_420 = arith.constant 0 : i32
        %dma_start3A_421 = tpu.memref_slice %arg44[%multiple_of3A_37, %dma_start3A_420] : memref<10016x8xf32, #tpu.memory_space<vmem_shared>> -> memref<632x8xf32, #tpu.memory_space<vmem_shared>>
        %dma_start3A_422 = arith.constant 0 : i32
        %dma_start3A_423 = tpu.memref_slice %arg5[%multiple_of3A_37, %dma_start3A_422] : memref<10016x8xf32, #tpu.memory_space<hbm>> -> memref<632x8xf32, #tpu.memory_space<hbm>>
        tpu.enqueue_dma source(%dma_start3A_423 : memref<632x8xf32, #tpu.memory_space<hbm>>) target(%dma_start3A_421 : memref<632x8xf32, #tpu.memory_space<vmem_shared>>) target_semaphore(%run_scoped3A_419 : memref<!tpu.dma_semaphore, #tpu.memory_space<semaphore_mem>>)
        %dma_wait3A_424 = arith.constant 0 : i32
        %dma_wait3A_425 = tpu.memref_slice %arg44[%multiple_of3A_37, %dma_wait3A_424] : memref<10016x8xf32, #tpu.memory_space<vmem_shared>> -> memref<632x8xf32, #tpu.memory_space<vmem_shared>>
        %dma_wait3A_426 = arith.constant 0 : i32
        %dma_wait3A_427 = tpu.memref_slice %arg5[%multiple_of3A_37, %dma_wait3A_426] : memref<10016x8xf32, #tpu.memory_space<hbm>> -> memref<632x8xf32, #tpu.memory_space<hbm>>
        tpu.wait_dma2 semaphore(%run_scoped3A_419 : memref<!tpu.dma_semaphore, #tpu.memory_space<semaphore_mem>>) src(%dma_wait3A_427 : memref<632x8xf32, #tpu.memory_space<hbm>>) dst(%dma_wait3A_425 : memref<632x8xf32, #tpu.memory_space<vmem_shared>>)
        tpu.yield
      }) : () -> ()
    } else {
    }
    %eq3A_54 = arith.constant 15 : i32
    %eq3A_55 = arith.cmpi eq, %arg1, %eq3A_54 : i32
    %convert_element_type3A_56 = arith.extui %eq3A_55 : i1 to i32
    %cond3A_57 = arith.constant 0 : i32
    %cond3A_58 = arith.cmpi ne, %convert_element_type3A_56, %cond3A_57 : i32
    scf.if %cond3A_58 {
      %eq3A_409 = arith.constant 0 : i32
      %eq3A_410 = arith.cmpi eq, %arg0, %eq3A_409 : i32
      %convert_element_type3A_411 = arith.extui %eq3A_410 : i1 to i32
      %cond3A_412 = arith.constant 0 : i32
      %cond3A_413 = arith.cmpi ne, %convert_element_type3A_411, %cond3A_412 : i32
      scf.if %cond3A_413 {
        "tpu.region"() ({
          %run_scoped3A_419 = tpu.sem_alloc : memref<!tpu.dma_semaphore, #tpu.memory_space<semaphore_mem>>
          %dma_start3A_420 = arith.constant 0 : i32
          %dma_start3A_421 = arith.constant 0 : i32
          %dma_start3A_422 = tpu.memref_slice %arg35[%dma_start3A_420, %dma_start3A_421] : memref<632x8xf32, #tpu.memory_space<vmem>> -> memref<520x8xf32, #tpu.memory_space<vmem>>
          %dma_start3A_423 = arith.constant 0 : i32
          %dma_start3A_424 = tpu.memref_slice %arg2[%multiple_of3A_34, %dma_start3A_423] : memref<10000x16xf32, #tpu.memory_space<hbm>> -> memref<520x8xf32, #tpu.memory_space<hbm>>
          %dma_start3A_425 = arith.constant 0 : i32
          %dma_start3A_426 = arith.constant 0 : i32
          %dma_start3A_427 = tpu.memref_slice %arg35[%dma_start3A_425, %dma_start3A_426] : memref<632x8xf32, #tpu.memory_space<vmem>> -> memref<520x8xf32, #tpu.memory_space<vmem>>
          %dma_start3A_428 = arith.constant 0 : i32
          %dma_start3A_429 = tpu.memref_slice %arg2[%multiple_of3A_34, %dma_start3A_428] : memref<10000x16xf32, #tpu.memory_space<hbm>> -> memref<520x8xf32, #tpu.memory_space<hbm>>
          tpu.enqueue_dma source(%dma_start3A_429 : memref<520x8xf32, #tpu.memory_space<hbm>>) target(%dma_start3A_427 : memref<520x8xf32, #tpu.memory_space<vmem>>) target_semaphore(%run_scoped3A_419 : memref<!tpu.dma_semaphore, #tpu.memory_space<semaphore_mem>>)
          %dma_wait3A_430 = arith.constant 0 : i32
          %dma_wait3A_431 = arith.constant 0 : i32
          %dma_wait3A_432 = tpu.memref_slice %arg35[%dma_wait3A_430, %dma_wait3A_431] : memref<632x8xf32, #tpu.memory_space<vmem>> -> memref<520x8xf32, #tpu.memory_space<vmem>>
          %dma_wait3A_433 = arith.constant 0 : i32
          %dma_wait3A_434 = tpu.memref_slice %arg2[%multiple_of3A_34, %dma_wait3A_433] : memref<10000x16xf32, #tpu.memory_space<hbm>> -> memref<520x8xf32, #tpu.memory_space<hbm>>
          %dma_wait3A_435 = arith.constant 0 : i32
          %dma_wait3A_436 = arith.constant 0 : i32
          %dma_wait3A_437 = tpu.memref_slice %arg35[%dma_wait3A_435, %dma_wait3A_436] : memref<632x8xf32, #tpu.memory_space<vmem>> -> memref<520x8xf32, #tpu.memory_space<vmem>>
          %dma_wait3A_438 = arith.constant 0 : i32
          %dma_wait3A_439 = tpu.memref_slice %arg2[%multiple_of3A_34, %dma_wait3A_438] : memref<10000x16xf32, #tpu.memory_space<hbm>> -> memref<520x8xf32, #tpu.memory_space<hbm>>
          tpu.wait_dma2 semaphore(%run_scoped3A_419 : memref<!tpu.dma_semaphore, #tpu.memory_space<semaphore_mem>>) src(%dma_wait3A_439 : memref<520x8xf32, #tpu.memory_space<hbm>>) dst(%dma_wait3A_437 : memref<520x8xf32, #tpu.memory_space<vmem>>)
          tpu.yield
        }) : () -> ()
      } else {
      }
      %eq3A_414 = arith.constant 1 : i32
      %eq3A_415 = arith.cmpi eq, %arg0, %eq3A_414 : i32
      %convert_element_type3A_416 = arith.extui %eq3A_415 : i1 to i32
      %cond3A_417 = arith.constant 0 : i32
      %cond3A_418 = arith.cmpi ne, %convert_element_type3A_416, %cond3A_417 : i32
      scf.if %cond3A_418 {
        "tpu.region"() ({
          %run_scoped3A_419 = tpu.sem_alloc : memref<!tpu.dma_semaphore, #tpu.memory_space<semaphore_mem>>
          %dma_start3A_420 = arith.constant 0 : i32
          %dma_start3A_421 = arith.constant 0 : i32
          %dma_start3A_422 = tpu.memref_slice %arg35[%dma_start3A_420, %dma_start3A_421] : memref<632x8xf32, #tpu.memory_space<vmem>> -> memref<520x8xf32, #tpu.memory_space<vmem>>
          %dma_start3A_423 = arith.constant 8 : i32
          %dma_start3A_424 = tpu.memref_slice %arg2[%multiple_of3A_34, %dma_start3A_423] : memref<10000x16xf32, #tpu.memory_space<hbm>> -> memref<520x8xf32, #tpu.memory_space<hbm>>
          %dma_start3A_425 = arith.constant 0 : i32
          %dma_start3A_426 = arith.constant 0 : i32
          %dma_start3A_427 = tpu.memref_slice %arg35[%dma_start3A_425, %dma_start3A_426] : memref<632x8xf32, #tpu.memory_space<vmem>> -> memref<520x8xf32, #tpu.memory_space<vmem>>
          %dma_start3A_428 = arith.constant 8 : i32
          %dma_start3A_429 = tpu.memref_slice %arg2[%multiple_of3A_34, %dma_start3A_428] : memref<10000x16xf32, #tpu.memory_space<hbm>> -> memref<520x8xf32, #tpu.memory_space<hbm>>
          tpu.enqueue_dma source(%dma_start3A_429 : memref<520x8xf32, #tpu.memory_space<hbm>>) target(%dma_start3A_427 : memref<520x8xf32, #tpu.memory_space<vmem>>) target_semaphore(%run_scoped3A_419 : memref<!tpu.dma_semaphore, #tpu.memory_space<semaphore_mem>>)
          %dma_wait3A_430 = arith.constant 0 : i32
          %dma_wait3A_431 = arith.constant 0 : i32
          %dma_wait3A_432 = tpu.memref_slice %arg35[%dma_wait3A_430, %dma_wait3A_431] : memref<632x8xf32, #tpu.memory_space<vmem>> -> memref<520x8xf32, #tpu.memory_space<vmem>>
          %dma_wait3A_433 = arith.constant 8 : i32
          %dma_wait3A_434 = tpu.memref_slice %arg2[%multiple_of3A_34, %dma_wait3A_433] : memref<10000x16xf32, #tpu.memory_space<hbm>> -> memref<520x8xf32, #tpu.memory_space<hbm>>
          %dma_wait3A_435 = arith.constant 0 : i32
          %dma_wait3A_436 = arith.constant 0 : i32
          %dma_wait3A_437 = tpu.memref_slice %arg35[%dma_wait3A_435, %dma_wait3A_436] : memref<632x8xf32, #tpu.memory_space<vmem>> -> memref<520x8xf32, #tpu.memory_space<vmem>>
          %dma_wait3A_438 = arith.constant 8 : i32
          %dma_wait3A_439 = tpu.memref_slice %arg2[%multiple_of3A_34, %dma_wait3A_438] : memref<10000x16xf32, #tpu.memory_space<hbm>> -> memref<520x8xf32, #tpu.memory_space<hbm>>
          tpu.wait_dma2 semaphore(%run_scoped3A_419 : memref<!tpu.dma_semaphore, #tpu.memory_space<semaphore_mem>>) src(%dma_wait3A_439 : memref<520x8xf32, #tpu.memory_space<hbm>>) dst(%dma_wait3A_437 : memref<520x8xf32, #tpu.memory_space<vmem>>)
          tpu.yield
        }) : () -> ()
      } else {
      }
      "tpu.region"() ({
        %run_scoped3A_419 = tpu.sem_alloc : memref<!tpu.dma_semaphore, #tpu.memory_space<semaphore_mem>>
        %dma_start3A_420 = arith.constant 0 : i32
        %dma_start3A_421 = tpu.memref_slice %arg44[%multiple_of3A_37, %dma_start3A_420] : memref<10016x8xf32, #tpu.memory_space<vmem_shared>> -> memref<536x8xf32, #tpu.memory_space<vmem_shared>>
        %dma_start3A_422 = arith.constant 0 : i32
        %dma_start3A_423 = tpu.memref_slice %arg5[%multiple_of3A_37, %dma_start3A_422] : memref<10016x8xf32, #tpu.memory_space<hbm>> -> memref<536x8xf32, #tpu.memory_space<hbm>>
        tpu.enqueue_dma source(%dma_start3A_423 : memref<536x8xf32, #tpu.memory_space<hbm>>) target(%dma_start3A_421 : memref<536x8xf32, #tpu.memory_space<vmem_shared>>) target_semaphore(%run_scoped3A_419 : memref<!tpu.dma_semaphore, #tpu.memory_space<semaphore_mem>>)
        %dma_wait3A_424 = arith.constant 0 : i32
        %dma_wait3A_425 = tpu.memref_slice %arg44[%multiple_of3A_37, %dma_wait3A_424] : memref<10016x8xf32, #tpu.memory_space<vmem_shared>> -> memref<536x8xf32, #tpu.memory_space<vmem_shared>>
        %dma_wait3A_426 = arith.constant 0 : i32
        %dma_wait3A_427 = tpu.memref_slice %arg5[%multiple_of3A_37, %dma_wait3A_426] : memref<10016x8xf32, #tpu.memory_space<hbm>> -> memref<536x8xf32, #tpu.memory_space<hbm>>
        tpu.wait_dma2 semaphore(%run_scoped3A_419 : memref<!tpu.dma_semaphore, #tpu.memory_space<semaphore_mem>>) src(%dma_wait3A_427 : memref<536x8xf32, #tpu.memory_space<hbm>>) dst(%dma_wait3A_425 : memref<536x8xf32, #tpu.memory_space<vmem_shared>>)
        tpu.yield
      }) : () -> ()
    } else {
    }
    %scan3A_59 = arith.constant 0 : i32
    %scan3A_60 = arith.constant 0 : i32
    %scan3A_61 = arith.constant 160 : i32
    %scan3A_62 = arith.addi %scan3A_60, %scan3A_61 : i32
    %scan3A_63 = arith.constant 1 : i32
    scf.for %scan3A_409 = %scan3A_60 to %scan3A_62 step %scan3A_63  : i32 {
      %dma_wait3A_410 = arith.constant 0 : i32
      %dma_wait3A_411 = arith.constant 0 : i32
      %dma_wait3A_412 = tpu.memref_slice %arg9[%dma_wait3A_410, %dma_wait3A_411] : memref<160x128xi32, #tpu.memory_space<vmem>> -> memref<1x128xi32, #tpu.memory_space<vmem>>
      %dma_wait3A_413 = tpu.memref_squeeze %dma_wait3A_412 : memref<1x128xi32, #tpu.memory_space<vmem>> -> memref<128xi32, #tpu.memory_space<vmem>>
      %dma_wait3A_414 = arith.constant 0 : i32
      %dma_wait3A_415 = tpu.memref_slice %arg45[%dma_wait3A_414] : memref<10016xf32, #tpu.memory_space<vmem_shared>> -> memref<10016xf32, #tpu.memory_space<vmem_shared>>
      tpu.wait_indirect_dma semaphore(%arg41 : memref<!tpu.dma_semaphore, #tpu.memory_space<semaphore_mem>>) src(%arg39 : memref<128xf32, #tpu.memory_space<vmem>>) dst(%dma_wait3A_415 : memref<10016xf32, #tpu.memory_space<vmem_shared>>)
    }
    %scan3A_64 = arith.constant 160 : i32
    %barrier3A_65 = arith.constant 0 : index
    tpu.barrier barrier_id(%barrier3A_65)
    %lt3A_66 = arith.constant 15 : i32
    %lt3A_67 = arith.cmpi slt, %arg1, %lt3A_66 : i32
    %convert_element_type3A_68 = arith.extui %lt3A_67 : i1 to i32
    %cond3A_69 = arith.constant 0 : i32
    %cond3A_70 = arith.cmpi ne, %convert_element_type3A_68, %cond3A_69 : i32
    scf.if %cond3A_70 {
      "tpu.region"() ({
        %run_scoped3A_409 = tpu.sem_alloc : memref<!tpu.dma_semaphore, #tpu.memory_space<semaphore_mem>>
        %dma_start3A_410 = arith.constant 0 : i32
        %dma_start3A_411 = tpu.memref_slice %arg40[%dma_start3A_410] : memref<640xf32, #tpu.memory_space<vmem>> -> memref<632xf32, #tpu.memory_space<vmem>>
        %dma_start3A_412 = tpu.memref_slice %arg45[%multiple_of3A_34] : memref<10016xf32, #tpu.memory_space<vmem_shared>> -> memref<632xf32, #tpu.memory_space<vmem_shared>>
        %dma_start3A_413 = arith.constant 0 : i32
        %dma_start3A_414 = tpu.memref_slice %arg40[%dma_start3A_413] : memref<640xf32, #tpu.memory_space<vmem>> -> memref<632xf32, #tpu.memory_space<vmem>>
        %dma_start3A_415 = tpu.memref_slice %arg45[%multiple_of3A_34] : memref<10016xf32, #tpu.memory_space<vmem_shared>> -> memref<632xf32, #tpu.memory_space<vmem_shared>>
        tpu.enqueue_dma source(%dma_start3A_415 : memref<632xf32, #tpu.memory_space<vmem_shared>>) target(%dma_start3A_414 : memref<632xf32, #tpu.memory_space<vmem>>) target_semaphore(%run_scoped3A_409 : memref<!tpu.dma_semaphore, #tpu.memory_space<semaphore_mem>>)
        %dma_wait3A_416 = arith.constant 0 : i32
        %dma_wait3A_417 = tpu.memref_slice %arg40[%dma_wait3A_416] : memref<640xf32, #tpu.memory_space<vmem>> -> memref<632xf32, #tpu.memory_space<vmem>>
        %dma_wait3A_418 = tpu.memref_slice %arg45[%multiple_of3A_34] : memref<10016xf32, #tpu.memory_space<vmem_shared>> -> memref<632xf32, #tpu.memory_space<vmem_shared>>
        %dma_wait3A_419 = arith.constant 0 : i32
        %dma_wait3A_420 = tpu.memref_slice %arg40[%dma_wait3A_419] : memref<640xf32, #tpu.memory_space<vmem>> -> memref<632xf32, #tpu.memory_space<vmem>>
        %dma_wait3A_421 = tpu.memref_slice %arg45[%multiple_of3A_34] : memref<10016xf32, #tpu.memory_space<vmem_shared>> -> memref<632xf32, #tpu.memory_space<vmem_shared>>
        tpu.wait_dma2 semaphore(%run_scoped3A_409 : memref<!tpu.dma_semaphore, #tpu.memory_space<semaphore_mem>>) src(%dma_wait3A_421 : memref<632xf32, #tpu.memory_space<vmem_shared>>) dst(%dma_wait3A_420 : memref<632xf32, #tpu.memory_space<vmem>>)
        tpu.yield
      }) : () -> ()
    } else {
    }
    %eq3A_71 = arith.constant 15 : i32
    %eq3A_72 = arith.cmpi eq, %arg1, %eq3A_71 : i32
    %convert_element_type3A_73 = arith.extui %eq3A_72 : i1 to i32
    %cond3A_74 = arith.constant 0 : i32
    %cond3A_75 = arith.cmpi ne, %convert_element_type3A_73, %cond3A_74 : i32
    scf.if %cond3A_75 {
      "tpu.region"() ({
        %run_scoped3A_409 = tpu.sem_alloc : memref<!tpu.dma_semaphore, #tpu.memory_space<semaphore_mem>>
        %dma_start3A_410 = arith.constant 0 : i32
        %dma_start3A_411 = tpu.memref_slice %arg40[%dma_start3A_410] : memref<640xf32, #tpu.memory_space<vmem>> -> memref<520xf32, #tpu.memory_space<vmem>>
        %dma_start3A_412 = tpu.memref_slice %arg45[%multiple_of3A_34] : memref<10016xf32, #tpu.memory_space<vmem_shared>> -> memref<520xf32, #tpu.memory_space<vmem_shared>>
        %dma_start3A_413 = arith.constant 0 : i32
        %dma_start3A_414 = tpu.memref_slice %arg40[%dma_start3A_413] : memref<640xf32, #tpu.memory_space<vmem>> -> memref<520xf32, #tpu.memory_space<vmem>>
        %dma_start3A_415 = tpu.memref_slice %arg45[%multiple_of3A_34] : memref<10016xf32, #tpu.memory_space<vmem_shared>> -> memref<520xf32, #tpu.memory_space<vmem_shared>>
        tpu.enqueue_dma source(%dma_start3A_415 : memref<520xf32, #tpu.memory_space<vmem_shared>>) target(%dma_start3A_414 : memref<520xf32, #tpu.memory_space<vmem>>) target_semaphore(%run_scoped3A_409 : memref<!tpu.dma_semaphore, #tpu.memory_space<semaphore_mem>>)
        %dma_wait3A_416 = arith.constant 0 : i32
        %dma_wait3A_417 = tpu.memref_slice %arg40[%dma_wait3A_416] : memref<640xf32, #tpu.memory_space<vmem>> -> memref<520xf32, #tpu.memory_space<vmem>>
        %dma_wait3A_418 = tpu.memref_slice %arg45[%multiple_of3A_34] : memref<10016xf32, #tpu.memory_space<vmem_shared>> -> memref<520xf32, #tpu.memory_space<vmem_shared>>
        %dma_wait3A_419 = arith.constant 0 : i32
        %dma_wait3A_420 = tpu.memref_slice %arg40[%dma_wait3A_419] : memref<640xf32, #tpu.memory_space<vmem>> -> memref<520xf32, #tpu.memory_space<vmem>>
        %dma_wait3A_421 = tpu.memref_slice %arg45[%multiple_of3A_34] : memref<10016xf32, #tpu.memory_space<vmem_shared>> -> memref<520xf32, #tpu.memory_space<vmem_shared>>
        tpu.wait_dma2 semaphore(%run_scoped3A_409 : memref<!tpu.dma_semaphore, #tpu.memory_space<semaphore_mem>>) src(%dma_wait3A_421 : memref<520xf32, #tpu.memory_space<vmem_shared>>) dst(%dma_wait3A_420 : memref<520xf32, #tpu.memory_space<vmem>>)
        tpu.yield
      }) : () -> ()
    } else {
    }
    %broadcast_in_dim3A_76 = arith.constant 1597463007 : i32
    %broadcast_in_dim3A_77 = vector.broadcast %broadcast_in_dim3A_76 : i32 to vector<16xi32>
    %scan3A_78 = arith.constant 0 : i32
    %scan3A_79 = arith.constant 0 : i32
    %scan3A_80 = arith.constant 40 : i32
    %scan3A_81 = arith.addi %scan3A_79, %scan3A_80 : i32
    %scan3A_82 = arith.constant 1 : i32
    scf.for %scan3A_409 = %scan3A_79 to %scan3A_81 step %scan3A_82  : i32 {
      %mul3A_410 = arith.constant 16 : i32
      %mul3A_411 = arith.muli %scan3A_409, %mul3A_410 : i32
      %get3A_412 = arith.index_cast %mul3A_411 : i32 to index
      %get3A_413 = tpu.vector_load %arg40[%get3A_412] {strides = array<i32>} : memref<640xf32, #tpu.memory_space<vmem>>, vector<16xf32>,
      %add3A = arith.constant 1.000000e+00 : f32
      %add3A_414 = vector.broadcast %add3A : f32 to vector<16xf32>
      %add3A_415 = arith.addf %get3A_413, %add3A_414 : vector<16xf32>
      %bitcast3A = vector.bitcast %add3A_415 : vector<16xf32> to vector<16xi32>
      %shift_right_logical3A_416 = arith.constant 1 : i32
      %shift_right_logical3A_417 = vector.broadcast %shift_right_logical3A_416 : i32 to vector<16xi32>
      %shift_right_logical3A_418 = arith.shrui %bitcast3A, %shift_right_logical3A_417 : vector<16xi32>
      %sub3A = arith.subi %broadcast_in_dim3A_77, %shift_right_logical3A_418 : vector<16xi32>
      %bitcast3A_419 = vector.bitcast %sub3A : vector<16xi32> to vector<16xf32>
      %mul3A_420 = arith.constant 5.000000e-01 : f32
      %mul3A_421 = vector.broadcast %mul3A_420 : f32 to vector<16xf32>
      %mul3A_422 = arith.mulf %mul3A_421, %add3A_415 : vector<16xf32>
      %mul3A_423 = arith.mulf %mul3A_422, %bitcast3A_419 : vector<16xf32>
      %mul3A_424 = arith.mulf %mul3A_423, %bitcast3A_419 : vector<16xf32>
      %sub3A_425 = arith.constant 1.500000e+00 : f32
      %sub3A_426 = vector.broadcast %sub3A_425 : f32 to vector<16xf32>
      %sub3A_427 = arith.subf %sub3A_426, %mul3A_424 : vector<16xf32>
      %mul3A_428 = arith.mulf %bitcast3A_419, %sub3A_427 : vector<16xf32>
      %mul3A_429 = arith.constant 5.000000e-01 : f32
      %mul3A_430 = vector.broadcast %mul3A_429 : f32 to vector<16xf32>
      %mul3A_431 = arith.mulf %mul3A_430, %add3A_415 : vector<16xf32>
      %mul3A_432 = arith.mulf %mul3A_431, %mul3A_428 : vector<16xf32>
      %mul3A_433 = arith.mulf %mul3A_432, %mul3A_428 : vector<16xf32>
      %sub3A_434 = arith.constant 1.500000e+00 : f32
      %sub3A_435 = vector.broadcast %sub3A_434 : f32 to vector<16xf32>
      %sub3A_436 = arith.subf %sub3A_435, %mul3A_433 : vector<16xf32>
      %mul3A_437 = arith.mulf %mul3A_428, %sub3A_436 : vector<16xf32>
      %mul3A_438 = arith.constant 5.000000e-01 : f32
      %mul3A_439 = vector.broadcast %mul3A_438 : f32 to vector<16xf32>
      %mul3A_440 = arith.mulf %mul3A_439, %add3A_415 : vector<16xf32>
      %mul3A_441 = arith.mulf %mul3A_440, %mul3A_437 : vector<16xf32>
      %mul3A_442 = arith.mulf %mul3A_441, %mul3A_437 : vector<16xf32>
      %sub3A_443 = arith.constant 1.500000e+00 : f32
      %sub3A_444 = vector.broadcast %sub3A_443 : f32 to vector<16xf32>
      %sub3A_445 = arith.subf %sub3A_444, %mul3A_442 : vector<16xf32>
      %mul3A_446 = arith.mulf %mul3A_437, %sub3A_445 : vector<16xf32>
      %mul3A_447 = arith.constant 16 : i32
      %mul3A_448 = arith.muli %scan3A_409, %mul3A_447 : i32
      %swap3A_449 = arith.index_cast %mul3A_448 : i32 to index
      %swap3A_450 = tpu.vector_load %arg40[%swap3A_449] {strides = array<i32>} : memref<640xf32, #tpu.memory_space<vmem>>, vector<16xf32>,
      tpu.vector_store %arg40[%swap3A_449], %mul3A_446 {strides = array<i32>} : memref<640xf32, #tpu.memory_space<vmem>>, vector<16xf32>,
    }
    %scan3A_83 = arith.constant 40 : i32
    %iota3A = tpu.iota {dimensions = array<i32: 0>} : vector<16xi32>
    %shift_right_logical3A = arith.constant 3 : i32
    %shift_right_logical3A_84 = vector.broadcast %shift_right_logical3A : i32 to vector<16xi32>
    %shift_right_logical3A_85 = arith.shrui %iota3A, %shift_right_logical3A_84 : vector<16xi32>
    %broadcast_in_dim3A_86 = arith.constant 7 : i32
    %broadcast_in_dim3A_87 = vector.broadcast %broadcast_in_dim3A_86 : i32 to vector<16xi32>
    %and3A = arith.andi %iota3A, %broadcast_in_dim3A_87 : vector<16xi32>
    %eq3A_88 = arith.constant 15 : i32
    %eq3A_89 = arith.cmpi eq, %arg1, %eq3A_88 : i32
    %jit3A = arith.constant 260 : i32
    %jit3A_90 = arith.constant 316 : i32
    %select_n3A = arith.select %eq3A_89, %jit3A, %jit3A_90 : i32
    %while3A = arith.constant 0 : i32
    %while3A_91 = arith.constant 0 : i32
    %while3A_92 = arith.subi %select_n3A, %while3A_91 : i32
    %while3A_93 = arith.addi %while3A_91, %while3A_92 : i32
    %while3A_94 = arith.constant 1 : i32
    %while3A_95 = arith.divsi %while3A_92, %while3A_94 : i32
    %while3A_96 = arith.muli %while3A_95, %while3A_94 : i32
    %while3A_97 = arith.addi %while3A_91, %while3A_96 : i32
    %while3A_98 = arith.constant 1 : i32
    scf.for %while3A_409 = %while3A_91 to %while3A_97 step %while3A_98  : i32 {
      %mul3A_410 = arith.constant 2 : i32
      %mul3A_411 = arith.muli %mul3A_410, %while3A_409 : i32
      %add3A = vector.broadcast %mul3A_411 : i32 to vector<16xi32>
      %add3A_412 = arith.addi %shift_right_logical3A_85, %add3A : vector<16xi32>
      %gather3A = tpu.vector_load_idx %arg40[%add3A_412] : memref<640xf32, #tpu.memory_space<vmem>>[vector<16xi32>], vector<16xf32>,
      %gather3A_413 = tpu.vector_load_idx %arg35[%add3A_412, %and3A] : memref<632x8xf32, #tpu.memory_space<vmem>>[vector<16xi32>, vector<16xi32>], vector<16xf32>,
      %mul3A_414 = arith.mulf %gather3A_413, %gather3A : vector<16xf32>
      tpu.vector_store_idx %arg37[%add3A_412, %and3A], %mul3A_414 : memref<632x8xf32, #tpu.memory_space<vmem>>[vector<16xi32>, vector<16xi32>], vector<16xf32>,
    }
    %while3A_99 = arith.constant 1 : i32
    scf.for %while3A_409 = %while3A_97 to %while3A_93 step %while3A_99  : i32 {
      %mul3A_410 = arith.constant 2 : i32
      %mul3A_411 = arith.muli %mul3A_410, %while3A_409 : i32
      %add3A = vector.broadcast %mul3A_411 : i32 to vector<16xi32>
      %add3A_412 = arith.addi %shift_right_logical3A_85, %add3A : vector<16xi32>
      %gather3A = tpu.vector_load_idx %arg40[%add3A_412] : memref<640xf32, #tpu.memory_space<vmem>>[vector<16xi32>], vector<16xf32>,
      %gather3A_413 = tpu.vector_load_idx %arg35[%add3A_412, %and3A] : memref<632x8xf32, #tpu.memory_space<vmem>>[vector<16xi32>, vector<16xi32>], vector<16xf32>,
      %mul3A_414 = arith.mulf %gather3A_413, %gather3A : vector<16xf32>
      tpu.vector_store_idx %arg37[%add3A_412, %and3A], %mul3A_414 : memref<632x8xf32, #tpu.memory_space<vmem>>[vector<16xi32>, vector<16xi32>], vector<16xf32>,
    }
    %lt3A_100 = arith.constant 15 : i32
    %lt3A_101 = arith.cmpi slt, %arg1, %lt3A_100 : i32
    %convert_element_type3A_102 = arith.extui %lt3A_101 : i1 to i32
    %cond3A_103 = arith.constant 0 : i32
    %cond3A_104 = arith.cmpi ne, %convert_element_type3A_102, %cond3A_103 : i32
    scf.if %cond3A_104 {
      "tpu.region"() ({
        %run_scoped3A_409 = tpu.sem_alloc : memref<!tpu.dma_semaphore, #tpu.memory_space<semaphore_mem>>
        %dma_start3A_410 = arith.constant 0 : i32
        %dma_start3A_411 = arith.constant 0 : i32
        %dma_start3A_412 = tpu.memref_slice %arg37[%dma_start3A_410, %dma_start3A_411] : memref<632x8xf32, #tpu.memory_space<vmem>> -> memref<632x8xf32, #tpu.memory_space<vmem>>
        %dma_start3A_413 = arith.constant 0 : i32
        %dma_start3A_414 = tpu.memref_slice %arg42[%multiple_of3A_34, %dma_start3A_413] : memref<10000x8xf32, #tpu.memory_space<vmem_shared>> -> memref<632x8xf32, #tpu.memory_space<vmem_shared>>
        %dma_start3A_415 = arith.constant 0 : i32
        %dma_start3A_416 = tpu.memref_slice %arg42[%multiple_of3A_34, %dma_start3A_415] : memref<10000x8xf32, #tpu.memory_space<vmem_shared>> -> memref<632x8xf32, #tpu.memory_space<vmem_shared>>
        %dma_start3A_417 = arith.constant 0 : i32
        %dma_start3A_418 = arith.constant 0 : i32
        %dma_start3A_419 = tpu.memref_slice %arg37[%dma_start3A_417, %dma_start3A_418] : memref<632x8xf32, #tpu.memory_space<vmem>> -> memref<632x8xf32, #tpu.memory_space<vmem>>
        tpu.enqueue_dma source(%dma_start3A_419 : memref<632x8xf32, #tpu.memory_space<vmem>>) target(%dma_start3A_416 : memref<632x8xf32, #tpu.memory_space<vmem_shared>>) target_semaphore(%run_scoped3A_409 : memref<!tpu.dma_semaphore, #tpu.memory_space<semaphore_mem>>)
        %dma_wait3A_420 = arith.constant 0 : i32
        %dma_wait3A_421 = arith.constant 0 : i32
        %dma_wait3A_422 = tpu.memref_slice %arg37[%dma_wait3A_420, %dma_wait3A_421] : memref<632x8xf32, #tpu.memory_space<vmem>> -> memref<632x8xf32, #tpu.memory_space<vmem>>
        %dma_wait3A_423 = arith.constant 0 : i32
        %dma_wait3A_424 = tpu.memref_slice %arg42[%multiple_of3A_34, %dma_wait3A_423] : memref<10000x8xf32, #tpu.memory_space<vmem_shared>> -> memref<632x8xf32, #tpu.memory_space<vmem_shared>>
        %dma_wait3A_425 = arith.constant 0 : i32
        %dma_wait3A_426 = tpu.memref_slice %arg42[%multiple_of3A_34, %dma_wait3A_425] : memref<10000x8xf32, #tpu.memory_space<vmem_shared>> -> memref<632x8xf32, #tpu.memory_space<vmem_shared>>
        %dma_wait3A_427 = arith.constant 0 : i32
        %dma_wait3A_428 = arith.constant 0 : i32
        %dma_wait3A_429 = tpu.memref_slice %arg37[%dma_wait3A_427, %dma_wait3A_428] : memref<632x8xf32, #tpu.memory_space<vmem>> -> memref<632x8xf32, #tpu.memory_space<vmem>>
        tpu.wait_dma2 semaphore(%run_scoped3A_409 : memref<!tpu.dma_semaphore, #tpu.memory_space<semaphore_mem>>) src(%dma_wait3A_429 : memref<632x8xf32, #tpu.memory_space<vmem>>) dst(%dma_wait3A_426 : memref<632x8xf32, #tpu.memory_space<vmem_shared>>)
        tpu.yield
      }) : () -> ()
    } else {
    }
    %eq3A_105 = arith.constant 15 : i32
    %eq3A_106 = arith.cmpi eq, %arg1, %eq3A_105 : i32
    %convert_element_type3A_107 = arith.extui %eq3A_106 : i1 to i32
    %cond3A_108 = arith.constant 0 : i32
    %cond3A_109 = arith.cmpi ne, %convert_element_type3A_107, %cond3A_108 : i32
    scf.if %cond3A_109 {
      "tpu.region"() ({
        %run_scoped3A_409 = tpu.sem_alloc : memref<!tpu.dma_semaphore, #tpu.memory_space<semaphore_mem>>
        %dma_start3A_410 = arith.constant 0 : i32
        %dma_start3A_411 = arith.constant 0 : i32
        %dma_start3A_412 = tpu.memref_slice %arg37[%dma_start3A_410, %dma_start3A_411] : memref<632x8xf32, #tpu.memory_space<vmem>> -> memref<520x8xf32, #tpu.memory_space<vmem>>
        %dma_start3A_413 = arith.constant 0 : i32
        %dma_start3A_414 = tpu.memref_slice %arg42[%multiple_of3A_34, %dma_start3A_413] : memref<10000x8xf32, #tpu.memory_space<vmem_shared>> -> memref<520x8xf32, #tpu.memory_space<vmem_shared>>
        %dma_start3A_415 = arith.constant 0 : i32
        %dma_start3A_416 = tpu.memref_slice %arg42[%multiple_of3A_34, %dma_start3A_415] : memref<10000x8xf32, #tpu.memory_space<vmem_shared>> -> memref<520x8xf32, #tpu.memory_space<vmem_shared>>
        %dma_start3A_417 = arith.constant 0 : i32
        %dma_start3A_418 = arith.constant 0 : i32
        %dma_start3A_419 = tpu.memref_slice %arg37[%dma_start3A_417, %dma_start3A_418] : memref<632x8xf32, #tpu.memory_space<vmem>> -> memref<520x8xf32, #tpu.memory_space<vmem>>
        tpu.enqueue_dma source(%dma_start3A_419 : memref<520x8xf32, #tpu.memory_space<vmem>>) target(%dma_start3A_416 : memref<520x8xf32, #tpu.memory_space<vmem_shared>>) target_semaphore(%run_scoped3A_409 : memref<!tpu.dma_semaphore, #tpu.memory_space<semaphore_mem>>)
        %dma_wait3A_420 = arith.constant 0 : i32
        %dma_wait3A_421 = arith.constant 0 : i32
        %dma_wait3A_422 = tpu.memref_slice %arg37[%dma_wait3A_420, %dma_wait3A_421] : memref<632x8xf32, #tpu.memory_space<vmem>> -> memref<520x8xf32, #tpu.memory_space<vmem>>
        %dma_wait3A_423 = arith.constant 0 : i32
        %dma_wait3A_424 = tpu.memref_slice %arg42[%multiple_of3A_34, %dma_wait3A_423] : memref<10000x8xf32, #tpu.memory_space<vmem_shared>> -> memref<520x8xf32, #tpu.memory_space<vmem_shared>>
        %dma_wait3A_425 = arith.constant 0 : i32
        %dma_wait3A_426 = tpu.memref_slice %arg42[%multiple_of3A_34, %dma_wait3A_425] : memref<10000x8xf32, #tpu.memory_space<vmem_shared>> -> memref<520x8xf32, #tpu.memory_space<vmem_shared>>
        %dma_wait3A_427 = arith.constant 0 : i32
        %dma_wait3A_428 = arith.constant 0 : i32
        %dma_wait3A_429 = tpu.memref_slice %arg37[%dma_wait3A_427, %dma_wait3A_428] : memref<632x8xf32, #tpu.memory_space<vmem>> -> memref<520x8xf32, #tpu.memory_space<vmem>>
        tpu.wait_dma2 semaphore(%run_scoped3A_409 : memref<!tpu.dma_semaphore, #tpu.memory_space<semaphore_mem>>) src(%dma_wait3A_429 : memref<520x8xf32, #tpu.memory_space<vmem>>) dst(%dma_wait3A_426 : memref<520x8xf32, #tpu.memory_space<vmem_shared>>)
        tpu.yield
      }) : () -> ()
    } else {
    }
    %barrier3A_110 = arith.constant 0 : index
    tpu.barrier barrier_id(%barrier3A_110)
    %dma_start3A = arith.constant 0 : i32
    %dma_start3A_111 = arith.constant 0 : i32
    %dma_start3A_112 = tpu.memref_slice %arg8[%dma_start3A, %dma_start3A_111] : memref<160x128xi32, #tpu.memory_space<vmem>> -> memref<1x128xi32, #tpu.memory_space<vmem>>
    %dma_start3A_113 = tpu.memref_squeeze %dma_start3A_112 : memref<1x128xi32, #tpu.memory_space<vmem>> -> memref<128xi32, #tpu.memory_space<vmem>>
    %dma_start3A_114 = arith.constant 0 : i32
    %dma_start3A_115 = arith.constant 0 : i32
    %dma_start3A_116 = tpu.memref_slice %arg42[%dma_start3A_114, %dma_start3A_115] : memref<10000x8xf32, #tpu.memory_space<vmem_shared>> -> memref<10000x8xf32, #tpu.memory_space<vmem_shared>>
    tpu.enqueue_indirect_dma source(%dma_start3A_116 : memref<10000x8xf32, #tpu.memory_space<vmem_shared>>) target(%arg10 : memref<128x8xf32, #tpu.memory_space<vmem>>) offsets(%dma_start3A_113 : memref<128xi32, #tpu.memory_space<vmem>>) semaphore(%arg18 : memref<!tpu.dma_semaphore, #tpu.memory_space<semaphore_mem>>)
    %dma_start3A_117 = arith.constant 1 : i32
    %dma_start3A_118 = arith.constant 0 : i32
    %dma_start3A_119 = tpu.memref_slice %arg8[%dma_start3A_117, %dma_start3A_118] : memref<160x128xi32, #tpu.memory_space<vmem>> -> memref<1x128xi32, #tpu.memory_space<vmem>>
    %dma_start3A_120 = tpu.memref_squeeze %dma_start3A_119 : memref<1x128xi32, #tpu.memory_space<vmem>> -> memref<128xi32, #tpu.memory_space<vmem>>
    %dma_start3A_121 = arith.constant 0 : i32
    %dma_start3A_122 = arith.constant 0 : i32
    %dma_start3A_123 = tpu.memref_slice %arg42[%dma_start3A_121, %dma_start3A_122] : memref<10000x8xf32, #tpu.memory_space<vmem_shared>> -> memref<10000x8xf32, #tpu.memory_space<vmem_shared>>
    tpu.enqueue_indirect_dma source(%dma_start3A_123 : memref<10000x8xf32, #tpu.memory_space<vmem_shared>>) target(%arg11 : memref<128x8xf32, #tpu.memory_space<vmem>>) offsets(%dma_start3A_120 : memref<128xi32, #tpu.memory_space<vmem>>) semaphore(%arg19 : memref<!tpu.dma_semaphore, #tpu.memory_space<semaphore_mem>>)
    %dma_start3A_124 = arith.constant 2 : i32
    %dma_start3A_125 = arith.constant 0 : i32
    %dma_start3A_126 = tpu.memref_slice %arg8[%dma_start3A_124, %dma_start3A_125] : memref<160x128xi32, #tpu.memory_space<vmem>> -> memref<1x128xi32, #tpu.memory_space<vmem>>
    %dma_start3A_127 = tpu.memref_squeeze %dma_start3A_126 : memref<1x128xi32, #tpu.memory_space<vmem>> -> memref<128xi32, #tpu.memory_space<vmem>>
    %dma_start3A_128 = arith.constant 0 : i32
    %dma_start3A_129 = arith.constant 0 : i32
    %dma_start3A_130 = tpu.memref_slice %arg42[%dma_start3A_128, %dma_start3A_129] : memref<10000x8xf32, #tpu.memory_space<vmem_shared>> -> memref<10000x8xf32, #tpu.memory_space<vmem_shared>>
    tpu.enqueue_indirect_dma source(%dma_start3A_130 : memref<10000x8xf32, #tpu.memory_space<vmem_shared>>) target(%arg12 : memref<128x8xf32, #tpu.memory_space<vmem>>) offsets(%dma_start3A_127 : memref<128xi32, #tpu.memory_space<vmem>>) semaphore(%arg20 : memref<!tpu.dma_semaphore, #tpu.memory_space<semaphore_mem>>)
    %dma_start3A_131 = arith.constant 3 : i32
    %dma_start3A_132 = arith.constant 0 : i32
    %dma_start3A_133 = tpu.memref_slice %arg8[%dma_start3A_131, %dma_start3A_132] : memref<160x128xi32, #tpu.memory_space<vmem>> -> memref<1x128xi32, #tpu.memory_space<vmem>>
    %dma_start3A_134 = tpu.memref_squeeze %dma_start3A_133 : memref<1x128xi32, #tpu.memory_space<vmem>> -> memref<128xi32, #tpu.memory_space<vmem>>
    %dma_start3A_135 = arith.constant 0 : i32
    %dma_start3A_136 = arith.constant 0 : i32
    %dma_start3A_137 = tpu.memref_slice %arg42[%dma_start3A_135, %dma_start3A_136] : memref<10000x8xf32, #tpu.memory_space<vmem_shared>> -> memref<10000x8xf32, #tpu.memory_space<vmem_shared>>
    tpu.enqueue_indirect_dma source(%dma_start3A_137 : memref<10000x8xf32, #tpu.memory_space<vmem_shared>>) target(%arg13 : memref<128x8xf32, #tpu.memory_space<vmem>>) offsets(%dma_start3A_134 : memref<128xi32, #tpu.memory_space<vmem>>) semaphore(%arg21 : memref<!tpu.dma_semaphore, #tpu.memory_space<semaphore_mem>>)
    %dma_start3A_138 = arith.constant 4 : i32
    %dma_start3A_139 = arith.constant 0 : i32
    %dma_start3A_140 = tpu.memref_slice %arg8[%dma_start3A_138, %dma_start3A_139] : memref<160x128xi32, #tpu.memory_space<vmem>> -> memref<1x128xi32, #tpu.memory_space<vmem>>
    %dma_start3A_141 = tpu.memref_squeeze %dma_start3A_140 : memref<1x128xi32, #tpu.memory_space<vmem>> -> memref<128xi32, #tpu.memory_space<vmem>>
    %dma_start3A_142 = arith.constant 0 : i32
    %dma_start3A_143 = arith.constant 0 : i32
    %dma_start3A_144 = tpu.memref_slice %arg42[%dma_start3A_142, %dma_start3A_143] : memref<10000x8xf32, #tpu.memory_space<vmem_shared>> -> memref<10000x8xf32, #tpu.memory_space<vmem_shared>>
    tpu.enqueue_indirect_dma source(%dma_start3A_144 : memref<10000x8xf32, #tpu.memory_space<vmem_shared>>) target(%arg14 : memref<128x8xf32, #tpu.memory_space<vmem>>) offsets(%dma_start3A_141 : memref<128xi32, #tpu.memory_space<vmem>>) semaphore(%arg22 : memref<!tpu.dma_semaphore, #tpu.memory_space<semaphore_mem>>)
    %dma_start3A_145 = arith.constant 5 : i32
    %dma_start3A_146 = arith.constant 0 : i32
    %dma_start3A_147 = tpu.memref_slice %arg8[%dma_start3A_145, %dma_start3A_146] : memref<160x128xi32, #tpu.memory_space<vmem>> -> memref<1x128xi32, #tpu.memory_space<vmem>>
    %dma_start3A_148 = tpu.memref_squeeze %dma_start3A_147 : memref<1x128xi32, #tpu.memory_space<vmem>> -> memref<128xi32, #tpu.memory_space<vmem>>
    %dma_start3A_149 = arith.constant 0 : i32
    %dma_start3A_150 = arith.constant 0 : i32
    %dma_start3A_151 = tpu.memref_slice %arg42[%dma_start3A_149, %dma_start3A_150] : memref<10000x8xf32, #tpu.memory_space<vmem_shared>> -> memref<10000x8xf32, #tpu.memory_space<vmem_shared>>
    tpu.enqueue_indirect_dma source(%dma_start3A_151 : memref<10000x8xf32, #tpu.memory_space<vmem_shared>>) target(%arg15 : memref<128x8xf32, #tpu.memory_space<vmem>>) offsets(%dma_start3A_148 : memref<128xi32, #tpu.memory_space<vmem>>) semaphore(%arg23 : memref<!tpu.dma_semaphore, #tpu.memory_space<semaphore_mem>>)
    %dma_start3A_152 = arith.constant 6 : i32
    %dma_start3A_153 = arith.constant 0 : i32
    %dma_start3A_154 = tpu.memref_slice %arg8[%dma_start3A_152, %dma_start3A_153] : memref<160x128xi32, #tpu.memory_space<vmem>> -> memref<1x128xi32, #tpu.memory_space<vmem>>
    %dma_start3A_155 = tpu.memref_squeeze %dma_start3A_154 : memref<1x128xi32, #tpu.memory_space<vmem>> -> memref<128xi32, #tpu.memory_space<vmem>>
    %dma_start3A_156 = arith.constant 0 : i32
    %dma_start3A_157 = arith.constant 0 : i32
    %dma_start3A_158 = tpu.memref_slice %arg42[%dma_start3A_156, %dma_start3A_157] : memref<10000x8xf32, #tpu.memory_space<vmem_shared>> -> memref<10000x8xf32, #tpu.memory_space<vmem_shared>>
    tpu.enqueue_indirect_dma source(%dma_start3A_158 : memref<10000x8xf32, #tpu.memory_space<vmem_shared>>) target(%arg16 : memref<128x8xf32, #tpu.memory_space<vmem>>) offsets(%dma_start3A_155 : memref<128xi32, #tpu.memory_space<vmem>>) semaphore(%arg24 : memref<!tpu.dma_semaphore, #tpu.memory_space<semaphore_mem>>)
    %dma_start3A_159 = arith.constant 7 : i32
    %dma_start3A_160 = arith.constant 0 : i32
    %dma_start3A_161 = tpu.memref_slice %arg8[%dma_start3A_159, %dma_start3A_160] : memref<160x128xi32, #tpu.memory_space<vmem>> -> memref<1x128xi32, #tpu.memory_space<vmem>>
    %dma_start3A_162 = tpu.memref_squeeze %dma_start3A_161 : memref<1x128xi32, #tpu.memory_space<vmem>> -> memref<128xi32, #tpu.memory_space<vmem>>
    %dma_start3A_163 = arith.constant 0 : i32
    %dma_start3A_164 = arith.constant 0 : i32
    %dma_start3A_165 = tpu.memref_slice %arg42[%dma_start3A_163, %dma_start3A_164] : memref<10000x8xf32, #tpu.memory_space<vmem_shared>> -> memref<10000x8xf32, #tpu.memory_space<vmem_shared>>
    tpu.enqueue_indirect_dma source(%dma_start3A_165 : memref<10000x8xf32, #tpu.memory_space<vmem_shared>>) target(%arg17 : memref<128x8xf32, #tpu.memory_space<vmem>>) offsets(%dma_start3A_162 : memref<128xi32, #tpu.memory_space<vmem>>) semaphore(%arg25 : memref<!tpu.dma_semaphore, #tpu.memory_space<semaphore_mem>>)
    %scan3A_166 = arith.constant 0 : i32
    %scan3A_167 = arith.constant 0 : i32
    %scan3A_168 = arith.constant 20 : i32
    %scan3A_169 = arith.addi %scan3A_167, %scan3A_168 : i32
    %scan3A_170 = arith.constant 1 : i32
    scf.for %scan3A_409 = %scan3A_167 to %scan3A_169 step %scan3A_170  : i32 {
      %mul3A_410 = arith.constant 8 : i32
      %mul3A_411 = arith.muli %mul3A_410, %scan3A_409 : i32
      %add3A = arith.constant 0 : i32
      %add3A_412 = arith.addi %mul3A_411, %add3A : i32
      %dma_wait3A_413 = arith.constant 0 : i32
      %dma_wait3A_414 = arith.constant 0 : i32
      %dma_wait3A_415 = tpu.memref_slice %arg8[%dma_wait3A_413, %dma_wait3A_414] : memref<160x128xi32, #tpu.memory_space<vmem>> -> memref<1x128xi32, #tpu.memory_space<vmem>>
      %dma_wait3A_416 = tpu.memref_squeeze %dma_wait3A_415 : memref<1x128xi32, #tpu.memory_space<vmem>> -> memref<128xi32, #tpu.memory_space<vmem>>
      %dma_wait3A_417 = arith.constant 0 : i32
      %dma_wait3A_418 = arith.constant 0 : i32
      %dma_wait3A_419 = tpu.memref_slice %arg42[%dma_wait3A_417, %dma_wait3A_418] : memref<10000x8xf32, #tpu.memory_space<vmem_shared>> -> memref<10000x8xf32, #tpu.memory_space<vmem_shared>>
      tpu.wait_indirect_dma semaphore(%arg18 : memref<!tpu.dma_semaphore, #tpu.memory_space<semaphore_mem>>) src(%dma_wait3A_419 : memref<10000x8xf32, #tpu.memory_space<vmem_shared>>) dst(%arg10 : memref<128x8xf32, #tpu.memory_space<vmem>>)
      %dma_start3A_420 = arith.constant 0 : i32
      %dma_start3A_421 = tpu.memref_slice %arg9[%add3A_412, %dma_start3A_420] : memref<160x128xi32, #tpu.memory_space<vmem>> -> memref<1x128xi32, #tpu.memory_space<vmem>>
      %dma_start3A_422 = tpu.memref_squeeze %dma_start3A_421 : memref<1x128xi32, #tpu.memory_space<vmem>> -> memref<128xi32, #tpu.memory_space<vmem>>
      %dma_start3A_423 = arith.constant 0 : i32
      %dma_start3A_424 = arith.constant 0 : i32
      %dma_start3A_425 = tpu.memref_slice %arg44[%dma_start3A_423, %dma_start3A_424] : memref<10016x8xf32, #tpu.memory_space<vmem_shared>> -> memref<10016x8xf32, #tpu.memory_space<vmem_shared>>
      tpu.enqueue_indirect_dma source(%arg10 : memref<128x8xf32, #tpu.memory_space<vmem>>) target(%dma_start3A_425 : memref<10016x8xf32, #tpu.memory_space<vmem_shared>>) offsets(%dma_start3A_422 : memref<128xi32, #tpu.memory_space<vmem>>) semaphore(%arg26 : memref<!tpu.dma_semaphore, #tpu.memory_space<semaphore_mem>>) {add = true}
      %lt3A_426 = arith.constant 19 : i32
      %lt3A_427 = arith.cmpi slt, %scan3A_409, %lt3A_426 : i32
      %convert_element_type3A_428 = arith.extui %lt3A_427 : i1 to i32
      %cond3A_429 = arith.constant 0 : i32
      %cond3A_430 = arith.cmpi ne, %convert_element_type3A_428, %cond3A_429 : i32
      scf.if %cond3A_430 {
        %dma_wait3A_571 = arith.constant 0 : i32
        %dma_wait3A_572 = arith.constant 0 : i32
        %dma_wait3A_573 = tpu.memref_slice %arg9[%dma_wait3A_571, %dma_wait3A_572] : memref<160x128xi32, #tpu.memory_space<vmem>> -> memref<1x128xi32, #tpu.memory_space<vmem>>
        %dma_wait3A_574 = tpu.memref_squeeze %dma_wait3A_573 : memref<1x128xi32, #tpu.memory_space<vmem>> -> memref<128xi32, #tpu.memory_space<vmem>>
        %dma_wait3A_575 = arith.constant 0 : i32
        %dma_wait3A_576 = arith.constant 0 : i32
        %dma_wait3A_577 = tpu.memref_slice %arg44[%dma_wait3A_575, %dma_wait3A_576] : memref<10016x8xf32, #tpu.memory_space<vmem_shared>> -> memref<10016x8xf32, #tpu.memory_space<vmem_shared>>
        tpu.wait_indirect_dma semaphore(%arg26 : memref<!tpu.dma_semaphore, #tpu.memory_space<semaphore_mem>>) src(%arg10 : memref<128x8xf32, #tpu.memory_space<vmem>>) dst(%dma_wait3A_577 : memref<10016x8xf32, #tpu.memory_space<vmem_shared>>)
        %add3A_578 = arith.constant 8 : i32
        %add3A_579 = arith.addi %add3A_412, %add3A_578 : i32
        %dma_start3A_580 = arith.constant 0 : i32
        %dma_start3A_581 = tpu.memref_slice %arg8[%add3A_579, %dma_start3A_580] : memref<160x128xi32, #tpu.memory_space<vmem>> -> memref<1x128xi32, #tpu.memory_space<vmem>>
        %dma_start3A_582 = tpu.memref_squeeze %dma_start3A_581 : memref<1x128xi32, #tpu.memory_space<vmem>> -> memref<128xi32, #tpu.memory_space<vmem>>
        %dma_start3A_583 = arith.constant 0 : i32
        %dma_start3A_584 = arith.constant 0 : i32
        %dma_start3A_585 = tpu.memref_slice %arg42[%dma_start3A_583, %dma_start3A_584] : memref<10000x8xf32, #tpu.memory_space<vmem_shared>> -> memref<10000x8xf32, #tpu.memory_space<vmem_shared>>
        tpu.enqueue_indirect_dma source(%dma_start3A_585 : memref<10000x8xf32, #tpu.memory_space<vmem_shared>>) target(%arg10 : memref<128x8xf32, #tpu.memory_space<vmem>>) offsets(%dma_start3A_582 : memref<128xi32, #tpu.memory_space<vmem>>) semaphore(%arg18 : memref<!tpu.dma_semaphore, #tpu.memory_space<semaphore_mem>>)
      } else {
      }
      %add3A_431 = arith.constant 1 : i32
      %add3A_432 = arith.addi %mul3A_411, %add3A_431 : i32
      %dma_wait3A_433 = arith.constant 0 : i32
      %dma_wait3A_434 = arith.constant 0 : i32
      %dma_wait3A_435 = tpu.memref_slice %arg8[%dma_wait3A_433, %dma_wait3A_434] : memref<160x128xi32, #tpu.memory_space<vmem>> -> memref<1x128xi32, #tpu.memory_space<vmem>>
      %dma_wait3A_436 = tpu.memref_squeeze %dma_wait3A_435 : memref<1x128xi32, #tpu.memory_space<vmem>> -> memref<128xi32, #tpu.memory_space<vmem>>
      %dma_wait3A_437 = arith.constant 0 : i32
      %dma_wait3A_438 = arith.constant 0 : i32
      %dma_wait3A_439 = tpu.memref_slice %arg42[%dma_wait3A_437, %dma_wait3A_438] : memref<10000x8xf32, #tpu.memory_space<vmem_shared>> -> memref<10000x8xf32, #tpu.memory_space<vmem_shared>>
      tpu.wait_indirect_dma semaphore(%arg19 : memref<!tpu.dma_semaphore, #tpu.memory_space<semaphore_mem>>) src(%dma_wait3A_439 : memref<10000x8xf32, #tpu.memory_space<vmem_shared>>) dst(%arg11 : memref<128x8xf32, #tpu.memory_space<vmem>>)
      %dma_start3A_440 = arith.constant 0 : i32
      %dma_start3A_441 = tpu.memref_slice %arg9[%add3A_432, %dma_start3A_440] : memref<160x128xi32, #tpu.memory_space<vmem>> -> memref<1x128xi32, #tpu.memory_space<vmem>>
      %dma_start3A_442 = tpu.memref_squeeze %dma_start3A_441 : memref<1x128xi32, #tpu.memory_space<vmem>> -> memref<128xi32, #tpu.memory_space<vmem>>
      %dma_start3A_443 = arith.constant 0 : i32
      %dma_start3A_444 = arith.constant 0 : i32
      %dma_start3A_445 = tpu.memref_slice %arg44[%dma_start3A_443, %dma_start3A_444] : memref<10016x8xf32, #tpu.memory_space<vmem_shared>> -> memref<10016x8xf32, #tpu.memory_space<vmem_shared>>
      tpu.enqueue_indirect_dma source(%arg11 : memref<128x8xf32, #tpu.memory_space<vmem>>) target(%dma_start3A_445 : memref<10016x8xf32, #tpu.memory_space<vmem_shared>>) offsets(%dma_start3A_442 : memref<128xi32, #tpu.memory_space<vmem>>) semaphore(%arg27 : memref<!tpu.dma_semaphore, #tpu.memory_space<semaphore_mem>>) {add = true}
      %lt3A_446 = arith.constant 19 : i32
      %lt3A_447 = arith.cmpi slt, %scan3A_409, %lt3A_446 : i32
      %convert_element_type3A_448 = arith.extui %lt3A_447 : i1 to i32
      %cond3A_449 = arith.constant 0 : i32
      %cond3A_450 = arith.cmpi ne, %convert_element_type3A_448, %cond3A_449 : i32
      scf.if %cond3A_450 {
        %dma_wait3A_571 = arith.constant 0 : i32
        %dma_wait3A_572 = arith.constant 0 : i32
        %dma_wait3A_573 = tpu.memref_slice %arg9[%dma_wait3A_571, %dma_wait3A_572] : memref<160x128xi32, #tpu.memory_space<vmem>> -> memref<1x128xi32, #tpu.memory_space<vmem>>
        %dma_wait3A_574 = tpu.memref_squeeze %dma_wait3A_573 : memref<1x128xi32, #tpu.memory_space<vmem>> -> memref<128xi32, #tpu.memory_space<vmem>>
        %dma_wait3A_575 = arith.constant 0 : i32
        %dma_wait3A_576 = arith.constant 0 : i32
        %dma_wait3A_577 = tpu.memref_slice %arg44[%dma_wait3A_575, %dma_wait3A_576] : memref<10016x8xf32, #tpu.memory_space<vmem_shared>> -> memref<10016x8xf32, #tpu.memory_space<vmem_shared>>
        tpu.wait_indirect_dma semaphore(%arg27 : memref<!tpu.dma_semaphore, #tpu.memory_space<semaphore_mem>>) src(%arg11 : memref<128x8xf32, #tpu.memory_space<vmem>>) dst(%dma_wait3A_577 : memref<10016x8xf32, #tpu.memory_space<vmem_shared>>)
        %add3A_578 = arith.constant 8 : i32
        %add3A_579 = arith.addi %add3A_432, %add3A_578 : i32
        %dma_start3A_580 = arith.constant 0 : i32
        %dma_start3A_581 = tpu.memref_slice %arg8[%add3A_579, %dma_start3A_580] : memref<160x128xi32, #tpu.memory_space<vmem>> -> memref<1x128xi32, #tpu.memory_space<vmem>>
        %dma_start3A_582 = tpu.memref_squeeze %dma_start3A_581 : memref<1x128xi32, #tpu.memory_space<vmem>> -> memref<128xi32, #tpu.memory_space<vmem>>
        %dma_start3A_583 = arith.constant 0 : i32
        %dma_start3A_584 = arith.constant 0 : i32
        %dma_start3A_585 = tpu.memref_slice %arg42[%dma_start3A_583, %dma_start3A_584] : memref<10000x8xf32, #tpu.memory_space<vmem_shared>> -> memref<10000x8xf32, #tpu.memory_space<vmem_shared>>
        tpu.enqueue_indirect_dma source(%dma_start3A_585 : memref<10000x8xf32, #tpu.memory_space<vmem_shared>>) target(%arg11 : memref<128x8xf32, #tpu.memory_space<vmem>>) offsets(%dma_start3A_582 : memref<128xi32, #tpu.memory_space<vmem>>) semaphore(%arg19 : memref<!tpu.dma_semaphore, #tpu.memory_space<semaphore_mem>>)
      } else {
      }
      %add3A_451 = arith.constant 2 : i32
      %add3A_452 = arith.addi %mul3A_411, %add3A_451 : i32
      %dma_wait3A_453 = arith.constant 0 : i32
      %dma_wait3A_454 = arith.constant 0 : i32
      %dma_wait3A_455 = tpu.memref_slice %arg8[%dma_wait3A_453, %dma_wait3A_454] : memref<160x128xi32, #tpu.memory_space<vmem>> -> memref<1x128xi32, #tpu.memory_space<vmem>>
      %dma_wait3A_456 = tpu.memref_squeeze %dma_wait3A_455 : memref<1x128xi32, #tpu.memory_space<vmem>> -> memref<128xi32, #tpu.memory_space<vmem>>
      %dma_wait3A_457 = arith.constant 0 : i32
      %dma_wait3A_458 = arith.constant 0 : i32
      %dma_wait3A_459 = tpu.memref_slice %arg42[%dma_wait3A_457, %dma_wait3A_458] : memref<10000x8xf32, #tpu.memory_space<vmem_shared>> -> memref<10000x8xf32, #tpu.memory_space<vmem_shared>>
      tpu.wait_indirect_dma semaphore(%arg20 : memref<!tpu.dma_semaphore, #tpu.memory_space<semaphore_mem>>) src(%dma_wait3A_459 : memref<10000x8xf32, #tpu.memory_space<vmem_shared>>) dst(%arg12 : memref<128x8xf32, #tpu.memory_space<vmem>>)
      %dma_start3A_460 = arith.constant 0 : i32
      %dma_start3A_461 = tpu.memref_slice %arg9[%add3A_452, %dma_start3A_460] : memref<160x128xi32, #tpu.memory_space<vmem>> -> memref<1x128xi32, #tpu.memory_space<vmem>>
      %dma_start3A_462 = tpu.memref_squeeze %dma_start3A_461 : memref<1x128xi32, #tpu.memory_space<vmem>> -> memref<128xi32, #tpu.memory_space<vmem>>
      %dma_start3A_463 = arith.constant 0 : i32
      %dma_start3A_464 = arith.constant 0 : i32
      %dma_start3A_465 = tpu.memref_slice %arg44[%dma_start3A_463, %dma_start3A_464] : memref<10016x8xf32, #tpu.memory_space<vmem_shared>> -> memref<10016x8xf32, #tpu.memory_space<vmem_shared>>
      tpu.enqueue_indirect_dma source(%arg12 : memref<128x8xf32, #tpu.memory_space<vmem>>) target(%dma_start3A_465 : memref<10016x8xf32, #tpu.memory_space<vmem_shared>>) offsets(%dma_start3A_462 : memref<128xi32, #tpu.memory_space<vmem>>) semaphore(%arg28 : memref<!tpu.dma_semaphore, #tpu.memory_space<semaphore_mem>>) {add = true}
      %lt3A_466 = arith.constant 19 : i32
      %lt3A_467 = arith.cmpi slt, %scan3A_409, %lt3A_466 : i32
      %convert_element_type3A_468 = arith.extui %lt3A_467 : i1 to i32
      %cond3A_469 = arith.constant 0 : i32
      %cond3A_470 = arith.cmpi ne, %convert_element_type3A_468, %cond3A_469 : i32
      scf.if %cond3A_470 {
        %dma_wait3A_571 = arith.constant 0 : i32
        %dma_wait3A_572 = arith.constant 0 : i32
        %dma_wait3A_573 = tpu.memref_slice %arg9[%dma_wait3A_571, %dma_wait3A_572] : memref<160x128xi32, #tpu.memory_space<vmem>> -> memref<1x128xi32, #tpu.memory_space<vmem>>
        %dma_wait3A_574 = tpu.memref_squeeze %dma_wait3A_573 : memref<1x128xi32, #tpu.memory_space<vmem>> -> memref<128xi32, #tpu.memory_space<vmem>>
        %dma_wait3A_575 = arith.constant 0 : i32
        %dma_wait3A_576 = arith.constant 0 : i32
        %dma_wait3A_577 = tpu.memref_slice %arg44[%dma_wait3A_575, %dma_wait3A_576] : memref<10016x8xf32, #tpu.memory_space<vmem_shared>> -> memref<10016x8xf32, #tpu.memory_space<vmem_shared>>
        tpu.wait_indirect_dma semaphore(%arg28 : memref<!tpu.dma_semaphore, #tpu.memory_space<semaphore_mem>>) src(%arg12 : memref<128x8xf32, #tpu.memory_space<vmem>>) dst(%dma_wait3A_577 : memref<10016x8xf32, #tpu.memory_space<vmem_shared>>)
        %add3A_578 = arith.constant 8 : i32
        %add3A_579 = arith.addi %add3A_452, %add3A_578 : i32
        %dma_start3A_580 = arith.constant 0 : i32
        %dma_start3A_581 = tpu.memref_slice %arg8[%add3A_579, %dma_start3A_580] : memref<160x128xi32, #tpu.memory_space<vmem>> -> memref<1x128xi32, #tpu.memory_space<vmem>>
        %dma_start3A_582 = tpu.memref_squeeze %dma_start3A_581 : memref<1x128xi32, #tpu.memory_space<vmem>> -> memref<128xi32, #tpu.memory_space<vmem>>
        %dma_start3A_583 = arith.constant 0 : i32
        %dma_start3A_584 = arith.constant 0 : i32
        %dma_start3A_585 = tpu.memref_slice %arg42[%dma_start3A_583, %dma_start3A_584] : memref<10000x8xf32, #tpu.memory_space<vmem_shared>> -> memref<10000x8xf32, #tpu.memory_space<vmem_shared>>
        tpu.enqueue_indirect_dma source(%dma_start3A_585 : memref<10000x8xf32, #tpu.memory_space<vmem_shared>>) target(%arg12 : memref<128x8xf32, #tpu.memory_space<vmem>>) offsets(%dma_start3A_582 : memref<128xi32, #tpu.memory_space<vmem>>) semaphore(%arg20 : memref<!tpu.dma_semaphore, #tpu.memory_space<semaphore_mem>>)
      } else {
      }
      %add3A_471 = arith.constant 3 : i32
      %add3A_472 = arith.addi %mul3A_411, %add3A_471 : i32
      %dma_wait3A_473 = arith.constant 0 : i32
      %dma_wait3A_474 = arith.constant 0 : i32
      %dma_wait3A_475 = tpu.memref_slice %arg8[%dma_wait3A_473, %dma_wait3A_474] : memref<160x128xi32, #tpu.memory_space<vmem>> -> memref<1x128xi32, #tpu.memory_space<vmem>>
      %dma_wait3A_476 = tpu.memref_squeeze %dma_wait3A_475 : memref<1x128xi32, #tpu.memory_space<vmem>> -> memref<128xi32, #tpu.memory_space<vmem>>
      %dma_wait3A_477 = arith.constant 0 : i32
      %dma_wait3A_478 = arith.constant 0 : i32
      %dma_wait3A_479 = tpu.memref_slice %arg42[%dma_wait3A_477, %dma_wait3A_478] : memref<10000x8xf32, #tpu.memory_space<vmem_shared>> -> memref<10000x8xf32, #tpu.memory_space<vmem_shared>>
      tpu.wait_indirect_dma semaphore(%arg21 : memref<!tpu.dma_semaphore, #tpu.memory_space<semaphore_mem>>) src(%dma_wait3A_479 : memref<10000x8xf32, #tpu.memory_space<vmem_shared>>) dst(%arg13 : memref<128x8xf32, #tpu.memory_space<vmem>>)
      %dma_start3A_480 = arith.constant 0 : i32
      %dma_start3A_481 = tpu.memref_slice %arg9[%add3A_472, %dma_start3A_480] : memref<160x128xi32, #tpu.memory_space<vmem>> -> memref<1x128xi32, #tpu.memory_space<vmem>>
      %dma_start3A_482 = tpu.memref_squeeze %dma_start3A_481 : memref<1x128xi32, #tpu.memory_space<vmem>> -> memref<128xi32, #tpu.memory_space<vmem>>
      %dma_start3A_483 = arith.constant 0 : i32
      %dma_start3A_484 = arith.constant 0 : i32
      %dma_start3A_485 = tpu.memref_slice %arg44[%dma_start3A_483, %dma_start3A_484] : memref<10016x8xf32, #tpu.memory_space<vmem_shared>> -> memref<10016x8xf32, #tpu.memory_space<vmem_shared>>
      tpu.enqueue_indirect_dma source(%arg13 : memref<128x8xf32, #tpu.memory_space<vmem>>) target(%dma_start3A_485 : memref<10016x8xf32, #tpu.memory_space<vmem_shared>>) offsets(%dma_start3A_482 : memref<128xi32, #tpu.memory_space<vmem>>) semaphore(%arg29 : memref<!tpu.dma_semaphore, #tpu.memory_space<semaphore_mem>>) {add = true}
      %lt3A_486 = arith.constant 19 : i32
      %lt3A_487 = arith.cmpi slt, %scan3A_409, %lt3A_486 : i32
      %convert_element_type3A_488 = arith.extui %lt3A_487 : i1 to i32
      %cond3A_489 = arith.constant 0 : i32
      %cond3A_490 = arith.cmpi ne, %convert_element_type3A_488, %cond3A_489 : i32
      scf.if %cond3A_490 {
        %dma_wait3A_571 = arith.constant 0 : i32
        %dma_wait3A_572 = arith.constant 0 : i32
        %dma_wait3A_573 = tpu.memref_slice %arg9[%dma_wait3A_571, %dma_wait3A_572] : memref<160x128xi32, #tpu.memory_space<vmem>> -> memref<1x128xi32, #tpu.memory_space<vmem>>
        %dma_wait3A_574 = tpu.memref_squeeze %dma_wait3A_573 : memref<1x128xi32, #tpu.memory_space<vmem>> -> memref<128xi32, #tpu.memory_space<vmem>>
        %dma_wait3A_575 = arith.constant 0 : i32
        %dma_wait3A_576 = arith.constant 0 : i32
        %dma_wait3A_577 = tpu.memref_slice %arg44[%dma_wait3A_575, %dma_wait3A_576] : memref<10016x8xf32, #tpu.memory_space<vmem_shared>> -> memref<10016x8xf32, #tpu.memory_space<vmem_shared>>
        tpu.wait_indirect_dma semaphore(%arg29 : memref<!tpu.dma_semaphore, #tpu.memory_space<semaphore_mem>>) src(%arg13 : memref<128x8xf32, #tpu.memory_space<vmem>>) dst(%dma_wait3A_577 : memref<10016x8xf32, #tpu.memory_space<vmem_shared>>)
        %add3A_578 = arith.constant 8 : i32
        %add3A_579 = arith.addi %add3A_472, %add3A_578 : i32
        %dma_start3A_580 = arith.constant 0 : i32
        %dma_start3A_581 = tpu.memref_slice %arg8[%add3A_579, %dma_start3A_580] : memref<160x128xi32, #tpu.memory_space<vmem>> -> memref<1x128xi32, #tpu.memory_space<vmem>>
        %dma_start3A_582 = tpu.memref_squeeze %dma_start3A_581 : memref<1x128xi32, #tpu.memory_space<vmem>> -> memref<128xi32, #tpu.memory_space<vmem>>
        %dma_start3A_583 = arith.constant 0 : i32
        %dma_start3A_584 = arith.constant 0 : i32
        %dma_start3A_585 = tpu.memref_slice %arg42[%dma_start3A_583, %dma_start3A_584] : memref<10000x8xf32, #tpu.memory_space<vmem_shared>> -> memref<10000x8xf32, #tpu.memory_space<vmem_shared>>
        tpu.enqueue_indirect_dma source(%dma_start3A_585 : memref<10000x8xf32, #tpu.memory_space<vmem_shared>>) target(%arg13 : memref<128x8xf32, #tpu.memory_space<vmem>>) offsets(%dma_start3A_582 : memref<128xi32, #tpu.memory_space<vmem>>) semaphore(%arg21 : memref<!tpu.dma_semaphore, #tpu.memory_space<semaphore_mem>>)
      } else {
      }
      %add3A_491 = arith.constant 4 : i32
      %add3A_492 = arith.addi %mul3A_411, %add3A_491 : i32
      %dma_wait3A_493 = arith.constant 0 : i32
      %dma_wait3A_494 = arith.constant 0 : i32
      %dma_wait3A_495 = tpu.memref_slice %arg8[%dma_wait3A_493, %dma_wait3A_494] : memref<160x128xi32, #tpu.memory_space<vmem>> -> memref<1x128xi32, #tpu.memory_space<vmem>>
      %dma_wait3A_496 = tpu.memref_squeeze %dma_wait3A_495 : memref<1x128xi32, #tpu.memory_space<vmem>> -> memref<128xi32, #tpu.memory_space<vmem>>
      %dma_wait3A_497 = arith.constant 0 : i32
      %dma_wait3A_498 = arith.constant 0 : i32
      %dma_wait3A_499 = tpu.memref_slice %arg42[%dma_wait3A_497, %dma_wait3A_498] : memref<10000x8xf32, #tpu.memory_space<vmem_shared>> -> memref<10000x8xf32, #tpu.memory_space<vmem_shared>>
      tpu.wait_indirect_dma semaphore(%arg22 : memref<!tpu.dma_semaphore, #tpu.memory_space<semaphore_mem>>) src(%dma_wait3A_499 : memref<10000x8xf32, #tpu.memory_space<vmem_shared>>) dst(%arg14 : memref<128x8xf32, #tpu.memory_space<vmem>>)
      %dma_start3A_500 = arith.constant 0 : i32
      %dma_start3A_501 = tpu.memref_slice %arg9[%add3A_492, %dma_start3A_500] : memref<160x128xi32, #tpu.memory_space<vmem>> -> memref<1x128xi32, #tpu.memory_space<vmem>>
      %dma_start3A_502 = tpu.memref_squeeze %dma_start3A_501 : memref<1x128xi32, #tpu.memory_space<vmem>> -> memref<128xi32, #tpu.memory_space<vmem>>
      %dma_start3A_503 = arith.constant 0 : i32
      %dma_start3A_504 = arith.constant 0 : i32
      %dma_start3A_505 = tpu.memref_slice %arg44[%dma_start3A_503, %dma_start3A_504] : memref<10016x8xf32, #tpu.memory_space<vmem_shared>> -> memref<10016x8xf32, #tpu.memory_space<vmem_shared>>
      tpu.enqueue_indirect_dma source(%arg14 : memref<128x8xf32, #tpu.memory_space<vmem>>) target(%dma_start3A_505 : memref<10016x8xf32, #tpu.memory_space<vmem_shared>>) offsets(%dma_start3A_502 : memref<128xi32, #tpu.memory_space<vmem>>) semaphore(%arg30 : memref<!tpu.dma_semaphore, #tpu.memory_space<semaphore_mem>>) {add = true}
      %lt3A_506 = arith.constant 19 : i32
      %lt3A_507 = arith.cmpi slt, %scan3A_409, %lt3A_506 : i32
      %convert_element_type3A_508 = arith.extui %lt3A_507 : i1 to i32
      %cond3A_509 = arith.constant 0 : i32
      %cond3A_510 = arith.cmpi ne, %convert_element_type3A_508, %cond3A_509 : i32
      scf.if %cond3A_510 {
        %dma_wait3A_571 = arith.constant 0 : i32
        %dma_wait3A_572 = arith.constant 0 : i32
        %dma_wait3A_573 = tpu.memref_slice %arg9[%dma_wait3A_571, %dma_wait3A_572] : memref<160x128xi32, #tpu.memory_space<vmem>> -> memref<1x128xi32, #tpu.memory_space<vmem>>
        %dma_wait3A_574 = tpu.memref_squeeze %dma_wait3A_573 : memref<1x128xi32, #tpu.memory_space<vmem>> -> memref<128xi32, #tpu.memory_space<vmem>>
        %dma_wait3A_575 = arith.constant 0 : i32
        %dma_wait3A_576 = arith.constant 0 : i32
        %dma_wait3A_577 = tpu.memref_slice %arg44[%dma_wait3A_575, %dma_wait3A_576] : memref<10016x8xf32, #tpu.memory_space<vmem_shared>> -> memref<10016x8xf32, #tpu.memory_space<vmem_shared>>
        tpu.wait_indirect_dma semaphore(%arg30 : memref<!tpu.dma_semaphore, #tpu.memory_space<semaphore_mem>>) src(%arg14 : memref<128x8xf32, #tpu.memory_space<vmem>>) dst(%dma_wait3A_577 : memref<10016x8xf32, #tpu.memory_space<vmem_shared>>)
        %add3A_578 = arith.constant 8 : i32
        %add3A_579 = arith.addi %add3A_492, %add3A_578 : i32
        %dma_start3A_580 = arith.constant 0 : i32
        %dma_start3A_581 = tpu.memref_slice %arg8[%add3A_579, %dma_start3A_580] : memref<160x128xi32, #tpu.memory_space<vmem>> -> memref<1x128xi32, #tpu.memory_space<vmem>>
        %dma_start3A_582 = tpu.memref_squeeze %dma_start3A_581 : memref<1x128xi32, #tpu.memory_space<vmem>> -> memref<128xi32, #tpu.memory_space<vmem>>
        %dma_start3A_583 = arith.constant 0 : i32
        %dma_start3A_584 = arith.constant 0 : i32
        %dma_start3A_585 = tpu.memref_slice %arg42[%dma_start3A_583, %dma_start3A_584] : memref<10000x8xf32, #tpu.memory_space<vmem_shared>> -> memref<10000x8xf32, #tpu.memory_space<vmem_shared>>
        tpu.enqueue_indirect_dma source(%dma_start3A_585 : memref<10000x8xf32, #tpu.memory_space<vmem_shared>>) target(%arg14 : memref<128x8xf32, #tpu.memory_space<vmem>>) offsets(%dma_start3A_582 : memref<128xi32, #tpu.memory_space<vmem>>) semaphore(%arg22 : memref<!tpu.dma_semaphore, #tpu.memory_space<semaphore_mem>>)
      } else {
      }
      %add3A_511 = arith.constant 5 : i32
      %add3A_512 = arith.addi %mul3A_411, %add3A_511 : i32
      %dma_wait3A_513 = arith.constant 0 : i32
      %dma_wait3A_514 = arith.constant 0 : i32
      %dma_wait3A_515 = tpu.memref_slice %arg8[%dma_wait3A_513, %dma_wait3A_514] : memref<160x128xi32, #tpu.memory_space<vmem>> -> memref<1x128xi32, #tpu.memory_space<vmem>>
      %dma_wait3A_516 = tpu.memref_squeeze %dma_wait3A_515 : memref<1x128xi32, #tpu.memory_space<vmem>> -> memref<128xi32, #tpu.memory_space<vmem>>
      %dma_wait3A_517 = arith.constant 0 : i32
      %dma_wait3A_518 = arith.constant 0 : i32
      %dma_wait3A_519 = tpu.memref_slice %arg42[%dma_wait3A_517, %dma_wait3A_518] : memref<10000x8xf32, #tpu.memory_space<vmem_shared>> -> memref<10000x8xf32, #tpu.memory_space<vmem_shared>>
      tpu.wait_indirect_dma semaphore(%arg23 : memref<!tpu.dma_semaphore, #tpu.memory_space<semaphore_mem>>) src(%dma_wait3A_519 : memref<10000x8xf32, #tpu.memory_space<vmem_shared>>) dst(%arg15 : memref<128x8xf32, #tpu.memory_space<vmem>>)
      %dma_start3A_520 = arith.constant 0 : i32
      %dma_start3A_521 = tpu.memref_slice %arg9[%add3A_512, %dma_start3A_520] : memref<160x128xi32, #tpu.memory_space<vmem>> -> memref<1x128xi32, #tpu.memory_space<vmem>>
      %dma_start3A_522 = tpu.memref_squeeze %dma_start3A_521 : memref<1x128xi32, #tpu.memory_space<vmem>> -> memref<128xi32, #tpu.memory_space<vmem>>
      %dma_start3A_523 = arith.constant 0 : i32
      %dma_start3A_524 = arith.constant 0 : i32
      %dma_start3A_525 = tpu.memref_slice %arg44[%dma_start3A_523, %dma_start3A_524] : memref<10016x8xf32, #tpu.memory_space<vmem_shared>> -> memref<10016x8xf32, #tpu.memory_space<vmem_shared>>
      tpu.enqueue_indirect_dma source(%arg15 : memref<128x8xf32, #tpu.memory_space<vmem>>) target(%dma_start3A_525 : memref<10016x8xf32, #tpu.memory_space<vmem_shared>>) offsets(%dma_start3A_522 : memref<128xi32, #tpu.memory_space<vmem>>) semaphore(%arg31 : memref<!tpu.dma_semaphore, #tpu.memory_space<semaphore_mem>>) {add = true}
      %lt3A_526 = arith.constant 19 : i32
      %lt3A_527 = arith.cmpi slt, %scan3A_409, %lt3A_526 : i32
      %convert_element_type3A_528 = arith.extui %lt3A_527 : i1 to i32
      %cond3A_529 = arith.constant 0 : i32
      %cond3A_530 = arith.cmpi ne, %convert_element_type3A_528, %cond3A_529 : i32
      scf.if %cond3A_530 {
        %dma_wait3A_571 = arith.constant 0 : i32
        %dma_wait3A_572 = arith.constant 0 : i32
        %dma_wait3A_573 = tpu.memref_slice %arg9[%dma_wait3A_571, %dma_wait3A_572] : memref<160x128xi32, #tpu.memory_space<vmem>> -> memref<1x128xi32, #tpu.memory_space<vmem>>
        %dma_wait3A_574 = tpu.memref_squeeze %dma_wait3A_573 : memref<1x128xi32, #tpu.memory_space<vmem>> -> memref<128xi32, #tpu.memory_space<vmem>>
        %dma_wait3A_575 = arith.constant 0 : i32
        %dma_wait3A_576 = arith.constant 0 : i32
        %dma_wait3A_577 = tpu.memref_slice %arg44[%dma_wait3A_575, %dma_wait3A_576] : memref<10016x8xf32, #tpu.memory_space<vmem_shared>> -> memref<10016x8xf32, #tpu.memory_space<vmem_shared>>
        tpu.wait_indirect_dma semaphore(%arg31 : memref<!tpu.dma_semaphore, #tpu.memory_space<semaphore_mem>>) src(%arg15 : memref<128x8xf32, #tpu.memory_space<vmem>>) dst(%dma_wait3A_577 : memref<10016x8xf32, #tpu.memory_space<vmem_shared>>)
        %add3A_578 = arith.constant 8 : i32
        %add3A_579 = arith.addi %add3A_512, %add3A_578 : i32
        %dma_start3A_580 = arith.constant 0 : i32
        %dma_start3A_581 = tpu.memref_slice %arg8[%add3A_579, %dma_start3A_580] : memref<160x128xi32, #tpu.memory_space<vmem>> -> memref<1x128xi32, #tpu.memory_space<vmem>>
        %dma_start3A_582 = tpu.memref_squeeze %dma_start3A_581 : memref<1x128xi32, #tpu.memory_space<vmem>> -> memref<128xi32, #tpu.memory_space<vmem>>
        %dma_start3A_583 = arith.constant 0 : i32
        %dma_start3A_584 = arith.constant 0 : i32
        %dma_start3A_585 = tpu.memref_slice %arg42[%dma_start3A_583, %dma_start3A_584] : memref<10000x8xf32, #tpu.memory_space<vmem_shared>> -> memref<10000x8xf32, #tpu.memory_space<vmem_shared>>
        tpu.enqueue_indirect_dma source(%dma_start3A_585 : memref<10000x8xf32, #tpu.memory_space<vmem_shared>>) target(%arg15 : memref<128x8xf32, #tpu.memory_space<vmem>>) offsets(%dma_start3A_582 : memref<128xi32, #tpu.memory_space<vmem>>) semaphore(%arg23 : memref<!tpu.dma_semaphore, #tpu.memory_space<semaphore_mem>>)
      } else {
      }
      %add3A_531 = arith.constant 6 : i32
      %add3A_532 = arith.addi %mul3A_411, %add3A_531 : i32
      %dma_wait3A_533 = arith.constant 0 : i32
      %dma_wait3A_534 = arith.constant 0 : i32
      %dma_wait3A_535 = tpu.memref_slice %arg8[%dma_wait3A_533, %dma_wait3A_534] : memref<160x128xi32, #tpu.memory_space<vmem>> -> memref<1x128xi32, #tpu.memory_space<vmem>>
      %dma_wait3A_536 = tpu.memref_squeeze %dma_wait3A_535 : memref<1x128xi32, #tpu.memory_space<vmem>> -> memref<128xi32, #tpu.memory_space<vmem>>
      %dma_wait3A_537 = arith.constant 0 : i32
      %dma_wait3A_538 = arith.constant 0 : i32
      %dma_wait3A_539 = tpu.memref_slice %arg42[%dma_wait3A_537, %dma_wait3A_538] : memref<10000x8xf32, #tpu.memory_space<vmem_shared>> -> memref<10000x8xf32, #tpu.memory_space<vmem_shared>>
      tpu.wait_indirect_dma semaphore(%arg24 : memref<!tpu.dma_semaphore, #tpu.memory_space<semaphore_mem>>) src(%dma_wait3A_539 : memref<10000x8xf32, #tpu.memory_space<vmem_shared>>) dst(%arg16 : memref<128x8xf32, #tpu.memory_space<vmem>>)
      %dma_start3A_540 = arith.constant 0 : i32
      %dma_start3A_541 = tpu.memref_slice %arg9[%add3A_532, %dma_start3A_540] : memref<160x128xi32, #tpu.memory_space<vmem>> -> memref<1x128xi32, #tpu.memory_space<vmem>>
      %dma_start3A_542 = tpu.memref_squeeze %dma_start3A_541 : memref<1x128xi32, #tpu.memory_space<vmem>> -> memref<128xi32, #tpu.memory_space<vmem>>
      %dma_start3A_543 = arith.constant 0 : i32
      %dma_start3A_544 = arith.constant 0 : i32
      %dma_start3A_545 = tpu.memref_slice %arg44[%dma_start3A_543, %dma_start3A_544] : memref<10016x8xf32, #tpu.memory_space<vmem_shared>> -> memref<10016x8xf32, #tpu.memory_space<vmem_shared>>
      tpu.enqueue_indirect_dma source(%arg16 : memref<128x8xf32, #tpu.memory_space<vmem>>) target(%dma_start3A_545 : memref<10016x8xf32, #tpu.memory_space<vmem_shared>>) offsets(%dma_start3A_542 : memref<128xi32, #tpu.memory_space<vmem>>) semaphore(%arg32 : memref<!tpu.dma_semaphore, #tpu.memory_space<semaphore_mem>>) {add = true}
      %lt3A_546 = arith.constant 19 : i32
      %lt3A_547 = arith.cmpi slt, %scan3A_409, %lt3A_546 : i32
      %convert_element_type3A_548 = arith.extui %lt3A_547 : i1 to i32
      %cond3A_549 = arith.constant 0 : i32
      %cond3A_550 = arith.cmpi ne, %convert_element_type3A_548, %cond3A_549 : i32
      scf.if %cond3A_550 {
        %dma_wait3A_571 = arith.constant 0 : i32
        %dma_wait3A_572 = arith.constant 0 : i32
        %dma_wait3A_573 = tpu.memref_slice %arg9[%dma_wait3A_571, %dma_wait3A_572] : memref<160x128xi32, #tpu.memory_space<vmem>> -> memref<1x128xi32, #tpu.memory_space<vmem>>
        %dma_wait3A_574 = tpu.memref_squeeze %dma_wait3A_573 : memref<1x128xi32, #tpu.memory_space<vmem>> -> memref<128xi32, #tpu.memory_space<vmem>>
        %dma_wait3A_575 = arith.constant 0 : i32
        %dma_wait3A_576 = arith.constant 0 : i32
        %dma_wait3A_577 = tpu.memref_slice %arg44[%dma_wait3A_575, %dma_wait3A_576] : memref<10016x8xf32, #tpu.memory_space<vmem_shared>> -> memref<10016x8xf32, #tpu.memory_space<vmem_shared>>
        tpu.wait_indirect_dma semaphore(%arg32 : memref<!tpu.dma_semaphore, #tpu.memory_space<semaphore_mem>>) src(%arg16 : memref<128x8xf32, #tpu.memory_space<vmem>>) dst(%dma_wait3A_577 : memref<10016x8xf32, #tpu.memory_space<vmem_shared>>)
        %add3A_578 = arith.constant 8 : i32
        %add3A_579 = arith.addi %add3A_532, %add3A_578 : i32
        %dma_start3A_580 = arith.constant 0 : i32
        %dma_start3A_581 = tpu.memref_slice %arg8[%add3A_579, %dma_start3A_580] : memref<160x128xi32, #tpu.memory_space<vmem>> -> memref<1x128xi32, #tpu.memory_space<vmem>>
        %dma_start3A_582 = tpu.memref_squeeze %dma_start3A_581 : memref<1x128xi32, #tpu.memory_space<vmem>> -> memref<128xi32, #tpu.memory_space<vmem>>
        %dma_start3A_583 = arith.constant 0 : i32
        %dma_start3A_584 = arith.constant 0 : i32
        %dma_start3A_585 = tpu.memref_slice %arg42[%dma_start3A_583, %dma_start3A_584] : memref<10000x8xf32, #tpu.memory_space<vmem_shared>> -> memref<10000x8xf32, #tpu.memory_space<vmem_shared>>
        tpu.enqueue_indirect_dma source(%dma_start3A_585 : memref<10000x8xf32, #tpu.memory_space<vmem_shared>>) target(%arg16 : memref<128x8xf32, #tpu.memory_space<vmem>>) offsets(%dma_start3A_582 : memref<128xi32, #tpu.memory_space<vmem>>) semaphore(%arg24 : memref<!tpu.dma_semaphore, #tpu.memory_space<semaphore_mem>>)
      } else {
      }
      %add3A_551 = arith.constant 7 : i32
      %add3A_552 = arith.addi %mul3A_411, %add3A_551 : i32
      %dma_wait3A_553 = arith.constant 0 : i32
      %dma_wait3A_554 = arith.constant 0 : i32
      %dma_wait3A_555 = tpu.memref_slice %arg8[%dma_wait3A_553, %dma_wait3A_554] : memref<160x128xi32, #tpu.memory_space<vmem>> -> memref<1x128xi32, #tpu.memory_space<vmem>>
      %dma_wait3A_556 = tpu.memref_squeeze %dma_wait3A_555 : memref<1x128xi32, #tpu.memory_space<vmem>> -> memref<128xi32, #tpu.memory_space<vmem>>
      %dma_wait3A_557 = arith.constant 0 : i32
      %dma_wait3A_558 = arith.constant 0 : i32
      %dma_wait3A_559 = tpu.memref_slice %arg42[%dma_wait3A_557, %dma_wait3A_558] : memref<10000x8xf32, #tpu.memory_space<vmem_shared>> -> memref<10000x8xf32, #tpu.memory_space<vmem_shared>>
      tpu.wait_indirect_dma semaphore(%arg25 : memref<!tpu.dma_semaphore, #tpu.memory_space<semaphore_mem>>) src(%dma_wait3A_559 : memref<10000x8xf32, #tpu.memory_space<vmem_shared>>) dst(%arg17 : memref<128x8xf32, #tpu.memory_space<vmem>>)
      %dma_start3A_560 = arith.constant 0 : i32
      %dma_start3A_561 = tpu.memref_slice %arg9[%add3A_552, %dma_start3A_560] : memref<160x128xi32, #tpu.memory_space<vmem>> -> memref<1x128xi32, #tpu.memory_space<vmem>>
      %dma_start3A_562 = tpu.memref_squeeze %dma_start3A_561 : memref<1x128xi32, #tpu.memory_space<vmem>> -> memref<128xi32, #tpu.memory_space<vmem>>
      %dma_start3A_563 = arith.constant 0 : i32
      %dma_start3A_564 = arith.constant 0 : i32
      %dma_start3A_565 = tpu.memref_slice %arg44[%dma_start3A_563, %dma_start3A_564] : memref<10016x8xf32, #tpu.memory_space<vmem_shared>> -> memref<10016x8xf32, #tpu.memory_space<vmem_shared>>
      tpu.enqueue_indirect_dma source(%arg17 : memref<128x8xf32, #tpu.memory_space<vmem>>) target(%dma_start3A_565 : memref<10016x8xf32, #tpu.memory_space<vmem_shared>>) offsets(%dma_start3A_562 : memref<128xi32, #tpu.memory_space<vmem>>) semaphore(%arg33 : memref<!tpu.dma_semaphore, #tpu.memory_space<semaphore_mem>>) {add = true}
      %lt3A_566 = arith.constant 19 : i32
      %lt3A_567 = arith.cmpi slt, %scan3A_409, %lt3A_566 : i32
      %convert_element_type3A_568 = arith.extui %lt3A_567 : i1 to i32
      %cond3A_569 = arith.constant 0 : i32
      %cond3A_570 = arith.cmpi ne, %convert_element_type3A_568, %cond3A_569 : i32
      scf.if %cond3A_570 {
        %dma_wait3A_571 = arith.constant 0 : i32
        %dma_wait3A_572 = arith.constant 0 : i32
        %dma_wait3A_573 = tpu.memref_slice %arg9[%dma_wait3A_571, %dma_wait3A_572] : memref<160x128xi32, #tpu.memory_space<vmem>> -> memref<1x128xi32, #tpu.memory_space<vmem>>
        %dma_wait3A_574 = tpu.memref_squeeze %dma_wait3A_573 : memref<1x128xi32, #tpu.memory_space<vmem>> -> memref<128xi32, #tpu.memory_space<vmem>>
        %dma_wait3A_575 = arith.constant 0 : i32
        %dma_wait3A_576 = arith.constant 0 : i32
        %dma_wait3A_577 = tpu.memref_slice %arg44[%dma_wait3A_575, %dma_wait3A_576] : memref<10016x8xf32, #tpu.memory_space<vmem_shared>> -> memref<10016x8xf32, #tpu.memory_space<vmem_shared>>
        tpu.wait_indirect_dma semaphore(%arg33 : memref<!tpu.dma_semaphore, #tpu.memory_space<semaphore_mem>>) src(%arg17 : memref<128x8xf32, #tpu.memory_space<vmem>>) dst(%dma_wait3A_577 : memref<10016x8xf32, #tpu.memory_space<vmem_shared>>)
        %add3A_578 = arith.constant 8 : i32
        %add3A_579 = arith.addi %add3A_552, %add3A_578 : i32
        %dma_start3A_580 = arith.constant 0 : i32
        %dma_start3A_581 = tpu.memref_slice %arg8[%add3A_579, %dma_start3A_580] : memref<160x128xi32, #tpu.memory_space<vmem>> -> memref<1x128xi32, #tpu.memory_space<vmem>>
        %dma_start3A_582 = tpu.memref_squeeze %dma_start3A_581 : memref<1x128xi32, #tpu.memory_space<vmem>> -> memref<128xi32, #tpu.memory_space<vmem>>
        %dma_start3A_583 = arith.constant 0 : i32
        %dma_start3A_584 = arith.constant 0 : i32
        %dma_start3A_585 = tpu.memref_slice %arg42[%dma_start3A_583, %dma_start3A_584] : memref<10000x8xf32, #tpu.memory_space<vmem_shared>> -> memref<10000x8xf32, #tpu.memory_space<vmem_shared>>
        tpu.enqueue_indirect_dma source(%dma_start3A_585 : memref<10000x8xf32, #tpu.memory_space<vmem_shared>>) target(%arg17 : memref<128x8xf32, #tpu.memory_space<vmem>>) offsets(%dma_start3A_582 : memref<128xi32, #tpu.memory_space<vmem>>) semaphore(%arg25 : memref<!tpu.dma_semaphore, #tpu.memory_space<semaphore_mem>>)
      } else {
      }
    }
    %scan3A_171 = arith.constant 20 : i32
    %dma_wait3A = arith.constant 0 : i32
    %dma_wait3A_172 = arith.constant 0 : i32
    %dma_wait3A_173 = tpu.memref_slice %arg9[%dma_wait3A, %dma_wait3A_172] : memref<160x128xi32, #tpu.memory_space<vmem>> -> memref<1x128xi32, #tpu.memory_space<vmem>>
    %dma_wait3A_174 = tpu.memref_squeeze %dma_wait3A_173 : memref<1x128xi32, #tpu.memory_space<vmem>> -> memref<128xi32, #tpu.memory_space<vmem>>
    %dma_wait3A_175 = arith.constant 0 : i32
    %dma_wait3A_176 = arith.constant 0 : i32
    %dma_wait3A_177 = tpu.memref_slice %arg44[%dma_wait3A_175, %dma_wait3A_176] : memref<10016x8xf32, #tpu.memory_space<vmem_shared>> -> memref<10016x8xf32, #tpu.memory_space<vmem_shared>>
    tpu.wait_indirect_dma semaphore(%arg26 : memref<!tpu.dma_semaphore, #tpu.memory_space<semaphore_mem>>) src(%arg10 : memref<128x8xf32, #tpu.memory_space<vmem>>) dst(%dma_wait3A_177 : memref<10016x8xf32, #tpu.memory_space<vmem_shared>>)
    %dma_wait3A_178 = arith.constant 0 : i32
    %dma_wait3A_179 = arith.constant 0 : i32
    %dma_wait3A_180 = tpu.memref_slice %arg9[%dma_wait3A_178, %dma_wait3A_179] : memref<160x128xi32, #tpu.memory_space<vmem>> -> memref<1x128xi32, #tpu.memory_space<vmem>>
    %dma_wait3A_181 = tpu.memref_squeeze %dma_wait3A_180 : memref<1x128xi32, #tpu.memory_space<vmem>> -> memref<128xi32, #tpu.memory_space<vmem>>
    %dma_wait3A_182 = arith.constant 0 : i32
    %dma_wait3A_183 = arith.constant 0 : i32
    %dma_wait3A_184 = tpu.memref_slice %arg44[%dma_wait3A_182, %dma_wait3A_183] : memref<10016x8xf32, #tpu.memory_space<vmem_shared>> -> memref<10016x8xf32, #tpu.memory_space<vmem_shared>>
    tpu.wait_indirect_dma semaphore(%arg27 : memref<!tpu.dma_semaphore, #tpu.memory_space<semaphore_mem>>) src(%arg11 : memref<128x8xf32, #tpu.memory_space<vmem>>) dst(%dma_wait3A_184 : memref<10016x8xf32, #tpu.memory_space<vmem_shared>>)
    %dma_wait3A_185 = arith.constant 0 : i32
    %dma_wait3A_186 = arith.constant 0 : i32
    %dma_wait3A_187 = tpu.memref_slice %arg9[%dma_wait3A_185, %dma_wait3A_186] : memref<160x128xi32, #tpu.memory_space<vmem>> -> memref<1x128xi32, #tpu.memory_space<vmem>>
    %dma_wait3A_188 = tpu.memref_squeeze %dma_wait3A_187 : memref<1x128xi32, #tpu.memory_space<vmem>> -> memref<128xi32, #tpu.memory_space<vmem>>
    %dma_wait3A_189 = arith.constant 0 : i32
    %dma_wait3A_190 = arith.constant 0 : i32
    %dma_wait3A_191 = tpu.memref_slice %arg44[%dma_wait3A_189, %dma_wait3A_190] : memref<10016x8xf32, #tpu.memory_space<vmem_shared>> -> memref<10016x8xf32, #tpu.memory_space<vmem_shared>>
    tpu.wait_indirect_dma semaphore(%arg28 : memref<!tpu.dma_semaphore, #tpu.memory_space<semaphore_mem>>) src(%arg12 : memref<128x8xf32, #tpu.memory_space<vmem>>) dst(%dma_wait3A_191 : memref<10016x8xf32, #tpu.memory_space<vmem_shared>>)
    %dma_wait3A_192 = arith.constant 0 : i32
    %dma_wait3A_193 = arith.constant 0 : i32
    %dma_wait3A_194 = tpu.memref_slice %arg9[%dma_wait3A_192, %dma_wait3A_193] : memref<160x128xi32, #tpu.memory_space<vmem>> -> memref<1x128xi32, #tpu.memory_space<vmem>>
    %dma_wait3A_195 = tpu.memref_squeeze %dma_wait3A_194 : memref<1x128xi32, #tpu.memory_space<vmem>> -> memref<128xi32, #tpu.memory_space<vmem>>
    %dma_wait3A_196 = arith.constant 0 : i32
    %dma_wait3A_197 = arith.constant 0 : i32
    %dma_wait3A_198 = tpu.memref_slice %arg44[%dma_wait3A_196, %dma_wait3A_197] : memref<10016x8xf32, #tpu.memory_space<vmem_shared>> -> memref<10016x8xf32, #tpu.memory_space<vmem_shared>>
    tpu.wait_indirect_dma semaphore(%arg29 : memref<!tpu.dma_semaphore, #tpu.memory_space<semaphore_mem>>) src(%arg13 : memref<128x8xf32, #tpu.memory_space<vmem>>) dst(%dma_wait3A_198 : memref<10016x8xf32, #tpu.memory_space<vmem_shared>>)
    %dma_wait3A_199 = arith.constant 0 : i32
    %dma_wait3A_200 = arith.constant 0 : i32
    %dma_wait3A_201 = tpu.memref_slice %arg9[%dma_wait3A_199, %dma_wait3A_200] : memref<160x128xi32, #tpu.memory_space<vmem>> -> memref<1x128xi32, #tpu.memory_space<vmem>>
    %dma_wait3A_202 = tpu.memref_squeeze %dma_wait3A_201 : memref<1x128xi32, #tpu.memory_space<vmem>> -> memref<128xi32, #tpu.memory_space<vmem>>
    %dma_wait3A_203 = arith.constant 0 : i32
    %dma_wait3A_204 = arith.constant 0 : i32
    %dma_wait3A_205 = tpu.memref_slice %arg44[%dma_wait3A_203, %dma_wait3A_204] : memref<10016x8xf32, #tpu.memory_space<vmem_shared>> -> memref<10016x8xf32, #tpu.memory_space<vmem_shared>>
    tpu.wait_indirect_dma semaphore(%arg30 : memref<!tpu.dma_semaphore, #tpu.memory_space<semaphore_mem>>) src(%arg14 : memref<128x8xf32, #tpu.memory_space<vmem>>) dst(%dma_wait3A_205 : memref<10016x8xf32, #tpu.memory_space<vmem_shared>>)
    %dma_wait3A_206 = arith.constant 0 : i32
    %dma_wait3A_207 = arith.constant 0 : i32
    %dma_wait3A_208 = tpu.memref_slice %arg9[%dma_wait3A_206, %dma_wait3A_207] : memref<160x128xi32, #tpu.memory_space<vmem>> -> memref<1x128xi32, #tpu.memory_space<vmem>>
    %dma_wait3A_209 = tpu.memref_squeeze %dma_wait3A_208 : memref<1x128xi32, #tpu.memory_space<vmem>> -> memref<128xi32, #tpu.memory_space<vmem>>
    %dma_wait3A_210 = arith.constant 0 : i32
    %dma_wait3A_211 = arith.constant 0 : i32
    %dma_wait3A_212 = tpu.memref_slice %arg44[%dma_wait3A_210, %dma_wait3A_211] : memref<10016x8xf32, #tpu.memory_space<vmem_shared>> -> memref<10016x8xf32, #tpu.memory_space<vmem_shared>>
    tpu.wait_indirect_dma semaphore(%arg31 : memref<!tpu.dma_semaphore, #tpu.memory_space<semaphore_mem>>) src(%arg15 : memref<128x8xf32, #tpu.memory_space<vmem>>) dst(%dma_wait3A_212 : memref<10016x8xf32, #tpu.memory_space<vmem_shared>>)
    %dma_wait3A_213 = arith.constant 0 : i32
    %dma_wait3A_214 = arith.constant 0 : i32
    %dma_wait3A_215 = tpu.memref_slice %arg9[%dma_wait3A_213, %dma_wait3A_214] : memref<160x128xi32, #tpu.memory_space<vmem>> -> memref<1x128xi32, #tpu.memory_space<vmem>>
    %dma_wait3A_216 = tpu.memref_squeeze %dma_wait3A_215 : memref<1x128xi32, #tpu.memory_space<vmem>> -> memref<128xi32, #tpu.memory_space<vmem>>
    %dma_wait3A_217 = arith.constant 0 : i32
    %dma_wait3A_218 = arith.constant 0 : i32
    %dma_wait3A_219 = tpu.memref_slice %arg44[%dma_wait3A_217, %dma_wait3A_218] : memref<10016x8xf32, #tpu.memory_space<vmem_shared>> -> memref<10016x8xf32, #tpu.memory_space<vmem_shared>>
    tpu.wait_indirect_dma semaphore(%arg32 : memref<!tpu.dma_semaphore, #tpu.memory_space<semaphore_mem>>) src(%arg16 : memref<128x8xf32, #tpu.memory_space<vmem>>) dst(%dma_wait3A_219 : memref<10016x8xf32, #tpu.memory_space<vmem_shared>>)
    %dma_wait3A_220 = arith.constant 0 : i32
    %dma_wait3A_221 = arith.constant 0 : i32
    %dma_wait3A_222 = tpu.memref_slice %arg9[%dma_wait3A_220, %dma_wait3A_221] : memref<160x128xi32, #tpu.memory_space<vmem>> -> memref<1x128xi32, #tpu.memory_space<vmem>>
    %dma_wait3A_223 = tpu.memref_squeeze %dma_wait3A_222 : memref<1x128xi32, #tpu.memory_space<vmem>> -> memref<128xi32, #tpu.memory_space<vmem>>
    %dma_wait3A_224 = arith.constant 0 : i32
    %dma_wait3A_225 = arith.constant 0 : i32
    %dma_wait3A_226 = tpu.memref_slice %arg44[%dma_wait3A_224, %dma_wait3A_225] : memref<10016x8xf32, #tpu.memory_space<vmem_shared>> -> memref<10016x8xf32, #tpu.memory_space<vmem_shared>>
    tpu.wait_indirect_dma semaphore(%arg33 : memref<!tpu.dma_semaphore, #tpu.memory_space<semaphore_mem>>) src(%arg17 : memref<128x8xf32, #tpu.memory_space<vmem>>) dst(%dma_wait3A_226 : memref<10016x8xf32, #tpu.memory_space<vmem_shared>>)
    %barrier3A_227 = arith.constant 0 : index
    tpu.barrier barrier_id(%barrier3A_227)
    %get3A = arith.constant 0 : index
    %get3A_228 = tpu.vector_load %arg38[%get3A] {strides = array<i32>} : memref<16xf32, #tpu.memory_space<vmem>>, vector<16xf32>,
    %lt3A_229 = arith.constant 15 : i32
    %lt3A_230 = arith.cmpi slt, %arg1, %lt3A_229 : i32
    %convert_element_type3A_231 = arith.extui %lt3A_230 : i1 to i32
    %cond3A_232 = arith.constant 0 : i32
    %cond3A_233 = arith.cmpi ne, %convert_element_type3A_231, %cond3A_232 : i32
    scf.if %cond3A_233 {
      "tpu.region"() ({
        %run_scoped3A_409 = tpu.sem_alloc : memref<!tpu.dma_semaphore, #tpu.memory_space<semaphore_mem>>
        %dma_start3A_410 = arith.constant 0 : i32
        %dma_start3A_411 = arith.constant 0 : i32
        %dma_start3A_412 = tpu.memref_slice %arg34[%dma_start3A_410, %dma_start3A_411] : memref<632x8xf32, #tpu.memory_space<vmem>> -> memref<632x8xf32, #tpu.memory_space<vmem>>
        %dma_start3A_413 = arith.constant 0 : i32
        %dma_start3A_414 = tpu.memref_slice %arg44[%multiple_of3A_34, %dma_start3A_413] : memref<10016x8xf32, #tpu.memory_space<vmem_shared>> -> memref<632x8xf32, #tpu.memory_space<vmem_shared>>
        %dma_start3A_415 = arith.constant 0 : i32
        %dma_start3A_416 = arith.constant 0 : i32
        %dma_start3A_417 = tpu.memref_slice %arg34[%dma_start3A_415, %dma_start3A_416] : memref<632x8xf32, #tpu.memory_space<vmem>> -> memref<632x8xf32, #tpu.memory_space<vmem>>
        %dma_start3A_418 = arith.constant 0 : i32
        %dma_start3A_419 = tpu.memref_slice %arg44[%multiple_of3A_34, %dma_start3A_418] : memref<10016x8xf32, #tpu.memory_space<vmem_shared>> -> memref<632x8xf32, #tpu.memory_space<vmem_shared>>
        tpu.enqueue_dma source(%dma_start3A_419 : memref<632x8xf32, #tpu.memory_space<vmem_shared>>) target(%dma_start3A_417 : memref<632x8xf32, #tpu.memory_space<vmem>>) target_semaphore(%run_scoped3A_409 : memref<!tpu.dma_semaphore, #tpu.memory_space<semaphore_mem>>)
        %dma_wait3A_420 = arith.constant 0 : i32
        %dma_wait3A_421 = arith.constant 0 : i32
        %dma_wait3A_422 = tpu.memref_slice %arg34[%dma_wait3A_420, %dma_wait3A_421] : memref<632x8xf32, #tpu.memory_space<vmem>> -> memref<632x8xf32, #tpu.memory_space<vmem>>
        %dma_wait3A_423 = arith.constant 0 : i32
        %dma_wait3A_424 = tpu.memref_slice %arg44[%multiple_of3A_34, %dma_wait3A_423] : memref<10016x8xf32, #tpu.memory_space<vmem_shared>> -> memref<632x8xf32, #tpu.memory_space<vmem_shared>>
        %dma_wait3A_425 = arith.constant 0 : i32
        %dma_wait3A_426 = arith.constant 0 : i32
        %dma_wait3A_427 = tpu.memref_slice %arg34[%dma_wait3A_425, %dma_wait3A_426] : memref<632x8xf32, #tpu.memory_space<vmem>> -> memref<632x8xf32, #tpu.memory_space<vmem>>
        %dma_wait3A_428 = arith.constant 0 : i32
        %dma_wait3A_429 = tpu.memref_slice %arg44[%multiple_of3A_34, %dma_wait3A_428] : memref<10016x8xf32, #tpu.memory_space<vmem_shared>> -> memref<632x8xf32, #tpu.memory_space<vmem_shared>>
        tpu.wait_dma2 semaphore(%run_scoped3A_409 : memref<!tpu.dma_semaphore, #tpu.memory_space<semaphore_mem>>) src(%dma_wait3A_429 : memref<632x8xf32, #tpu.memory_space<vmem_shared>>) dst(%dma_wait3A_427 : memref<632x8xf32, #tpu.memory_space<vmem>>)
        tpu.yield
      }) : () -> ()
      "tpu.region"() ({
        %run_scoped3A_409 = tpu.sem_alloc : memref<!tpu.dma_semaphore, #tpu.memory_space<semaphore_mem>>
        %dma_start3A_410 = arith.constant 0 : i32
        %dma_start3A_411 = arith.constant 0 : i32
        %dma_start3A_412 = tpu.memref_slice %arg35[%dma_start3A_410, %dma_start3A_411] : memref<632x8xf32, #tpu.memory_space<vmem>> -> memref<632x8xf32, #tpu.memory_space<vmem>>
        %dma_start3A_413 = arith.constant 0 : i32
        %dma_start3A_414 = tpu.memref_slice %arg42[%multiple_of3A_34, %dma_start3A_413] : memref<10000x8xf32, #tpu.memory_space<vmem_shared>> -> memref<632x8xf32, #tpu.memory_space<vmem_shared>>
        %dma_start3A_415 = arith.constant 0 : i32
        %dma_start3A_416 = arith.constant 0 : i32
        %dma_start3A_417 = tpu.memref_slice %arg35[%dma_start3A_415, %dma_start3A_416] : memref<632x8xf32, #tpu.memory_space<vmem>> -> memref<632x8xf32, #tpu.memory_space<vmem>>
        %dma_start3A_418 = arith.constant 0 : i32
        %dma_start3A_419 = tpu.memref_slice %arg42[%multiple_of3A_34, %dma_start3A_418] : memref<10000x8xf32, #tpu.memory_space<vmem_shared>> -> memref<632x8xf32, #tpu.memory_space<vmem_shared>>
        tpu.enqueue_dma source(%dma_start3A_419 : memref<632x8xf32, #tpu.memory_space<vmem_shared>>) target(%dma_start3A_417 : memref<632x8xf32, #tpu.memory_space<vmem>>) target_semaphore(%run_scoped3A_409 : memref<!tpu.dma_semaphore, #tpu.memory_space<semaphore_mem>>)
        %dma_wait3A_420 = arith.constant 0 : i32
        %dma_wait3A_421 = arith.constant 0 : i32
        %dma_wait3A_422 = tpu.memref_slice %arg35[%dma_wait3A_420, %dma_wait3A_421] : memref<632x8xf32, #tpu.memory_space<vmem>> -> memref<632x8xf32, #tpu.memory_space<vmem>>
        %dma_wait3A_423 = arith.constant 0 : i32
        %dma_wait3A_424 = tpu.memref_slice %arg42[%multiple_of3A_34, %dma_wait3A_423] : memref<10000x8xf32, #tpu.memory_space<vmem_shared>> -> memref<632x8xf32, #tpu.memory_space<vmem_shared>>
        %dma_wait3A_425 = arith.constant 0 : i32
        %dma_wait3A_426 = arith.constant 0 : i32
        %dma_wait3A_427 = tpu.memref_slice %arg35[%dma_wait3A_425, %dma_wait3A_426] : memref<632x8xf32, #tpu.memory_space<vmem>> -> memref<632x8xf32, #tpu.memory_space<vmem>>
        %dma_wait3A_428 = arith.constant 0 : i32
        %dma_wait3A_429 = tpu.memref_slice %arg42[%multiple_of3A_34, %dma_wait3A_428] : memref<10000x8xf32, #tpu.memory_space<vmem_shared>> -> memref<632x8xf32, #tpu.memory_space<vmem_shared>>
        tpu.wait_dma2 semaphore(%run_scoped3A_409 : memref<!tpu.dma_semaphore, #tpu.memory_space<semaphore_mem>>) src(%dma_wait3A_429 : memref<632x8xf32, #tpu.memory_space<vmem_shared>>) dst(%dma_wait3A_427 : memref<632x8xf32, #tpu.memory_space<vmem>>)
        tpu.yield
      }) : () -> ()
    } else {
    }
    %eq3A_234 = arith.constant 15 : i32
    %eq3A_235 = arith.cmpi eq, %arg1, %eq3A_234 : i32
    %convert_element_type3A_236 = arith.extui %eq3A_235 : i1 to i32
    %cond3A_237 = arith.constant 0 : i32
    %cond3A_238 = arith.cmpi ne, %convert_element_type3A_236, %cond3A_237 : i32
    scf.if %cond3A_238 {
      "tpu.region"() ({
        %run_scoped3A_409 = tpu.sem_alloc : memref<!tpu.dma_semaphore, #tpu.memory_space<semaphore_mem>>
        %dma_start3A_410 = arith.constant 0 : i32
        %dma_start3A_411 = arith.constant 0 : i32
        %dma_start3A_412 = tpu.memref_slice %arg34[%dma_start3A_410, %dma_start3A_411] : memref<632x8xf32, #tpu.memory_space<vmem>> -> memref<520x8xf32, #tpu.memory_space<vmem>>
        %dma_start3A_413 = arith.constant 0 : i32
        %dma_start3A_414 = tpu.memref_slice %arg44[%multiple_of3A_34, %dma_start3A_413] : memref<10016x8xf32, #tpu.memory_space<vmem_shared>> -> memref<520x8xf32, #tpu.memory_space<vmem_shared>>
        %dma_start3A_415 = arith.constant 0 : i32
        %dma_start3A_416 = arith.constant 0 : i32
        %dma_start3A_417 = tpu.memref_slice %arg34[%dma_start3A_415, %dma_start3A_416] : memref<632x8xf32, #tpu.memory_space<vmem>> -> memref<520x8xf32, #tpu.memory_space<vmem>>
        %dma_start3A_418 = arith.constant 0 : i32
        %dma_start3A_419 = tpu.memref_slice %arg44[%multiple_of3A_34, %dma_start3A_418] : memref<10016x8xf32, #tpu.memory_space<vmem_shared>> -> memref<520x8xf32, #tpu.memory_space<vmem_shared>>
        tpu.enqueue_dma source(%dma_start3A_419 : memref<520x8xf32, #tpu.memory_space<vmem_shared>>) target(%dma_start3A_417 : memref<520x8xf32, #tpu.memory_space<vmem>>) target_semaphore(%run_scoped3A_409 : memref<!tpu.dma_semaphore, #tpu.memory_space<semaphore_mem>>)
        %dma_wait3A_420 = arith.constant 0 : i32
        %dma_wait3A_421 = arith.constant 0 : i32
        %dma_wait3A_422 = tpu.memref_slice %arg34[%dma_wait3A_420, %dma_wait3A_421] : memref<632x8xf32, #tpu.memory_space<vmem>> -> memref<520x8xf32, #tpu.memory_space<vmem>>
        %dma_wait3A_423 = arith.constant 0 : i32
        %dma_wait3A_424 = tpu.memref_slice %arg44[%multiple_of3A_34, %dma_wait3A_423] : memref<10016x8xf32, #tpu.memory_space<vmem_shared>> -> memref<520x8xf32, #tpu.memory_space<vmem_shared>>
        %dma_wait3A_425 = arith.constant 0 : i32
        %dma_wait3A_426 = arith.constant 0 : i32
        %dma_wait3A_427 = tpu.memref_slice %arg34[%dma_wait3A_425, %dma_wait3A_426] : memref<632x8xf32, #tpu.memory_space<vmem>> -> memref<520x8xf32, #tpu.memory_space<vmem>>
        %dma_wait3A_428 = arith.constant 0 : i32
        %dma_wait3A_429 = tpu.memref_slice %arg44[%multiple_of3A_34, %dma_wait3A_428] : memref<10016x8xf32, #tpu.memory_space<vmem_shared>> -> memref<520x8xf32, #tpu.memory_space<vmem_shared>>
        tpu.wait_dma2 semaphore(%run_scoped3A_409 : memref<!tpu.dma_semaphore, #tpu.memory_space<semaphore_mem>>) src(%dma_wait3A_429 : memref<520x8xf32, #tpu.memory_space<vmem_shared>>) dst(%dma_wait3A_427 : memref<520x8xf32, #tpu.memory_space<vmem>>)
        tpu.yield
      }) : () -> ()
      "tpu.region"() ({
        %run_scoped3A_409 = tpu.sem_alloc : memref<!tpu.dma_semaphore, #tpu.memory_space<semaphore_mem>>
        %dma_start3A_410 = arith.constant 0 : i32
        %dma_start3A_411 = arith.constant 0 : i32
        %dma_start3A_412 = tpu.memref_slice %arg35[%dma_start3A_410, %dma_start3A_411] : memref<632x8xf32, #tpu.memory_space<vmem>> -> memref<520x8xf32, #tpu.memory_space<vmem>>
        %dma_start3A_413 = arith.constant 0 : i32
        %dma_start3A_414 = tpu.memref_slice %arg42[%multiple_of3A_34, %dma_start3A_413] : memref<10000x8xf32, #tpu.memory_space<vmem_shared>> -> memref<520x8xf32, #tpu.memory_space<vmem_shared>>
        %dma_start3A_415 = arith.constant 0 : i32
        %dma_start3A_416 = arith.constant 0 : i32
        %dma_start3A_417 = tpu.memref_slice %arg35[%dma_start3A_415, %dma_start3A_416] : memref<632x8xf32, #tpu.memory_space<vmem>> -> memref<520x8xf32, #tpu.memory_space<vmem>>
        %dma_start3A_418 = arith.constant 0 : i32
        %dma_start3A_419 = tpu.memref_slice %arg42[%multiple_of3A_34, %dma_start3A_418] : memref<10000x8xf32, #tpu.memory_space<vmem_shared>> -> memref<520x8xf32, #tpu.memory_space<vmem_shared>>
        tpu.enqueue_dma source(%dma_start3A_419 : memref<520x8xf32, #tpu.memory_space<vmem_shared>>) target(%dma_start3A_417 : memref<520x8xf32, #tpu.memory_space<vmem>>) target_semaphore(%run_scoped3A_409 : memref<!tpu.dma_semaphore, #tpu.memory_space<semaphore_mem>>)
        %dma_wait3A_420 = arith.constant 0 : i32
        %dma_wait3A_421 = arith.constant 0 : i32
        %dma_wait3A_422 = tpu.memref_slice %arg35[%dma_wait3A_420, %dma_wait3A_421] : memref<632x8xf32, #tpu.memory_space<vmem>> -> memref<520x8xf32, #tpu.memory_space<vmem>>
        %dma_wait3A_423 = arith.constant 0 : i32
        %dma_wait3A_424 = tpu.memref_slice %arg42[%multiple_of3A_34, %dma_wait3A_423] : memref<10000x8xf32, #tpu.memory_space<vmem_shared>> -> memref<520x8xf32, #tpu.memory_space<vmem_shared>>
        %dma_wait3A_425 = arith.constant 0 : i32
        %dma_wait3A_426 = arith.constant 0 : i32
        %dma_wait3A_427 = tpu.memref_slice %arg35[%dma_wait3A_425, %dma_wait3A_426] : memref<632x8xf32, #tpu.memory_space<vmem>> -> memref<520x8xf32, #tpu.memory_space<vmem>>
        %dma_wait3A_428 = arith.constant 0 : i32
        %dma_wait3A_429 = tpu.memref_slice %arg42[%multiple_of3A_34, %dma_wait3A_428] : memref<10000x8xf32, #tpu.memory_space<vmem_shared>> -> memref<520x8xf32, #tpu.memory_space<vmem_shared>>
        tpu.wait_dma2 semaphore(%run_scoped3A_409 : memref<!tpu.dma_semaphore, #tpu.memory_space<semaphore_mem>>) src(%dma_wait3A_429 : memref<520x8xf32, #tpu.memory_space<vmem_shared>>) dst(%dma_wait3A_427 : memref<520x8xf32, #tpu.memory_space<vmem>>)
        tpu.yield
      }) : () -> ()
    } else {
    }
    %while3A_239 = arith.constant 0 : i32
    %while3A_240 = arith.constant 0 : i32
    %while3A_241 = arith.subi %select_n3A, %while3A_240 : i32
    %while3A_242 = arith.addi %while3A_240, %while3A_241 : i32
    %while3A_243 = arith.constant 1 : i32
    %while3A_244 = arith.divsi %while3A_241, %while3A_243 : i32
    %while3A_245 = arith.muli %while3A_244, %while3A_243 : i32
    %while3A_246 = arith.addi %while3A_240, %while3A_245 : i32
    %while3A_247 = arith.constant 1 : i32
    scf.for %while3A_409 = %while3A_240 to %while3A_246 step %while3A_247  : i32 {
      %mul3A_410 = arith.constant 2 : i32
      %mul3A_411 = arith.muli %mul3A_410, %while3A_409 : i32
      %add3A = vector.broadcast %mul3A_411 : i32 to vector<16xi32>
      %add3A_412 = arith.addi %shift_right_logical3A_85, %add3A : vector<16xi32>
      %gather3A = tpu.vector_load_idx %arg34[%add3A_412, %and3A] : memref<632x8xf32, #tpu.memory_space<vmem>>[vector<16xi32>, vector<16xi32>], vector<16xf32>,
      %gather3A_413 = tpu.vector_load_idx %arg35[%add3A_412, %and3A] : memref<632x8xf32, #tpu.memory_space<vmem>>[vector<16xi32>, vector<16xi32>], vector<16xf32>,
      %gather3A_414 = tpu.vector_load_idx %arg40[%add3A_412] : memref<640xf32, #tpu.memory_space<vmem>>[vector<16xi32>], vector<16xf32>,
      %add3A_415 = arith.addf %gather3A, %gather3A_413 : vector<16xf32>
      %mul3A_416 = arith.mulf %gather3A_414, %add3A_415 : vector<16xf32>
      %add3A_417 = arith.addf %mul3A_416, %get3A_228 : vector<16xf32>
      %max3A = arith.constant 0.000000e+00 : f32
      %max3A_418 = vector.broadcast %max3A : f32 to vector<16xf32>
      %max3A_419 = arith.maximumf %add3A_417, %max3A_418 : vector<16xf32>
      %mul3A_420 = arith.mulf %max3A_419, %gather3A_414 : vector<16xf32>
      tpu.vector_store_idx %arg36[%add3A_412, %and3A], %mul3A_420 : memref<632x8xf32, #tpu.memory_space<vmem>>[vector<16xi32>, vector<16xi32>], vector<16xf32>,
    }
    %while3A_248 = arith.constant 1 : i32
    scf.for %while3A_409 = %while3A_246 to %while3A_242 step %while3A_248  : i32 {
      %mul3A_410 = arith.constant 2 : i32
      %mul3A_411 = arith.muli %mul3A_410, %while3A_409 : i32
      %add3A = vector.broadcast %mul3A_411 : i32 to vector<16xi32>
      %add3A_412 = arith.addi %shift_right_logical3A_85, %add3A : vector<16xi32>
      %gather3A = tpu.vector_load_idx %arg34[%add3A_412, %and3A] : memref<632x8xf32, #tpu.memory_space<vmem>>[vector<16xi32>, vector<16xi32>], vector<16xf32>,
      %gather3A_413 = tpu.vector_load_idx %arg35[%add3A_412, %and3A] : memref<632x8xf32, #tpu.memory_space<vmem>>[vector<16xi32>, vector<16xi32>], vector<16xf32>,
      %gather3A_414 = tpu.vector_load_idx %arg40[%add3A_412] : memref<640xf32, #tpu.memory_space<vmem>>[vector<16xi32>], vector<16xf32>,
      %add3A_415 = arith.addf %gather3A, %gather3A_413 : vector<16xf32>
      %mul3A_416 = arith.mulf %gather3A_414, %add3A_415 : vector<16xf32>
      %add3A_417 = arith.addf %mul3A_416, %get3A_228 : vector<16xf32>
      %max3A = arith.constant 0.000000e+00 : f32
      %max3A_418 = vector.broadcast %max3A : f32 to vector<16xf32>
      %max3A_419 = arith.maximumf %add3A_417, %max3A_418 : vector<16xf32>
      %mul3A_420 = arith.mulf %max3A_419, %gather3A_414 : vector<16xf32>
      tpu.vector_store_idx %arg36[%add3A_412, %and3A], %mul3A_420 : memref<632x8xf32, #tpu.memory_space<vmem>>[vector<16xi32>, vector<16xi32>], vector<16xf32>,
    }
    %lt3A_249 = arith.constant 15 : i32
    %lt3A_250 = arith.cmpi slt, %arg1, %lt3A_249 : i32
    %convert_element_type3A_251 = arith.extui %lt3A_250 : i1 to i32
    %cond3A_252 = arith.constant 0 : i32
    %cond3A_253 = arith.cmpi ne, %convert_element_type3A_251, %cond3A_252 : i32
    scf.if %cond3A_253 {
      "tpu.region"() ({
        %run_scoped3A_409 = tpu.sem_alloc : memref<!tpu.dma_semaphore, #tpu.memory_space<semaphore_mem>>
        %dma_start3A_410 = arith.constant 0 : i32
        %dma_start3A_411 = arith.constant 0 : i32
        %dma_start3A_412 = tpu.memref_slice %arg36[%dma_start3A_410, %dma_start3A_411] : memref<632x8xf32, #tpu.memory_space<vmem>> -> memref<632x8xf32, #tpu.memory_space<vmem>>
        %dma_start3A_413 = arith.constant 0 : i32
        %dma_start3A_414 = tpu.memref_slice %arg43[%multiple_of3A_34, %dma_start3A_413] : memref<10000x8xf32, #tpu.memory_space<vmem_shared>> -> memref<632x8xf32, #tpu.memory_space<vmem_shared>>
        %dma_start3A_415 = arith.constant 0 : i32
        %dma_start3A_416 = tpu.memref_slice %arg43[%multiple_of3A_34, %dma_start3A_415] : memref<10000x8xf32, #tpu.memory_space<vmem_shared>> -> memref<632x8xf32, #tpu.memory_space<vmem_shared>>
        %dma_start3A_417 = arith.constant 0 : i32
        %dma_start3A_418 = arith.constant 0 : i32
        %dma_start3A_419 = tpu.memref_slice %arg36[%dma_start3A_417, %dma_start3A_418] : memref<632x8xf32, #tpu.memory_space<vmem>> -> memref<632x8xf32, #tpu.memory_space<vmem>>
        tpu.enqueue_dma source(%dma_start3A_419 : memref<632x8xf32, #tpu.memory_space<vmem>>) target(%dma_start3A_416 : memref<632x8xf32, #tpu.memory_space<vmem_shared>>) target_semaphore(%run_scoped3A_409 : memref<!tpu.dma_semaphore, #tpu.memory_space<semaphore_mem>>)
        %dma_wait3A_420 = arith.constant 0 : i32
        %dma_wait3A_421 = arith.constant 0 : i32
        %dma_wait3A_422 = tpu.memref_slice %arg36[%dma_wait3A_420, %dma_wait3A_421] : memref<632x8xf32, #tpu.memory_space<vmem>> -> memref<632x8xf32, #tpu.memory_space<vmem>>
        %dma_wait3A_423 = arith.constant 0 : i32
        %dma_wait3A_424 = tpu.memref_slice %arg43[%multiple_of3A_34, %dma_wait3A_423] : memref<10000x8xf32, #tpu.memory_space<vmem_shared>> -> memref<632x8xf32, #tpu.memory_space<vmem_shared>>
        %dma_wait3A_425 = arith.constant 0 : i32
        %dma_wait3A_426 = tpu.memref_slice %arg43[%multiple_of3A_34, %dma_wait3A_425] : memref<10000x8xf32, #tpu.memory_space<vmem_shared>> -> memref<632x8xf32, #tpu.memory_space<vmem_shared>>
        %dma_wait3A_427 = arith.constant 0 : i32
        %dma_wait3A_428 = arith.constant 0 : i32
        %dma_wait3A_429 = tpu.memref_slice %arg36[%dma_wait3A_427, %dma_wait3A_428] : memref<632x8xf32, #tpu.memory_space<vmem>> -> memref<632x8xf32, #tpu.memory_space<vmem>>
        tpu.wait_dma2 semaphore(%run_scoped3A_409 : memref<!tpu.dma_semaphore, #tpu.memory_space<semaphore_mem>>) src(%dma_wait3A_429 : memref<632x8xf32, #tpu.memory_space<vmem>>) dst(%dma_wait3A_426 : memref<632x8xf32, #tpu.memory_space<vmem_shared>>)
        tpu.yield
      }) : () -> ()
      "tpu.region"() ({
        %run_scoped3A_409 = tpu.sem_alloc : memref<!tpu.dma_semaphore, #tpu.memory_space<semaphore_mem>>
        %dma_start3A_410 = arith.constant 0 : i32
        %dma_start3A_411 = tpu.memref_slice %arg44[%multiple_of3A_37, %dma_start3A_410] : memref<10016x8xf32, #tpu.memory_space<vmem_shared>> -> memref<632x8xf32, #tpu.memory_space<vmem_shared>>
        %dma_start3A_412 = arith.constant 0 : i32
        %dma_start3A_413 = tpu.memref_slice %arg5[%multiple_of3A_37, %dma_start3A_412] : memref<10016x8xf32, #tpu.memory_space<hbm>> -> memref<632x8xf32, #tpu.memory_space<hbm>>
        tpu.enqueue_dma source(%dma_start3A_413 : memref<632x8xf32, #tpu.memory_space<hbm>>) target(%dma_start3A_411 : memref<632x8xf32, #tpu.memory_space<vmem_shared>>) target_semaphore(%run_scoped3A_409 : memref<!tpu.dma_semaphore, #tpu.memory_space<semaphore_mem>>)
        %dma_wait3A_414 = arith.constant 0 : i32
        %dma_wait3A_415 = tpu.memref_slice %arg44[%multiple_of3A_37, %dma_wait3A_414] : memref<10016x8xf32, #tpu.memory_space<vmem_shared>> -> memref<632x8xf32, #tpu.memory_space<vmem_shared>>
        %dma_wait3A_416 = arith.constant 0 : i32
        %dma_wait3A_417 = tpu.memref_slice %arg5[%multiple_of3A_37, %dma_wait3A_416] : memref<10016x8xf32, #tpu.memory_space<hbm>> -> memref<632x8xf32, #tpu.memory_space<hbm>>
        tpu.wait_dma2 semaphore(%run_scoped3A_409 : memref<!tpu.dma_semaphore, #tpu.memory_space<semaphore_mem>>) src(%dma_wait3A_417 : memref<632x8xf32, #tpu.memory_space<hbm>>) dst(%dma_wait3A_415 : memref<632x8xf32, #tpu.memory_space<vmem_shared>>)
        tpu.yield
      }) : () -> ()
    } else {
    }
    %eq3A_254 = arith.constant 15 : i32
    %eq3A_255 = arith.cmpi eq, %arg1, %eq3A_254 : i32
    %convert_element_type3A_256 = arith.extui %eq3A_255 : i1 to i32
    %cond3A_257 = arith.constant 0 : i32
    %cond3A_258 = arith.cmpi ne, %convert_element_type3A_256, %cond3A_257 : i32
    scf.if %cond3A_258 {
      "tpu.region"() ({
        %run_scoped3A_409 = tpu.sem_alloc : memref<!tpu.dma_semaphore, #tpu.memory_space<semaphore_mem>>
        %dma_start3A_410 = arith.constant 0 : i32
        %dma_start3A_411 = arith.constant 0 : i32
        %dma_start3A_412 = tpu.memref_slice %arg36[%dma_start3A_410, %dma_start3A_411] : memref<632x8xf32, #tpu.memory_space<vmem>> -> memref<520x8xf32, #tpu.memory_space<vmem>>
        %dma_start3A_413 = arith.constant 0 : i32
        %dma_start3A_414 = tpu.memref_slice %arg43[%multiple_of3A_34, %dma_start3A_413] : memref<10000x8xf32, #tpu.memory_space<vmem_shared>> -> memref<520x8xf32, #tpu.memory_space<vmem_shared>>
        %dma_start3A_415 = arith.constant 0 : i32
        %dma_start3A_416 = tpu.memref_slice %arg43[%multiple_of3A_34, %dma_start3A_415] : memref<10000x8xf32, #tpu.memory_space<vmem_shared>> -> memref<520x8xf32, #tpu.memory_space<vmem_shared>>
        %dma_start3A_417 = arith.constant 0 : i32
        %dma_start3A_418 = arith.constant 0 : i32
        %dma_start3A_419 = tpu.memref_slice %arg36[%dma_start3A_417, %dma_start3A_418] : memref<632x8xf32, #tpu.memory_space<vmem>> -> memref<520x8xf32, #tpu.memory_space<vmem>>
        tpu.enqueue_dma source(%dma_start3A_419 : memref<520x8xf32, #tpu.memory_space<vmem>>) target(%dma_start3A_416 : memref<520x8xf32, #tpu.memory_space<vmem_shared>>) target_semaphore(%run_scoped3A_409 : memref<!tpu.dma_semaphore, #tpu.memory_space<semaphore_mem>>)
        %dma_wait3A_420 = arith.constant 0 : i32
        %dma_wait3A_421 = arith.constant 0 : i32
        %dma_wait3A_422 = tpu.memref_slice %arg36[%dma_wait3A_420, %dma_wait3A_421] : memref<632x8xf32, #tpu.memory_space<vmem>> -> memref<520x8xf32, #tpu.memory_space<vmem>>
        %dma_wait3A_423 = arith.constant 0 : i32
        %dma_wait3A_424 = tpu.memref_slice %arg43[%multiple_of3A_34, %dma_wait3A_423] : memref<10000x8xf32, #tpu.memory_space<vmem_shared>> -> memref<520x8xf32, #tpu.memory_space<vmem_shared>>
        %dma_wait3A_425 = arith.constant 0 : i32
        %dma_wait3A_426 = tpu.memref_slice %arg43[%multiple_of3A_34, %dma_wait3A_425] : memref<10000x8xf32, #tpu.memory_space<vmem_shared>> -> memref<520x8xf32, #tpu.memory_space<vmem_shared>>
        %dma_wait3A_427 = arith.constant 0 : i32
        %dma_wait3A_428 = arith.constant 0 : i32
        %dma_wait3A_429 = tpu.memref_slice %arg36[%dma_wait3A_427, %dma_wait3A_428] : memref<632x8xf32, #tpu.memory_space<vmem>> -> memref<520x8xf32, #tpu.memory_space<vmem>>
        tpu.wait_dma2 semaphore(%run_scoped3A_409 : memref<!tpu.dma_semaphore, #tpu.memory_space<semaphore_mem>>) src(%dma_wait3A_429 : memref<520x8xf32, #tpu.memory_space<vmem>>) dst(%dma_wait3A_426 : memref<520x8xf32, #tpu.memory_space<vmem_shared>>)
        tpu.yield
      }) : () -> ()
      "tpu.region"() ({
        %run_scoped3A_409 = tpu.sem_alloc : memref<!tpu.dma_semaphore, #tpu.memory_space<semaphore_mem>>
        %dma_start3A_410 = arith.constant 0 : i32
        %dma_start3A_411 = tpu.memref_slice %arg44[%multiple_of3A_37, %dma_start3A_410] : memref<10016x8xf32, #tpu.memory_space<vmem_shared>> -> memref<536x8xf32, #tpu.memory_space<vmem_shared>>
        %dma_start3A_412 = arith.constant 0 : i32
        %dma_start3A_413 = tpu.memref_slice %arg5[%multiple_of3A_37, %dma_start3A_412] : memref<10016x8xf32, #tpu.memory_space<hbm>> -> memref<536x8xf32, #tpu.memory_space<hbm>>
        tpu.enqueue_dma source(%dma_start3A_413 : memref<536x8xf32, #tpu.memory_space<hbm>>) target(%dma_start3A_411 : memref<536x8xf32, #tpu.memory_space<vmem_shared>>) target_semaphore(%run_scoped3A_409 : memref<!tpu.dma_semaphore, #tpu.memory_space<semaphore_mem>>)
        %dma_wait3A_414 = arith.constant 0 : i32
        %dma_wait3A_415 = tpu.memref_slice %arg44[%multiple_of3A_37, %dma_wait3A_414] : memref<10016x8xf32, #tpu.memory_space<vmem_shared>> -> memref<536x8xf32, #tpu.memory_space<vmem_shared>>
        %dma_wait3A_416 = arith.constant 0 : i32
        %dma_wait3A_417 = tpu.memref_slice %arg5[%multiple_of3A_37, %dma_wait3A_416] : memref<10016x8xf32, #tpu.memory_space<hbm>> -> memref<536x8xf32, #tpu.memory_space<hbm>>
        tpu.wait_dma2 semaphore(%run_scoped3A_409 : memref<!tpu.dma_semaphore, #tpu.memory_space<semaphore_mem>>) src(%dma_wait3A_417 : memref<536x8xf32, #tpu.memory_space<hbm>>) dst(%dma_wait3A_415 : memref<536x8xf32, #tpu.memory_space<vmem_shared>>)
        tpu.yield
      }) : () -> ()
    } else {
    }
    %barrier3A_259 = arith.constant 0 : index
    tpu.barrier barrier_id(%barrier3A_259)
    %dma_start3A_260 = arith.constant 0 : i32
    %dma_start3A_261 = arith.constant 0 : i32
    %dma_start3A_262 = tpu.memref_slice %arg8[%dma_start3A_260, %dma_start3A_261] : memref<160x128xi32, #tpu.memory_space<vmem>> -> memref<1x128xi32, #tpu.memory_space<vmem>>
    %dma_start3A_263 = tpu.memref_squeeze %dma_start3A_262 : memref<1x128xi32, #tpu.memory_space<vmem>> -> memref<128xi32, #tpu.memory_space<vmem>>
    %dma_start3A_264 = arith.constant 0 : i32
    %dma_start3A_265 = arith.constant 0 : i32
    %dma_start3A_266 = tpu.memref_slice %arg43[%dma_start3A_264, %dma_start3A_265] : memref<10000x8xf32, #tpu.memory_space<vmem_shared>> -> memref<10000x8xf32, #tpu.memory_space<vmem_shared>>
    tpu.enqueue_indirect_dma source(%dma_start3A_266 : memref<10000x8xf32, #tpu.memory_space<vmem_shared>>) target(%arg10 : memref<128x8xf32, #tpu.memory_space<vmem>>) offsets(%dma_start3A_263 : memref<128xi32, #tpu.memory_space<vmem>>) semaphore(%arg18 : memref<!tpu.dma_semaphore, #tpu.memory_space<semaphore_mem>>)
    %dma_start3A_267 = arith.constant 1 : i32
    %dma_start3A_268 = arith.constant 0 : i32
    %dma_start3A_269 = tpu.memref_slice %arg8[%dma_start3A_267, %dma_start3A_268] : memref<160x128xi32, #tpu.memory_space<vmem>> -> memref<1x128xi32, #tpu.memory_space<vmem>>
    %dma_start3A_270 = tpu.memref_squeeze %dma_start3A_269 : memref<1x128xi32, #tpu.memory_space<vmem>> -> memref<128xi32, #tpu.memory_space<vmem>>
    %dma_start3A_271 = arith.constant 0 : i32
    %dma_start3A_272 = arith.constant 0 : i32
    %dma_start3A_273 = tpu.memref_slice %arg43[%dma_start3A_271, %dma_start3A_272] : memref<10000x8xf32, #tpu.memory_space<vmem_shared>> -> memref<10000x8xf32, #tpu.memory_space<vmem_shared>>
    tpu.enqueue_indirect_dma source(%dma_start3A_273 : memref<10000x8xf32, #tpu.memory_space<vmem_shared>>) target(%arg11 : memref<128x8xf32, #tpu.memory_space<vmem>>) offsets(%dma_start3A_270 : memref<128xi32, #tpu.memory_space<vmem>>) semaphore(%arg19 : memref<!tpu.dma_semaphore, #tpu.memory_space<semaphore_mem>>)
    %dma_start3A_274 = arith.constant 2 : i32
    %dma_start3A_275 = arith.constant 0 : i32
    %dma_start3A_276 = tpu.memref_slice %arg8[%dma_start3A_274, %dma_start3A_275] : memref<160x128xi32, #tpu.memory_space<vmem>> -> memref<1x128xi32, #tpu.memory_space<vmem>>
    %dma_start3A_277 = tpu.memref_squeeze %dma_start3A_276 : memref<1x128xi32, #tpu.memory_space<vmem>> -> memref<128xi32, #tpu.memory_space<vmem>>
    %dma_start3A_278 = arith.constant 0 : i32
    %dma_start3A_279 = arith.constant 0 : i32
    %dma_start3A_280 = tpu.memref_slice %arg43[%dma_start3A_278, %dma_start3A_279] : memref<10000x8xf32, #tpu.memory_space<vmem_shared>> -> memref<10000x8xf32, #tpu.memory_space<vmem_shared>>
    tpu.enqueue_indirect_dma source(%dma_start3A_280 : memref<10000x8xf32, #tpu.memory_space<vmem_shared>>) target(%arg12 : memref<128x8xf32, #tpu.memory_space<vmem>>) offsets(%dma_start3A_277 : memref<128xi32, #tpu.memory_space<vmem>>) semaphore(%arg20 : memref<!tpu.dma_semaphore, #tpu.memory_space<semaphore_mem>>)
    %dma_start3A_281 = arith.constant 3 : i32
    %dma_start3A_282 = arith.constant 0 : i32
    %dma_start3A_283 = tpu.memref_slice %arg8[%dma_start3A_281, %dma_start3A_282] : memref<160x128xi32, #tpu.memory_space<vmem>> -> memref<1x128xi32, #tpu.memory_space<vmem>>
    %dma_start3A_284 = tpu.memref_squeeze %dma_start3A_283 : memref<1x128xi32, #tpu.memory_space<vmem>> -> memref<128xi32, #tpu.memory_space<vmem>>
    %dma_start3A_285 = arith.constant 0 : i32
    %dma_start3A_286 = arith.constant 0 : i32
    %dma_start3A_287 = tpu.memref_slice %arg43[%dma_start3A_285, %dma_start3A_286] : memref<10000x8xf32, #tpu.memory_space<vmem_shared>> -> memref<10000x8xf32, #tpu.memory_space<vmem_shared>>
    tpu.enqueue_indirect_dma source(%dma_start3A_287 : memref<10000x8xf32, #tpu.memory_space<vmem_shared>>) target(%arg13 : memref<128x8xf32, #tpu.memory_space<vmem>>) offsets(%dma_start3A_284 : memref<128xi32, #tpu.memory_space<vmem>>) semaphore(%arg21 : memref<!tpu.dma_semaphore, #tpu.memory_space<semaphore_mem>>)
    %dma_start3A_288 = arith.constant 4 : i32
    %dma_start3A_289 = arith.constant 0 : i32
    %dma_start3A_290 = tpu.memref_slice %arg8[%dma_start3A_288, %dma_start3A_289] : memref<160x128xi32, #tpu.memory_space<vmem>> -> memref<1x128xi32, #tpu.memory_space<vmem>>
    %dma_start3A_291 = tpu.memref_squeeze %dma_start3A_290 : memref<1x128xi32, #tpu.memory_space<vmem>> -> memref<128xi32, #tpu.memory_space<vmem>>
    %dma_start3A_292 = arith.constant 0 : i32
    %dma_start3A_293 = arith.constant 0 : i32
    %dma_start3A_294 = tpu.memref_slice %arg43[%dma_start3A_292, %dma_start3A_293] : memref<10000x8xf32, #tpu.memory_space<vmem_shared>> -> memref<10000x8xf32, #tpu.memory_space<vmem_shared>>
    tpu.enqueue_indirect_dma source(%dma_start3A_294 : memref<10000x8xf32, #tpu.memory_space<vmem_shared>>) target(%arg14 : memref<128x8xf32, #tpu.memory_space<vmem>>) offsets(%dma_start3A_291 : memref<128xi32, #tpu.memory_space<vmem>>) semaphore(%arg22 : memref<!tpu.dma_semaphore, #tpu.memory_space<semaphore_mem>>)
    %dma_start3A_295 = arith.constant 5 : i32
    %dma_start3A_296 = arith.constant 0 : i32
    %dma_start3A_297 = tpu.memref_slice %arg8[%dma_start3A_295, %dma_start3A_296] : memref<160x128xi32, #tpu.memory_space<vmem>> -> memref<1x128xi32, #tpu.memory_space<vmem>>
    %dma_start3A_298 = tpu.memref_squeeze %dma_start3A_297 : memref<1x128xi32, #tpu.memory_space<vmem>> -> memref<128xi32, #tpu.memory_space<vmem>>
    %dma_start3A_299 = arith.constant 0 : i32
    %dma_start3A_300 = arith.constant 0 : i32
    %dma_start3A_301 = tpu.memref_slice %arg43[%dma_start3A_299, %dma_start3A_300] : memref<10000x8xf32, #tpu.memory_space<vmem_shared>> -> memref<10000x8xf32, #tpu.memory_space<vmem_shared>>
    tpu.enqueue_indirect_dma source(%dma_start3A_301 : memref<10000x8xf32, #tpu.memory_space<vmem_shared>>) target(%arg15 : memref<128x8xf32, #tpu.memory_space<vmem>>) offsets(%dma_start3A_298 : memref<128xi32, #tpu.memory_space<vmem>>) semaphore(%arg23 : memref<!tpu.dma_semaphore, #tpu.memory_space<semaphore_mem>>)
    %dma_start3A_302 = arith.constant 6 : i32
    %dma_start3A_303 = arith.constant 0 : i32
    %dma_start3A_304 = tpu.memref_slice %arg8[%dma_start3A_302, %dma_start3A_303] : memref<160x128xi32, #tpu.memory_space<vmem>> -> memref<1x128xi32, #tpu.memory_space<vmem>>
    %dma_start3A_305 = tpu.memref_squeeze %dma_start3A_304 : memref<1x128xi32, #tpu.memory_space<vmem>> -> memref<128xi32, #tpu.memory_space<vmem>>
    %dma_start3A_306 = arith.constant 0 : i32
    %dma_start3A_307 = arith.constant 0 : i32
    %dma_start3A_308 = tpu.memref_slice %arg43[%dma_start3A_306, %dma_start3A_307] : memref<10000x8xf32, #tpu.memory_space<vmem_shared>> -> memref<10000x8xf32, #tpu.memory_space<vmem_shared>>
    tpu.enqueue_indirect_dma source(%dma_start3A_308 : memref<10000x8xf32, #tpu.memory_space<vmem_shared>>) target(%arg16 : memref<128x8xf32, #tpu.memory_space<vmem>>) offsets(%dma_start3A_305 : memref<128xi32, #tpu.memory_space<vmem>>) semaphore(%arg24 : memref<!tpu.dma_semaphore, #tpu.memory_space<semaphore_mem>>)
    %dma_start3A_309 = arith.constant 7 : i32
    %dma_start3A_310 = arith.constant 0 : i32
    %dma_start3A_311 = tpu.memref_slice %arg8[%dma_start3A_309, %dma_start3A_310] : memref<160x128xi32, #tpu.memory_space<vmem>> -> memref<1x128xi32, #tpu.memory_space<vmem>>
    %dma_start3A_312 = tpu.memref_squeeze %dma_start3A_311 : memref<1x128xi32, #tpu.memory_space<vmem>> -> memref<128xi32, #tpu.memory_space<vmem>>
    %dma_start3A_313 = arith.constant 0 : i32
    %dma_start3A_314 = arith.constant 0 : i32
    %dma_start3A_315 = tpu.memref_slice %arg43[%dma_start3A_313, %dma_start3A_314] : memref<10000x8xf32, #tpu.memory_space<vmem_shared>> -> memref<10000x8xf32, #tpu.memory_space<vmem_shared>>
    tpu.enqueue_indirect_dma source(%dma_start3A_315 : memref<10000x8xf32, #tpu.memory_space<vmem_shared>>) target(%arg17 : memref<128x8xf32, #tpu.memory_space<vmem>>) offsets(%dma_start3A_312 : memref<128xi32, #tpu.memory_space<vmem>>) semaphore(%arg25 : memref<!tpu.dma_semaphore, #tpu.memory_space<semaphore_mem>>)
    %scan3A_316 = arith.constant 0 : i32
    %scan3A_317 = arith.constant 0 : i32
    %scan3A_318 = arith.constant 20 : i32
    %scan3A_319 = arith.addi %scan3A_317, %scan3A_318 : i32
    %scan3A_320 = arith.constant 1 : i32
    scf.for %scan3A_409 = %scan3A_317 to %scan3A_319 step %scan3A_320  : i32 {
      %mul3A_410 = arith.constant 8 : i32
      %mul3A_411 = arith.muli %mul3A_410, %scan3A_409 : i32
      %add3A = arith.constant 0 : i32
      %add3A_412 = arith.addi %mul3A_411, %add3A : i32
      %dma_wait3A_413 = arith.constant 0 : i32
      %dma_wait3A_414 = arith.constant 0 : i32
      %dma_wait3A_415 = tpu.memref_slice %arg8[%dma_wait3A_413, %dma_wait3A_414] : memref<160x128xi32, #tpu.memory_space<vmem>> -> memref<1x128xi32, #tpu.memory_space<vmem>>
      %dma_wait3A_416 = tpu.memref_squeeze %dma_wait3A_415 : memref<1x128xi32, #tpu.memory_space<vmem>> -> memref<128xi32, #tpu.memory_space<vmem>>
      %dma_wait3A_417 = arith.constant 0 : i32
      %dma_wait3A_418 = arith.constant 0 : i32
      %dma_wait3A_419 = tpu.memref_slice %arg43[%dma_wait3A_417, %dma_wait3A_418] : memref<10000x8xf32, #tpu.memory_space<vmem_shared>> -> memref<10000x8xf32, #tpu.memory_space<vmem_shared>>
      tpu.wait_indirect_dma semaphore(%arg18 : memref<!tpu.dma_semaphore, #tpu.memory_space<semaphore_mem>>) src(%dma_wait3A_419 : memref<10000x8xf32, #tpu.memory_space<vmem_shared>>) dst(%arg10 : memref<128x8xf32, #tpu.memory_space<vmem>>)
      %dma_start3A_420 = arith.constant 0 : i32
      %dma_start3A_421 = tpu.memref_slice %arg9[%add3A_412, %dma_start3A_420] : memref<160x128xi32, #tpu.memory_space<vmem>> -> memref<1x128xi32, #tpu.memory_space<vmem>>
      %dma_start3A_422 = tpu.memref_squeeze %dma_start3A_421 : memref<1x128xi32, #tpu.memory_space<vmem>> -> memref<128xi32, #tpu.memory_space<vmem>>
      %dma_start3A_423 = arith.constant 0 : i32
      %dma_start3A_424 = arith.constant 0 : i32
      %dma_start3A_425 = tpu.memref_slice %arg44[%dma_start3A_423, %dma_start3A_424] : memref<10016x8xf32, #tpu.memory_space<vmem_shared>> -> memref<10016x8xf32, #tpu.memory_space<vmem_shared>>
      tpu.enqueue_indirect_dma source(%arg10 : memref<128x8xf32, #tpu.memory_space<vmem>>) target(%dma_start3A_425 : memref<10016x8xf32, #tpu.memory_space<vmem_shared>>) offsets(%dma_start3A_422 : memref<128xi32, #tpu.memory_space<vmem>>) semaphore(%arg26 : memref<!tpu.dma_semaphore, #tpu.memory_space<semaphore_mem>>) {add = true}
      %lt3A_426 = arith.constant 19 : i32
      %lt3A_427 = arith.cmpi slt, %scan3A_409, %lt3A_426 : i32
      %convert_element_type3A_428 = arith.extui %lt3A_427 : i1 to i32
      %cond3A_429 = arith.constant 0 : i32
      %cond3A_430 = arith.cmpi ne, %convert_element_type3A_428, %cond3A_429 : i32
      scf.if %cond3A_430 {
        %dma_wait3A_571 = arith.constant 0 : i32
        %dma_wait3A_572 = arith.constant 0 : i32
        %dma_wait3A_573 = tpu.memref_slice %arg9[%dma_wait3A_571, %dma_wait3A_572] : memref<160x128xi32, #tpu.memory_space<vmem>> -> memref<1x128xi32, #tpu.memory_space<vmem>>
        %dma_wait3A_574 = tpu.memref_squeeze %dma_wait3A_573 : memref<1x128xi32, #tpu.memory_space<vmem>> -> memref<128xi32, #tpu.memory_space<vmem>>
        %dma_wait3A_575 = arith.constant 0 : i32
        %dma_wait3A_576 = arith.constant 0 : i32
        %dma_wait3A_577 = tpu.memref_slice %arg44[%dma_wait3A_575, %dma_wait3A_576] : memref<10016x8xf32, #tpu.memory_space<vmem_shared>> -> memref<10016x8xf32, #tpu.memory_space<vmem_shared>>
        tpu.wait_indirect_dma semaphore(%arg26 : memref<!tpu.dma_semaphore, #tpu.memory_space<semaphore_mem>>) src(%arg10 : memref<128x8xf32, #tpu.memory_space<vmem>>) dst(%dma_wait3A_577 : memref<10016x8xf32, #tpu.memory_space<vmem_shared>>)
        %add3A_578 = arith.constant 8 : i32
        %add3A_579 = arith.addi %add3A_412, %add3A_578 : i32
        %dma_start3A_580 = arith.constant 0 : i32
        %dma_start3A_581 = tpu.memref_slice %arg8[%add3A_579, %dma_start3A_580] : memref<160x128xi32, #tpu.memory_space<vmem>> -> memref<1x128xi32, #tpu.memory_space<vmem>>
        %dma_start3A_582 = tpu.memref_squeeze %dma_start3A_581 : memref<1x128xi32, #tpu.memory_space<vmem>> -> memref<128xi32, #tpu.memory_space<vmem>>
        %dma_start3A_583 = arith.constant 0 : i32
        %dma_start3A_584 = arith.constant 0 : i32
        %dma_start3A_585 = tpu.memref_slice %arg43[%dma_start3A_583, %dma_start3A_584] : memref<10000x8xf32, #tpu.memory_space<vmem_shared>> -> memref<10000x8xf32, #tpu.memory_space<vmem_shared>>
        tpu.enqueue_indirect_dma source(%dma_start3A_585 : memref<10000x8xf32, #tpu.memory_space<vmem_shared>>) target(%arg10 : memref<128x8xf32, #tpu.memory_space<vmem>>) offsets(%dma_start3A_582 : memref<128xi32, #tpu.memory_space<vmem>>) semaphore(%arg18 : memref<!tpu.dma_semaphore, #tpu.memory_space<semaphore_mem>>)
      } else {
      }
      %add3A_431 = arith.constant 1 : i32
      %add3A_432 = arith.addi %mul3A_411, %add3A_431 : i32
      %dma_wait3A_433 = arith.constant 0 : i32
      %dma_wait3A_434 = arith.constant 0 : i32
      %dma_wait3A_435 = tpu.memref_slice %arg8[%dma_wait3A_433, %dma_wait3A_434] : memref<160x128xi32, #tpu.memory_space<vmem>> -> memref<1x128xi32, #tpu.memory_space<vmem>>
      %dma_wait3A_436 = tpu.memref_squeeze %dma_wait3A_435 : memref<1x128xi32, #tpu.memory_space<vmem>> -> memref<128xi32, #tpu.memory_space<vmem>>
      %dma_wait3A_437 = arith.constant 0 : i32
      %dma_wait3A_438 = arith.constant 0 : i32
      %dma_wait3A_439 = tpu.memref_slice %arg43[%dma_wait3A_437, %dma_wait3A_438] : memref<10000x8xf32, #tpu.memory_space<vmem_shared>> -> memref<10000x8xf32, #tpu.memory_space<vmem_shared>>
      tpu.wait_indirect_dma semaphore(%arg19 : memref<!tpu.dma_semaphore, #tpu.memory_space<semaphore_mem>>) src(%dma_wait3A_439 : memref<10000x8xf32, #tpu.memory_space<vmem_shared>>) dst(%arg11 : memref<128x8xf32, #tpu.memory_space<vmem>>)
      %dma_start3A_440 = arith.constant 0 : i32
      %dma_start3A_441 = tpu.memref_slice %arg9[%add3A_432, %dma_start3A_440] : memref<160x128xi32, #tpu.memory_space<vmem>> -> memref<1x128xi32, #tpu.memory_space<vmem>>
      %dma_start3A_442 = tpu.memref_squeeze %dma_start3A_441 : memref<1x128xi32, #tpu.memory_space<vmem>> -> memref<128xi32, #tpu.memory_space<vmem>>
      %dma_start3A_443 = arith.constant 0 : i32
      %dma_start3A_444 = arith.constant 0 : i32
      %dma_start3A_445 = tpu.memref_slice %arg44[%dma_start3A_443, %dma_start3A_444] : memref<10016x8xf32, #tpu.memory_space<vmem_shared>> -> memref<10016x8xf32, #tpu.memory_space<vmem_shared>>
      tpu.enqueue_indirect_dma source(%arg11 : memref<128x8xf32, #tpu.memory_space<vmem>>) target(%dma_start3A_445 : memref<10016x8xf32, #tpu.memory_space<vmem_shared>>) offsets(%dma_start3A_442 : memref<128xi32, #tpu.memory_space<vmem>>) semaphore(%arg27 : memref<!tpu.dma_semaphore, #tpu.memory_space<semaphore_mem>>) {add = true}
      %lt3A_446 = arith.constant 19 : i32
      %lt3A_447 = arith.cmpi slt, %scan3A_409, %lt3A_446 : i32
      %convert_element_type3A_448 = arith.extui %lt3A_447 : i1 to i32
      %cond3A_449 = arith.constant 0 : i32
      %cond3A_450 = arith.cmpi ne, %convert_element_type3A_448, %cond3A_449 : i32
      scf.if %cond3A_450 {
        %dma_wait3A_571 = arith.constant 0 : i32
        %dma_wait3A_572 = arith.constant 0 : i32
        %dma_wait3A_573 = tpu.memref_slice %arg9[%dma_wait3A_571, %dma_wait3A_572] : memref<160x128xi32, #tpu.memory_space<vmem>> -> memref<1x128xi32, #tpu.memory_space<vmem>>
        %dma_wait3A_574 = tpu.memref_squeeze %dma_wait3A_573 : memref<1x128xi32, #tpu.memory_space<vmem>> -> memref<128xi32, #tpu.memory_space<vmem>>
        %dma_wait3A_575 = arith.constant 0 : i32
        %dma_wait3A_576 = arith.constant 0 : i32
        %dma_wait3A_577 = tpu.memref_slice %arg44[%dma_wait3A_575, %dma_wait3A_576] : memref<10016x8xf32, #tpu.memory_space<vmem_shared>> -> memref<10016x8xf32, #tpu.memory_space<vmem_shared>>
        tpu.wait_indirect_dma semaphore(%arg27 : memref<!tpu.dma_semaphore, #tpu.memory_space<semaphore_mem>>) src(%arg11 : memref<128x8xf32, #tpu.memory_space<vmem>>) dst(%dma_wait3A_577 : memref<10016x8xf32, #tpu.memory_space<vmem_shared>>)
        %add3A_578 = arith.constant 8 : i32
        %add3A_579 = arith.addi %add3A_432, %add3A_578 : i32
        %dma_start3A_580 = arith.constant 0 : i32
        %dma_start3A_581 = tpu.memref_slice %arg8[%add3A_579, %dma_start3A_580] : memref<160x128xi32, #tpu.memory_space<vmem>> -> memref<1x128xi32, #tpu.memory_space<vmem>>
        %dma_start3A_582 = tpu.memref_squeeze %dma_start3A_581 : memref<1x128xi32, #tpu.memory_space<vmem>> -> memref<128xi32, #tpu.memory_space<vmem>>
        %dma_start3A_583 = arith.constant 0 : i32
        %dma_start3A_584 = arith.constant 0 : i32
        %dma_start3A_585 = tpu.memref_slice %arg43[%dma_start3A_583, %dma_start3A_584] : memref<10000x8xf32, #tpu.memory_space<vmem_shared>> -> memref<10000x8xf32, #tpu.memory_space<vmem_shared>>
        tpu.enqueue_indirect_dma source(%dma_start3A_585 : memref<10000x8xf32, #tpu.memory_space<vmem_shared>>) target(%arg11 : memref<128x8xf32, #tpu.memory_space<vmem>>) offsets(%dma_start3A_582 : memref<128xi32, #tpu.memory_space<vmem>>) semaphore(%arg19 : memref<!tpu.dma_semaphore, #tpu.memory_space<semaphore_mem>>)
      } else {
      }
      %add3A_451 = arith.constant 2 : i32
      %add3A_452 = arith.addi %mul3A_411, %add3A_451 : i32
      %dma_wait3A_453 = arith.constant 0 : i32
      %dma_wait3A_454 = arith.constant 0 : i32
      %dma_wait3A_455 = tpu.memref_slice %arg8[%dma_wait3A_453, %dma_wait3A_454] : memref<160x128xi32, #tpu.memory_space<vmem>> -> memref<1x128xi32, #tpu.memory_space<vmem>>
      %dma_wait3A_456 = tpu.memref_squeeze %dma_wait3A_455 : memref<1x128xi32, #tpu.memory_space<vmem>> -> memref<128xi32, #tpu.memory_space<vmem>>
      %dma_wait3A_457 = arith.constant 0 : i32
      %dma_wait3A_458 = arith.constant 0 : i32
      %dma_wait3A_459 = tpu.memref_slice %arg43[%dma_wait3A_457, %dma_wait3A_458] : memref<10000x8xf32, #tpu.memory_space<vmem_shared>> -> memref<10000x8xf32, #tpu.memory_space<vmem_shared>>
      tpu.wait_indirect_dma semaphore(%arg20 : memref<!tpu.dma_semaphore, #tpu.memory_space<semaphore_mem>>) src(%dma_wait3A_459 : memref<10000x8xf32, #tpu.memory_space<vmem_shared>>) dst(%arg12 : memref<128x8xf32, #tpu.memory_space<vmem>>)
      %dma_start3A_460 = arith.constant 0 : i32
      %dma_start3A_461 = tpu.memref_slice %arg9[%add3A_452, %dma_start3A_460] : memref<160x128xi32, #tpu.memory_space<vmem>> -> memref<1x128xi32, #tpu.memory_space<vmem>>
      %dma_start3A_462 = tpu.memref_squeeze %dma_start3A_461 : memref<1x128xi32, #tpu.memory_space<vmem>> -> memref<128xi32, #tpu.memory_space<vmem>>
      %dma_start3A_463 = arith.constant 0 : i32
      %dma_start3A_464 = arith.constant 0 : i32
      %dma_start3A_465 = tpu.memref_slice %arg44[%dma_start3A_463, %dma_start3A_464] : memref<10016x8xf32, #tpu.memory_space<vmem_shared>> -> memref<10016x8xf32, #tpu.memory_space<vmem_shared>>
      tpu.enqueue_indirect_dma source(%arg12 : memref<128x8xf32, #tpu.memory_space<vmem>>) target(%dma_start3A_465 : memref<10016x8xf32, #tpu.memory_space<vmem_shared>>) offsets(%dma_start3A_462 : memref<128xi32, #tpu.memory_space<vmem>>) semaphore(%arg28 : memref<!tpu.dma_semaphore, #tpu.memory_space<semaphore_mem>>) {add = true}
      %lt3A_466 = arith.constant 19 : i32
      %lt3A_467 = arith.cmpi slt, %scan3A_409, %lt3A_466 : i32
      %convert_element_type3A_468 = arith.extui %lt3A_467 : i1 to i32
      %cond3A_469 = arith.constant 0 : i32
      %cond3A_470 = arith.cmpi ne, %convert_element_type3A_468, %cond3A_469 : i32
      scf.if %cond3A_470 {
        %dma_wait3A_571 = arith.constant 0 : i32
        %dma_wait3A_572 = arith.constant 0 : i32
        %dma_wait3A_573 = tpu.memref_slice %arg9[%dma_wait3A_571, %dma_wait3A_572] : memref<160x128xi32, #tpu.memory_space<vmem>> -> memref<1x128xi32, #tpu.memory_space<vmem>>
        %dma_wait3A_574 = tpu.memref_squeeze %dma_wait3A_573 : memref<1x128xi32, #tpu.memory_space<vmem>> -> memref<128xi32, #tpu.memory_space<vmem>>
        %dma_wait3A_575 = arith.constant 0 : i32
        %dma_wait3A_576 = arith.constant 0 : i32
        %dma_wait3A_577 = tpu.memref_slice %arg44[%dma_wait3A_575, %dma_wait3A_576] : memref<10016x8xf32, #tpu.memory_space<vmem_shared>> -> memref<10016x8xf32, #tpu.memory_space<vmem_shared>>
        tpu.wait_indirect_dma semaphore(%arg28 : memref<!tpu.dma_semaphore, #tpu.memory_space<semaphore_mem>>) src(%arg12 : memref<128x8xf32, #tpu.memory_space<vmem>>) dst(%dma_wait3A_577 : memref<10016x8xf32, #tpu.memory_space<vmem_shared>>)
        %add3A_578 = arith.constant 8 : i32
        %add3A_579 = arith.addi %add3A_452, %add3A_578 : i32
        %dma_start3A_580 = arith.constant 0 : i32
        %dma_start3A_581 = tpu.memref_slice %arg8[%add3A_579, %dma_start3A_580] : memref<160x128xi32, #tpu.memory_space<vmem>> -> memref<1x128xi32, #tpu.memory_space<vmem>>
        %dma_start3A_582 = tpu.memref_squeeze %dma_start3A_581 : memref<1x128xi32, #tpu.memory_space<vmem>> -> memref<128xi32, #tpu.memory_space<vmem>>
        %dma_start3A_583 = arith.constant 0 : i32
        %dma_start3A_584 = arith.constant 0 : i32
        %dma_start3A_585 = tpu.memref_slice %arg43[%dma_start3A_583, %dma_start3A_584] : memref<10000x8xf32, #tpu.memory_space<vmem_shared>> -> memref<10000x8xf32, #tpu.memory_space<vmem_shared>>
        tpu.enqueue_indirect_dma source(%dma_start3A_585 : memref<10000x8xf32, #tpu.memory_space<vmem_shared>>) target(%arg12 : memref<128x8xf32, #tpu.memory_space<vmem>>) offsets(%dma_start3A_582 : memref<128xi32, #tpu.memory_space<vmem>>) semaphore(%arg20 : memref<!tpu.dma_semaphore, #tpu.memory_space<semaphore_mem>>)
      } else {
      }
      %add3A_471 = arith.constant 3 : i32
      %add3A_472 = arith.addi %mul3A_411, %add3A_471 : i32
      %dma_wait3A_473 = arith.constant 0 : i32
      %dma_wait3A_474 = arith.constant 0 : i32
      %dma_wait3A_475 = tpu.memref_slice %arg8[%dma_wait3A_473, %dma_wait3A_474] : memref<160x128xi32, #tpu.memory_space<vmem>> -> memref<1x128xi32, #tpu.memory_space<vmem>>
      %dma_wait3A_476 = tpu.memref_squeeze %dma_wait3A_475 : memref<1x128xi32, #tpu.memory_space<vmem>> -> memref<128xi32, #tpu.memory_space<vmem>>
      %dma_wait3A_477 = arith.constant 0 : i32
      %dma_wait3A_478 = arith.constant 0 : i32
      %dma_wait3A_479 = tpu.memref_slice %arg43[%dma_wait3A_477, %dma_wait3A_478] : memref<10000x8xf32, #tpu.memory_space<vmem_shared>> -> memref<10000x8xf32, #tpu.memory_space<vmem_shared>>
      tpu.wait_indirect_dma semaphore(%arg21 : memref<!tpu.dma_semaphore, #tpu.memory_space<semaphore_mem>>) src(%dma_wait3A_479 : memref<10000x8xf32, #tpu.memory_space<vmem_shared>>) dst(%arg13 : memref<128x8xf32, #tpu.memory_space<vmem>>)
      %dma_start3A_480 = arith.constant 0 : i32
      %dma_start3A_481 = tpu.memref_slice %arg9[%add3A_472, %dma_start3A_480] : memref<160x128xi32, #tpu.memory_space<vmem>> -> memref<1x128xi32, #tpu.memory_space<vmem>>
      %dma_start3A_482 = tpu.memref_squeeze %dma_start3A_481 : memref<1x128xi32, #tpu.memory_space<vmem>> -> memref<128xi32, #tpu.memory_space<vmem>>
      %dma_start3A_483 = arith.constant 0 : i32
      %dma_start3A_484 = arith.constant 0 : i32
      %dma_start3A_485 = tpu.memref_slice %arg44[%dma_start3A_483, %dma_start3A_484] : memref<10016x8xf32, #tpu.memory_space<vmem_shared>> -> memref<10016x8xf32, #tpu.memory_space<vmem_shared>>
      tpu.enqueue_indirect_dma source(%arg13 : memref<128x8xf32, #tpu.memory_space<vmem>>) target(%dma_start3A_485 : memref<10016x8xf32, #tpu.memory_space<vmem_shared>>) offsets(%dma_start3A_482 : memref<128xi32, #tpu.memory_space<vmem>>) semaphore(%arg29 : memref<!tpu.dma_semaphore, #tpu.memory_space<semaphore_mem>>) {add = true}
      %lt3A_486 = arith.constant 19 : i32
      %lt3A_487 = arith.cmpi slt, %scan3A_409, %lt3A_486 : i32
      %convert_element_type3A_488 = arith.extui %lt3A_487 : i1 to i32
      %cond3A_489 = arith.constant 0 : i32
      %cond3A_490 = arith.cmpi ne, %convert_element_type3A_488, %cond3A_489 : i32
      scf.if %cond3A_490 {
        %dma_wait3A_571 = arith.constant 0 : i32
        %dma_wait3A_572 = arith.constant 0 : i32
        %dma_wait3A_573 = tpu.memref_slice %arg9[%dma_wait3A_571, %dma_wait3A_572] : memref<160x128xi32, #tpu.memory_space<vmem>> -> memref<1x128xi32, #tpu.memory_space<vmem>>
        %dma_wait3A_574 = tpu.memref_squeeze %dma_wait3A_573 : memref<1x128xi32, #tpu.memory_space<vmem>> -> memref<128xi32, #tpu.memory_space<vmem>>
        %dma_wait3A_575 = arith.constant 0 : i32
        %dma_wait3A_576 = arith.constant 0 : i32
        %dma_wait3A_577 = tpu.memref_slice %arg44[%dma_wait3A_575, %dma_wait3A_576] : memref<10016x8xf32, #tpu.memory_space<vmem_shared>> -> memref<10016x8xf32, #tpu.memory_space<vmem_shared>>
        tpu.wait_indirect_dma semaphore(%arg29 : memref<!tpu.dma_semaphore, #tpu.memory_space<semaphore_mem>>) src(%arg13 : memref<128x8xf32, #tpu.memory_space<vmem>>) dst(%dma_wait3A_577 : memref<10016x8xf32, #tpu.memory_space<vmem_shared>>)
        %add3A_578 = arith.constant 8 : i32
        %add3A_579 = arith.addi %add3A_472, %add3A_578 : i32
        %dma_start3A_580 = arith.constant 0 : i32
        %dma_start3A_581 = tpu.memref_slice %arg8[%add3A_579, %dma_start3A_580] : memref<160x128xi32, #tpu.memory_space<vmem>> -> memref<1x128xi32, #tpu.memory_space<vmem>>
        %dma_start3A_582 = tpu.memref_squeeze %dma_start3A_581 : memref<1x128xi32, #tpu.memory_space<vmem>> -> memref<128xi32, #tpu.memory_space<vmem>>
        %dma_start3A_583 = arith.constant 0 : i32
        %dma_start3A_584 = arith.constant 0 : i32
        %dma_start3A_585 = tpu.memref_slice %arg43[%dma_start3A_583, %dma_start3A_584] : memref<10000x8xf32, #tpu.memory_space<vmem_shared>> -> memref<10000x8xf32, #tpu.memory_space<vmem_shared>>
        tpu.enqueue_indirect_dma source(%dma_start3A_585 : memref<10000x8xf32, #tpu.memory_space<vmem_shared>>) target(%arg13 : memref<128x8xf32, #tpu.memory_space<vmem>>) offsets(%dma_start3A_582 : memref<128xi32, #tpu.memory_space<vmem>>) semaphore(%arg21 : memref<!tpu.dma_semaphore, #tpu.memory_space<semaphore_mem>>)
      } else {
      }
      %add3A_491 = arith.constant 4 : i32
      %add3A_492 = arith.addi %mul3A_411, %add3A_491 : i32
      %dma_wait3A_493 = arith.constant 0 : i32
      %dma_wait3A_494 = arith.constant 0 : i32
      %dma_wait3A_495 = tpu.memref_slice %arg8[%dma_wait3A_493, %dma_wait3A_494] : memref<160x128xi32, #tpu.memory_space<vmem>> -> memref<1x128xi32, #tpu.memory_space<vmem>>
      %dma_wait3A_496 = tpu.memref_squeeze %dma_wait3A_495 : memref<1x128xi32, #tpu.memory_space<vmem>> -> memref<128xi32, #tpu.memory_space<vmem>>
      %dma_wait3A_497 = arith.constant 0 : i32
      %dma_wait3A_498 = arith.constant 0 : i32
      %dma_wait3A_499 = tpu.memref_slice %arg43[%dma_wait3A_497, %dma_wait3A_498] : memref<10000x8xf32, #tpu.memory_space<vmem_shared>> -> memref<10000x8xf32, #tpu.memory_space<vmem_shared>>
      tpu.wait_indirect_dma semaphore(%arg22 : memref<!tpu.dma_semaphore, #tpu.memory_space<semaphore_mem>>) src(%dma_wait3A_499 : memref<10000x8xf32, #tpu.memory_space<vmem_shared>>) dst(%arg14 : memref<128x8xf32, #tpu.memory_space<vmem>>)
      %dma_start3A_500 = arith.constant 0 : i32
      %dma_start3A_501 = tpu.memref_slice %arg9[%add3A_492, %dma_start3A_500] : memref<160x128xi32, #tpu.memory_space<vmem>> -> memref<1x128xi32, #tpu.memory_space<vmem>>
      %dma_start3A_502 = tpu.memref_squeeze %dma_start3A_501 : memref<1x128xi32, #tpu.memory_space<vmem>> -> memref<128xi32, #tpu.memory_space<vmem>>
      %dma_start3A_503 = arith.constant 0 : i32
      %dma_start3A_504 = arith.constant 0 : i32
      %dma_start3A_505 = tpu.memref_slice %arg44[%dma_start3A_503, %dma_start3A_504] : memref<10016x8xf32, #tpu.memory_space<vmem_shared>> -> memref<10016x8xf32, #tpu.memory_space<vmem_shared>>
      tpu.enqueue_indirect_dma source(%arg14 : memref<128x8xf32, #tpu.memory_space<vmem>>) target(%dma_start3A_505 : memref<10016x8xf32, #tpu.memory_space<vmem_shared>>) offsets(%dma_start3A_502 : memref<128xi32, #tpu.memory_space<vmem>>) semaphore(%arg30 : memref<!tpu.dma_semaphore, #tpu.memory_space<semaphore_mem>>) {add = true}
      %lt3A_506 = arith.constant 19 : i32
      %lt3A_507 = arith.cmpi slt, %scan3A_409, %lt3A_506 : i32
      %convert_element_type3A_508 = arith.extui %lt3A_507 : i1 to i32
      %cond3A_509 = arith.constant 0 : i32
      %cond3A_510 = arith.cmpi ne, %convert_element_type3A_508, %cond3A_509 : i32
      scf.if %cond3A_510 {
        %dma_wait3A_571 = arith.constant 0 : i32
        %dma_wait3A_572 = arith.constant 0 : i32
        %dma_wait3A_573 = tpu.memref_slice %arg9[%dma_wait3A_571, %dma_wait3A_572] : memref<160x128xi32, #tpu.memory_space<vmem>> -> memref<1x128xi32, #tpu.memory_space<vmem>>
        %dma_wait3A_574 = tpu.memref_squeeze %dma_wait3A_573 : memref<1x128xi32, #tpu.memory_space<vmem>> -> memref<128xi32, #tpu.memory_space<vmem>>
        %dma_wait3A_575 = arith.constant 0 : i32
        %dma_wait3A_576 = arith.constant 0 : i32
        %dma_wait3A_577 = tpu.memref_slice %arg44[%dma_wait3A_575, %dma_wait3A_576] : memref<10016x8xf32, #tpu.memory_space<vmem_shared>> -> memref<10016x8xf32, #tpu.memory_space<vmem_shared>>
        tpu.wait_indirect_dma semaphore(%arg30 : memref<!tpu.dma_semaphore, #tpu.memory_space<semaphore_mem>>) src(%arg14 : memref<128x8xf32, #tpu.memory_space<vmem>>) dst(%dma_wait3A_577 : memref<10016x8xf32, #tpu.memory_space<vmem_shared>>)
        %add3A_578 = arith.constant 8 : i32
        %add3A_579 = arith.addi %add3A_492, %add3A_578 : i32
        %dma_start3A_580 = arith.constant 0 : i32
        %dma_start3A_581 = tpu.memref_slice %arg8[%add3A_579, %dma_start3A_580] : memref<160x128xi32, #tpu.memory_space<vmem>> -> memref<1x128xi32, #tpu.memory_space<vmem>>
        %dma_start3A_582 = tpu.memref_squeeze %dma_start3A_581 : memref<1x128xi32, #tpu.memory_space<vmem>> -> memref<128xi32, #tpu.memory_space<vmem>>
        %dma_start3A_583 = arith.constant 0 : i32
        %dma_start3A_584 = arith.constant 0 : i32
        %dma_start3A_585 = tpu.memref_slice %arg43[%dma_start3A_583, %dma_start3A_584] : memref<10000x8xf32, #tpu.memory_space<vmem_shared>> -> memref<10000x8xf32, #tpu.memory_space<vmem_shared>>
        tpu.enqueue_indirect_dma source(%dma_start3A_585 : memref<10000x8xf32, #tpu.memory_space<vmem_shared>>) target(%arg14 : memref<128x8xf32, #tpu.memory_space<vmem>>) offsets(%dma_start3A_582 : memref<128xi32, #tpu.memory_space<vmem>>) semaphore(%arg22 : memref<!tpu.dma_semaphore, #tpu.memory_space<semaphore_mem>>)
      } else {
      }
      %add3A_511 = arith.constant 5 : i32
      %add3A_512 = arith.addi %mul3A_411, %add3A_511 : i32
      %dma_wait3A_513 = arith.constant 0 : i32
      %dma_wait3A_514 = arith.constant 0 : i32
      %dma_wait3A_515 = tpu.memref_slice %arg8[%dma_wait3A_513, %dma_wait3A_514] : memref<160x128xi32, #tpu.memory_space<vmem>> -> memref<1x128xi32, #tpu.memory_space<vmem>>
      %dma_wait3A_516 = tpu.memref_squeeze %dma_wait3A_515 : memref<1x128xi32, #tpu.memory_space<vmem>> -> memref<128xi32, #tpu.memory_space<vmem>>
      %dma_wait3A_517 = arith.constant 0 : i32
      %dma_wait3A_518 = arith.constant 0 : i32
      %dma_wait3A_519 = tpu.memref_slice %arg43[%dma_wait3A_517, %dma_wait3A_518] : memref<10000x8xf32, #tpu.memory_space<vmem_shared>> -> memref<10000x8xf32, #tpu.memory_space<vmem_shared>>
      tpu.wait_indirect_dma semaphore(%arg23 : memref<!tpu.dma_semaphore, #tpu.memory_space<semaphore_mem>>) src(%dma_wait3A_519 : memref<10000x8xf32, #tpu.memory_space<vmem_shared>>) dst(%arg15 : memref<128x8xf32, #tpu.memory_space<vmem>>)
      %dma_start3A_520 = arith.constant 0 : i32
      %dma_start3A_521 = tpu.memref_slice %arg9[%add3A_512, %dma_start3A_520] : memref<160x128xi32, #tpu.memory_space<vmem>> -> memref<1x128xi32, #tpu.memory_space<vmem>>
      %dma_start3A_522 = tpu.memref_squeeze %dma_start3A_521 : memref<1x128xi32, #tpu.memory_space<vmem>> -> memref<128xi32, #tpu.memory_space<vmem>>
      %dma_start3A_523 = arith.constant 0 : i32
      %dma_start3A_524 = arith.constant 0 : i32
      %dma_start3A_525 = tpu.memref_slice %arg44[%dma_start3A_523, %dma_start3A_524] : memref<10016x8xf32, #tpu.memory_space<vmem_shared>> -> memref<10016x8xf32, #tpu.memory_space<vmem_shared>>
      tpu.enqueue_indirect_dma source(%arg15 : memref<128x8xf32, #tpu.memory_space<vmem>>) target(%dma_start3A_525 : memref<10016x8xf32, #tpu.memory_space<vmem_shared>>) offsets(%dma_start3A_522 : memref<128xi32, #tpu.memory_space<vmem>>) semaphore(%arg31 : memref<!tpu.dma_semaphore, #tpu.memory_space<semaphore_mem>>) {add = true}
      %lt3A_526 = arith.constant 19 : i32
      %lt3A_527 = arith.cmpi slt, %scan3A_409, %lt3A_526 : i32
      %convert_element_type3A_528 = arith.extui %lt3A_527 : i1 to i32
      %cond3A_529 = arith.constant 0 : i32
      %cond3A_530 = arith.cmpi ne, %convert_element_type3A_528, %cond3A_529 : i32
      scf.if %cond3A_530 {
        %dma_wait3A_571 = arith.constant 0 : i32
        %dma_wait3A_572 = arith.constant 0 : i32
        %dma_wait3A_573 = tpu.memref_slice %arg9[%dma_wait3A_571, %dma_wait3A_572] : memref<160x128xi32, #tpu.memory_space<vmem>> -> memref<1x128xi32, #tpu.memory_space<vmem>>
        %dma_wait3A_574 = tpu.memref_squeeze %dma_wait3A_573 : memref<1x128xi32, #tpu.memory_space<vmem>> -> memref<128xi32, #tpu.memory_space<vmem>>
        %dma_wait3A_575 = arith.constant 0 : i32
        %dma_wait3A_576 = arith.constant 0 : i32
        %dma_wait3A_577 = tpu.memref_slice %arg44[%dma_wait3A_575, %dma_wait3A_576] : memref<10016x8xf32, #tpu.memory_space<vmem_shared>> -> memref<10016x8xf32, #tpu.memory_space<vmem_shared>>
        tpu.wait_indirect_dma semaphore(%arg31 : memref<!tpu.dma_semaphore, #tpu.memory_space<semaphore_mem>>) src(%arg15 : memref<128x8xf32, #tpu.memory_space<vmem>>) dst(%dma_wait3A_577 : memref<10016x8xf32, #tpu.memory_space<vmem_shared>>)
        %add3A_578 = arith.constant 8 : i32
        %add3A_579 = arith.addi %add3A_512, %add3A_578 : i32
        %dma_start3A_580 = arith.constant 0 : i32
        %dma_start3A_581 = tpu.memref_slice %arg8[%add3A_579, %dma_start3A_580] : memref<160x128xi32, #tpu.memory_space<vmem>> -> memref<1x128xi32, #tpu.memory_space<vmem>>
        %dma_start3A_582 = tpu.memref_squeeze %dma_start3A_581 : memref<1x128xi32, #tpu.memory_space<vmem>> -> memref<128xi32, #tpu.memory_space<vmem>>
        %dma_start3A_583 = arith.constant 0 : i32
        %dma_start3A_584 = arith.constant 0 : i32
        %dma_start3A_585 = tpu.memref_slice %arg43[%dma_start3A_583, %dma_start3A_584] : memref<10000x8xf32, #tpu.memory_space<vmem_shared>> -> memref<10000x8xf32, #tpu.memory_space<vmem_shared>>
        tpu.enqueue_indirect_dma source(%dma_start3A_585 : memref<10000x8xf32, #tpu.memory_space<vmem_shared>>) target(%arg15 : memref<128x8xf32, #tpu.memory_space<vmem>>) offsets(%dma_start3A_582 : memref<128xi32, #tpu.memory_space<vmem>>) semaphore(%arg23 : memref<!tpu.dma_semaphore, #tpu.memory_space<semaphore_mem>>)
      } else {
      }
      %add3A_531 = arith.constant 6 : i32
      %add3A_532 = arith.addi %mul3A_411, %add3A_531 : i32
      %dma_wait3A_533 = arith.constant 0 : i32
      %dma_wait3A_534 = arith.constant 0 : i32
      %dma_wait3A_535 = tpu.memref_slice %arg8[%dma_wait3A_533, %dma_wait3A_534] : memref<160x128xi32, #tpu.memory_space<vmem>> -> memref<1x128xi32, #tpu.memory_space<vmem>>
      %dma_wait3A_536 = tpu.memref_squeeze %dma_wait3A_535 : memref<1x128xi32, #tpu.memory_space<vmem>> -> memref<128xi32, #tpu.memory_space<vmem>>
      %dma_wait3A_537 = arith.constant 0 : i32
      %dma_wait3A_538 = arith.constant 0 : i32
      %dma_wait3A_539 = tpu.memref_slice %arg43[%dma_wait3A_537, %dma_wait3A_538] : memref<10000x8xf32, #tpu.memory_space<vmem_shared>> -> memref<10000x8xf32, #tpu.memory_space<vmem_shared>>
      tpu.wait_indirect_dma semaphore(%arg24 : memref<!tpu.dma_semaphore, #tpu.memory_space<semaphore_mem>>) src(%dma_wait3A_539 : memref<10000x8xf32, #tpu.memory_space<vmem_shared>>) dst(%arg16 : memref<128x8xf32, #tpu.memory_space<vmem>>)
      %dma_start3A_540 = arith.constant 0 : i32
      %dma_start3A_541 = tpu.memref_slice %arg9[%add3A_532, %dma_start3A_540] : memref<160x128xi32, #tpu.memory_space<vmem>> -> memref<1x128xi32, #tpu.memory_space<vmem>>
      %dma_start3A_542 = tpu.memref_squeeze %dma_start3A_541 : memref<1x128xi32, #tpu.memory_space<vmem>> -> memref<128xi32, #tpu.memory_space<vmem>>
      %dma_start3A_543 = arith.constant 0 : i32
      %dma_start3A_544 = arith.constant 0 : i32
      %dma_start3A_545 = tpu.memref_slice %arg44[%dma_start3A_543, %dma_start3A_544] : memref<10016x8xf32, #tpu.memory_space<vmem_shared>> -> memref<10016x8xf32, #tpu.memory_space<vmem_shared>>
      tpu.enqueue_indirect_dma source(%arg16 : memref<128x8xf32, #tpu.memory_space<vmem>>) target(%dma_start3A_545 : memref<10016x8xf32, #tpu.memory_space<vmem_shared>>) offsets(%dma_start3A_542 : memref<128xi32, #tpu.memory_space<vmem>>) semaphore(%arg32 : memref<!tpu.dma_semaphore, #tpu.memory_space<semaphore_mem>>) {add = true}
      %lt3A_546 = arith.constant 19 : i32
      %lt3A_547 = arith.cmpi slt, %scan3A_409, %lt3A_546 : i32
      %convert_element_type3A_548 = arith.extui %lt3A_547 : i1 to i32
      %cond3A_549 = arith.constant 0 : i32
      %cond3A_550 = arith.cmpi ne, %convert_element_type3A_548, %cond3A_549 : i32
      scf.if %cond3A_550 {
        %dma_wait3A_571 = arith.constant 0 : i32
        %dma_wait3A_572 = arith.constant 0 : i32
        %dma_wait3A_573 = tpu.memref_slice %arg9[%dma_wait3A_571, %dma_wait3A_572] : memref<160x128xi32, #tpu.memory_space<vmem>> -> memref<1x128xi32, #tpu.memory_space<vmem>>
        %dma_wait3A_574 = tpu.memref_squeeze %dma_wait3A_573 : memref<1x128xi32, #tpu.memory_space<vmem>> -> memref<128xi32, #tpu.memory_space<vmem>>
        %dma_wait3A_575 = arith.constant 0 : i32
        %dma_wait3A_576 = arith.constant 0 : i32
        %dma_wait3A_577 = tpu.memref_slice %arg44[%dma_wait3A_575, %dma_wait3A_576] : memref<10016x8xf32, #tpu.memory_space<vmem_shared>> -> memref<10016x8xf32, #tpu.memory_space<vmem_shared>>
        tpu.wait_indirect_dma semaphore(%arg32 : memref<!tpu.dma_semaphore, #tpu.memory_space<semaphore_mem>>) src(%arg16 : memref<128x8xf32, #tpu.memory_space<vmem>>) dst(%dma_wait3A_577 : memref<10016x8xf32, #tpu.memory_space<vmem_shared>>)
        %add3A_578 = arith.constant 8 : i32
        %add3A_579 = arith.addi %add3A_532, %add3A_578 : i32
        %dma_start3A_580 = arith.constant 0 : i32
        %dma_start3A_581 = tpu.memref_slice %arg8[%add3A_579, %dma_start3A_580] : memref<160x128xi32, #tpu.memory_space<vmem>> -> memref<1x128xi32, #tpu.memory_space<vmem>>
        %dma_start3A_582 = tpu.memref_squeeze %dma_start3A_581 : memref<1x128xi32, #tpu.memory_space<vmem>> -> memref<128xi32, #tpu.memory_space<vmem>>
        %dma_start3A_583 = arith.constant 0 : i32
        %dma_start3A_584 = arith.constant 0 : i32
        %dma_start3A_585 = tpu.memref_slice %arg43[%dma_start3A_583, %dma_start3A_584] : memref<10000x8xf32, #tpu.memory_space<vmem_shared>> -> memref<10000x8xf32, #tpu.memory_space<vmem_shared>>
        tpu.enqueue_indirect_dma source(%dma_start3A_585 : memref<10000x8xf32, #tpu.memory_space<vmem_shared>>) target(%arg16 : memref<128x8xf32, #tpu.memory_space<vmem>>) offsets(%dma_start3A_582 : memref<128xi32, #tpu.memory_space<vmem>>) semaphore(%arg24 : memref<!tpu.dma_semaphore, #tpu.memory_space<semaphore_mem>>)
      } else {
      }
      %add3A_551 = arith.constant 7 : i32
      %add3A_552 = arith.addi %mul3A_411, %add3A_551 : i32
      %dma_wait3A_553 = arith.constant 0 : i32
      %dma_wait3A_554 = arith.constant 0 : i32
      %dma_wait3A_555 = tpu.memref_slice %arg8[%dma_wait3A_553, %dma_wait3A_554] : memref<160x128xi32, #tpu.memory_space<vmem>> -> memref<1x128xi32, #tpu.memory_space<vmem>>
      %dma_wait3A_556 = tpu.memref_squeeze %dma_wait3A_555 : memref<1x128xi32, #tpu.memory_space<vmem>> -> memref<128xi32, #tpu.memory_space<vmem>>
      %dma_wait3A_557 = arith.constant 0 : i32
      %dma_wait3A_558 = arith.constant 0 : i32
      %dma_wait3A_559 = tpu.memref_slice %arg43[%dma_wait3A_557, %dma_wait3A_558] : memref<10000x8xf32, #tpu.memory_space<vmem_shared>> -> memref<10000x8xf32, #tpu.memory_space<vmem_shared>>
      tpu.wait_indirect_dma semaphore(%arg25 : memref<!tpu.dma_semaphore, #tpu.memory_space<semaphore_mem>>) src(%dma_wait3A_559 : memref<10000x8xf32, #tpu.memory_space<vmem_shared>>) dst(%arg17 : memref<128x8xf32, #tpu.memory_space<vmem>>)
      %dma_start3A_560 = arith.constant 0 : i32
      %dma_start3A_561 = tpu.memref_slice %arg9[%add3A_552, %dma_start3A_560] : memref<160x128xi32, #tpu.memory_space<vmem>> -> memref<1x128xi32, #tpu.memory_space<vmem>>
      %dma_start3A_562 = tpu.memref_squeeze %dma_start3A_561 : memref<1x128xi32, #tpu.memory_space<vmem>> -> memref<128xi32, #tpu.memory_space<vmem>>
      %dma_start3A_563 = arith.constant 0 : i32
      %dma_start3A_564 = arith.constant 0 : i32
      %dma_start3A_565 = tpu.memref_slice %arg44[%dma_start3A_563, %dma_start3A_564] : memref<10016x8xf32, #tpu.memory_space<vmem_shared>> -> memref<10016x8xf32, #tpu.memory_space<vmem_shared>>
      tpu.enqueue_indirect_dma source(%arg17 : memref<128x8xf32, #tpu.memory_space<vmem>>) target(%dma_start3A_565 : memref<10016x8xf32, #tpu.memory_space<vmem_shared>>) offsets(%dma_start3A_562 : memref<128xi32, #tpu.memory_space<vmem>>) semaphore(%arg33 : memref<!tpu.dma_semaphore, #tpu.memory_space<semaphore_mem>>) {add = true}
      %lt3A_566 = arith.constant 19 : i32
      %lt3A_567 = arith.cmpi slt, %scan3A_409, %lt3A_566 : i32
      %convert_element_type3A_568 = arith.extui %lt3A_567 : i1 to i32
      %cond3A_569 = arith.constant 0 : i32
      %cond3A_570 = arith.cmpi ne, %convert_element_type3A_568, %cond3A_569 : i32
      scf.if %cond3A_570 {
        %dma_wait3A_571 = arith.constant 0 : i32
        %dma_wait3A_572 = arith.constant 0 : i32
        %dma_wait3A_573 = tpu.memref_slice %arg9[%dma_wait3A_571, %dma_wait3A_572] : memref<160x128xi32, #tpu.memory_space<vmem>> -> memref<1x128xi32, #tpu.memory_space<vmem>>
        %dma_wait3A_574 = tpu.memref_squeeze %dma_wait3A_573 : memref<1x128xi32, #tpu.memory_space<vmem>> -> memref<128xi32, #tpu.memory_space<vmem>>
        %dma_wait3A_575 = arith.constant 0 : i32
        %dma_wait3A_576 = arith.constant 0 : i32
        %dma_wait3A_577 = tpu.memref_slice %arg44[%dma_wait3A_575, %dma_wait3A_576] : memref<10016x8xf32, #tpu.memory_space<vmem_shared>> -> memref<10016x8xf32, #tpu.memory_space<vmem_shared>>
        tpu.wait_indirect_dma semaphore(%arg33 : memref<!tpu.dma_semaphore, #tpu.memory_space<semaphore_mem>>) src(%arg17 : memref<128x8xf32, #tpu.memory_space<vmem>>) dst(%dma_wait3A_577 : memref<10016x8xf32, #tpu.memory_space<vmem_shared>>)
        %add3A_578 = arith.constant 8 : i32
        %add3A_579 = arith.addi %add3A_552, %add3A_578 : i32
        %dma_start3A_580 = arith.constant 0 : i32
        %dma_start3A_581 = tpu.memref_slice %arg8[%add3A_579, %dma_start3A_580] : memref<160x128xi32, #tpu.memory_space<vmem>> -> memref<1x128xi32, #tpu.memory_space<vmem>>
        %dma_start3A_582 = tpu.memref_squeeze %dma_start3A_581 : memref<1x128xi32, #tpu.memory_space<vmem>> -> memref<128xi32, #tpu.memory_space<vmem>>
        %dma_start3A_583 = arith.constant 0 : i32
        %dma_start3A_584 = arith.constant 0 : i32
        %dma_start3A_585 = tpu.memref_slice %arg43[%dma_start3A_583, %dma_start3A_584] : memref<10000x8xf32, #tpu.memory_space<vmem_shared>> -> memref<10000x8xf32, #tpu.memory_space<vmem_shared>>
        tpu.enqueue_indirect_dma source(%dma_start3A_585 : memref<10000x8xf32, #tpu.memory_space<vmem_shared>>) target(%arg17 : memref<128x8xf32, #tpu.memory_space<vmem>>) offsets(%dma_start3A_582 : memref<128xi32, #tpu.memory_space<vmem>>) semaphore(%arg25 : memref<!tpu.dma_semaphore, #tpu.memory_space<semaphore_mem>>)
      } else {
      }
    }
    %scan3A_321 = arith.constant 20 : i32
    %dma_wait3A_322 = arith.constant 0 : i32
    %dma_wait3A_323 = arith.constant 0 : i32
    %dma_wait3A_324 = tpu.memref_slice %arg9[%dma_wait3A_322, %dma_wait3A_323] : memref<160x128xi32, #tpu.memory_space<vmem>> -> memref<1x128xi32, #tpu.memory_space<vmem>>
    %dma_wait3A_325 = tpu.memref_squeeze %dma_wait3A_324 : memref<1x128xi32, #tpu.memory_space<vmem>> -> memref<128xi32, #tpu.memory_space<vmem>>
    %dma_wait3A_326 = arith.constant 0 : i32
    %dma_wait3A_327 = arith.constant 0 : i32
    %dma_wait3A_328 = tpu.memref_slice %arg44[%dma_wait3A_326, %dma_wait3A_327] : memref<10016x8xf32, #tpu.memory_space<vmem_shared>> -> memref<10016x8xf32, #tpu.memory_space<vmem_shared>>
    tpu.wait_indirect_dma semaphore(%arg26 : memref<!tpu.dma_semaphore, #tpu.memory_space<semaphore_mem>>) src(%arg10 : memref<128x8xf32, #tpu.memory_space<vmem>>) dst(%dma_wait3A_328 : memref<10016x8xf32, #tpu.memory_space<vmem_shared>>)
    %dma_wait3A_329 = arith.constant 0 : i32
    %dma_wait3A_330 = arith.constant 0 : i32
    %dma_wait3A_331 = tpu.memref_slice %arg9[%dma_wait3A_329, %dma_wait3A_330] : memref<160x128xi32, #tpu.memory_space<vmem>> -> memref<1x128xi32, #tpu.memory_space<vmem>>
    %dma_wait3A_332 = tpu.memref_squeeze %dma_wait3A_331 : memref<1x128xi32, #tpu.memory_space<vmem>> -> memref<128xi32, #tpu.memory_space<vmem>>
    %dma_wait3A_333 = arith.constant 0 : i32
    %dma_wait3A_334 = arith.constant 0 : i32
    %dma_wait3A_335 = tpu.memref_slice %arg44[%dma_wait3A_333, %dma_wait3A_334] : memref<10016x8xf32, #tpu.memory_space<vmem_shared>> -> memref<10016x8xf32, #tpu.memory_space<vmem_shared>>
    tpu.wait_indirect_dma semaphore(%arg27 : memref<!tpu.dma_semaphore, #tpu.memory_space<semaphore_mem>>) src(%arg11 : memref<128x8xf32, #tpu.memory_space<vmem>>) dst(%dma_wait3A_335 : memref<10016x8xf32, #tpu.memory_space<vmem_shared>>)
    %dma_wait3A_336 = arith.constant 0 : i32
    %dma_wait3A_337 = arith.constant 0 : i32
    %dma_wait3A_338 = tpu.memref_slice %arg9[%dma_wait3A_336, %dma_wait3A_337] : memref<160x128xi32, #tpu.memory_space<vmem>> -> memref<1x128xi32, #tpu.memory_space<vmem>>
    %dma_wait3A_339 = tpu.memref_squeeze %dma_wait3A_338 : memref<1x128xi32, #tpu.memory_space<vmem>> -> memref<128xi32, #tpu.memory_space<vmem>>
    %dma_wait3A_340 = arith.constant 0 : i32
    %dma_wait3A_341 = arith.constant 0 : i32
    %dma_wait3A_342 = tpu.memref_slice %arg44[%dma_wait3A_340, %dma_wait3A_341] : memref<10016x8xf32, #tpu.memory_space<vmem_shared>> -> memref<10016x8xf32, #tpu.memory_space<vmem_shared>>
    tpu.wait_indirect_dma semaphore(%arg28 : memref<!tpu.dma_semaphore, #tpu.memory_space<semaphore_mem>>) src(%arg12 : memref<128x8xf32, #tpu.memory_space<vmem>>) dst(%dma_wait3A_342 : memref<10016x8xf32, #tpu.memory_space<vmem_shared>>)
    %dma_wait3A_343 = arith.constant 0 : i32
    %dma_wait3A_344 = arith.constant 0 : i32
    %dma_wait3A_345 = tpu.memref_slice %arg9[%dma_wait3A_343, %dma_wait3A_344] : memref<160x128xi32, #tpu.memory_space<vmem>> -> memref<1x128xi32, #tpu.memory_space<vmem>>
    %dma_wait3A_346 = tpu.memref_squeeze %dma_wait3A_345 : memref<1x128xi32, #tpu.memory_space<vmem>> -> memref<128xi32, #tpu.memory_space<vmem>>
    %dma_wait3A_347 = arith.constant 0 : i32
    %dma_wait3A_348 = arith.constant 0 : i32
    %dma_wait3A_349 = tpu.memref_slice %arg44[%dma_wait3A_347, %dma_wait3A_348] : memref<10016x8xf32, #tpu.memory_space<vmem_shared>> -> memref<10016x8xf32, #tpu.memory_space<vmem_shared>>
    tpu.wait_indirect_dma semaphore(%arg29 : memref<!tpu.dma_semaphore, #tpu.memory_space<semaphore_mem>>) src(%arg13 : memref<128x8xf32, #tpu.memory_space<vmem>>) dst(%dma_wait3A_349 : memref<10016x8xf32, #tpu.memory_space<vmem_shared>>)
    %dma_wait3A_350 = arith.constant 0 : i32
    %dma_wait3A_351 = arith.constant 0 : i32
    %dma_wait3A_352 = tpu.memref_slice %arg9[%dma_wait3A_350, %dma_wait3A_351] : memref<160x128xi32, #tpu.memory_space<vmem>> -> memref<1x128xi32, #tpu.memory_space<vmem>>
    %dma_wait3A_353 = tpu.memref_squeeze %dma_wait3A_352 : memref<1x128xi32, #tpu.memory_space<vmem>> -> memref<128xi32, #tpu.memory_space<vmem>>
    %dma_wait3A_354 = arith.constant 0 : i32
    %dma_wait3A_355 = arith.constant 0 : i32
    %dma_wait3A_356 = tpu.memref_slice %arg44[%dma_wait3A_354, %dma_wait3A_355] : memref<10016x8xf32, #tpu.memory_space<vmem_shared>> -> memref<10016x8xf32, #tpu.memory_space<vmem_shared>>
    tpu.wait_indirect_dma semaphore(%arg30 : memref<!tpu.dma_semaphore, #tpu.memory_space<semaphore_mem>>) src(%arg14 : memref<128x8xf32, #tpu.memory_space<vmem>>) dst(%dma_wait3A_356 : memref<10016x8xf32, #tpu.memory_space<vmem_shared>>)
    %dma_wait3A_357 = arith.constant 0 : i32
    %dma_wait3A_358 = arith.constant 0 : i32
    %dma_wait3A_359 = tpu.memref_slice %arg9[%dma_wait3A_357, %dma_wait3A_358] : memref<160x128xi32, #tpu.memory_space<vmem>> -> memref<1x128xi32, #tpu.memory_space<vmem>>
    %dma_wait3A_360 = tpu.memref_squeeze %dma_wait3A_359 : memref<1x128xi32, #tpu.memory_space<vmem>> -> memref<128xi32, #tpu.memory_space<vmem>>
    %dma_wait3A_361 = arith.constant 0 : i32
    %dma_wait3A_362 = arith.constant 0 : i32
    %dma_wait3A_363 = tpu.memref_slice %arg44[%dma_wait3A_361, %dma_wait3A_362] : memref<10016x8xf32, #tpu.memory_space<vmem_shared>> -> memref<10016x8xf32, #tpu.memory_space<vmem_shared>>
    tpu.wait_indirect_dma semaphore(%arg31 : memref<!tpu.dma_semaphore, #tpu.memory_space<semaphore_mem>>) src(%arg15 : memref<128x8xf32, #tpu.memory_space<vmem>>) dst(%dma_wait3A_363 : memref<10016x8xf32, #tpu.memory_space<vmem_shared>>)
    %dma_wait3A_364 = arith.constant 0 : i32
    %dma_wait3A_365 = arith.constant 0 : i32
    %dma_wait3A_366 = tpu.memref_slice %arg9[%dma_wait3A_364, %dma_wait3A_365] : memref<160x128xi32, #tpu.memory_space<vmem>> -> memref<1x128xi32, #tpu.memory_space<vmem>>
    %dma_wait3A_367 = tpu.memref_squeeze %dma_wait3A_366 : memref<1x128xi32, #tpu.memory_space<vmem>> -> memref<128xi32, #tpu.memory_space<vmem>>
    %dma_wait3A_368 = arith.constant 0 : i32
    %dma_wait3A_369 = arith.constant 0 : i32
    %dma_wait3A_370 = tpu.memref_slice %arg44[%dma_wait3A_368, %dma_wait3A_369] : memref<10016x8xf32, #tpu.memory_space<vmem_shared>> -> memref<10016x8xf32, #tpu.memory_space<vmem_shared>>
    tpu.wait_indirect_dma semaphore(%arg32 : memref<!tpu.dma_semaphore, #tpu.memory_space<semaphore_mem>>) src(%arg16 : memref<128x8xf32, #tpu.memory_space<vmem>>) dst(%dma_wait3A_370 : memref<10016x8xf32, #tpu.memory_space<vmem_shared>>)
    %dma_wait3A_371 = arith.constant 0 : i32
    %dma_wait3A_372 = arith.constant 0 : i32
    %dma_wait3A_373 = tpu.memref_slice %arg9[%dma_wait3A_371, %dma_wait3A_372] : memref<160x128xi32, #tpu.memory_space<vmem>> -> memref<1x128xi32, #tpu.memory_space<vmem>>
    %dma_wait3A_374 = tpu.memref_squeeze %dma_wait3A_373 : memref<1x128xi32, #tpu.memory_space<vmem>> -> memref<128xi32, #tpu.memory_space<vmem>>
    %dma_wait3A_375 = arith.constant 0 : i32
    %dma_wait3A_376 = arith.constant 0 : i32
    %dma_wait3A_377 = tpu.memref_slice %arg44[%dma_wait3A_375, %dma_wait3A_376] : memref<10016x8xf32, #tpu.memory_space<vmem_shared>> -> memref<10016x8xf32, #tpu.memory_space<vmem_shared>>
    tpu.wait_indirect_dma semaphore(%arg33 : memref<!tpu.dma_semaphore, #tpu.memory_space<semaphore_mem>>) src(%arg17 : memref<128x8xf32, #tpu.memory_space<vmem>>) dst(%dma_wait3A_377 : memref<10016x8xf32, #tpu.memory_space<vmem_shared>>)
    %barrier3A_378 = arith.constant 0 : index
    tpu.barrier barrier_id(%barrier3A_378)
    %lt3A_379 = arith.constant 15 : i32
    %lt3A_380 = arith.cmpi slt, %arg1, %lt3A_379 : i32
    %convert_element_type3A_381 = arith.extui %lt3A_380 : i1 to i32
    %cond3A_382 = arith.constant 0 : i32
    %cond3A_383 = arith.cmpi ne, %convert_element_type3A_381, %cond3A_382 : i32
    scf.if %cond3A_383 {
      "tpu.region"() ({
        %run_scoped3A_409 = tpu.sem_alloc : memref<!tpu.dma_semaphore, #tpu.memory_space<semaphore_mem>>
        %dma_start3A_410 = arith.constant 0 : i32
        %dma_start3A_411 = arith.constant 0 : i32
        %dma_start3A_412 = tpu.memref_slice %arg34[%dma_start3A_410, %dma_start3A_411] : memref<632x8xf32, #tpu.memory_space<vmem>> -> memref<632x8xf32, #tpu.memory_space<vmem>>
        %dma_start3A_413 = arith.constant 0 : i32
        %dma_start3A_414 = tpu.memref_slice %arg44[%multiple_of3A_34, %dma_start3A_413] : memref<10016x8xf32, #tpu.memory_space<vmem_shared>> -> memref<632x8xf32, #tpu.memory_space<vmem_shared>>
        %dma_start3A_415 = arith.constant 0 : i32
        %dma_start3A_416 = arith.constant 0 : i32
        %dma_start3A_417 = tpu.memref_slice %arg34[%dma_start3A_415, %dma_start3A_416] : memref<632x8xf32, #tpu.memory_space<vmem>> -> memref<632x8xf32, #tpu.memory_space<vmem>>
        %dma_start3A_418 = arith.constant 0 : i32
        %dma_start3A_419 = tpu.memref_slice %arg44[%multiple_of3A_34, %dma_start3A_418] : memref<10016x8xf32, #tpu.memory_space<vmem_shared>> -> memref<632x8xf32, #tpu.memory_space<vmem_shared>>
        tpu.enqueue_dma source(%dma_start3A_419 : memref<632x8xf32, #tpu.memory_space<vmem_shared>>) target(%dma_start3A_417 : memref<632x8xf32, #tpu.memory_space<vmem>>) target_semaphore(%run_scoped3A_409 : memref<!tpu.dma_semaphore, #tpu.memory_space<semaphore_mem>>)
        %dma_wait3A_420 = arith.constant 0 : i32
        %dma_wait3A_421 = arith.constant 0 : i32
        %dma_wait3A_422 = tpu.memref_slice %arg34[%dma_wait3A_420, %dma_wait3A_421] : memref<632x8xf32, #tpu.memory_space<vmem>> -> memref<632x8xf32, #tpu.memory_space<vmem>>
        %dma_wait3A_423 = arith.constant 0 : i32
        %dma_wait3A_424 = tpu.memref_slice %arg44[%multiple_of3A_34, %dma_wait3A_423] : memref<10016x8xf32, #tpu.memory_space<vmem_shared>> -> memref<632x8xf32, #tpu.memory_space<vmem_shared>>
        %dma_wait3A_425 = arith.constant 0 : i32
        %dma_wait3A_426 = arith.constant 0 : i32
        %dma_wait3A_427 = tpu.memref_slice %arg34[%dma_wait3A_425, %dma_wait3A_426] : memref<632x8xf32, #tpu.memory_space<vmem>> -> memref<632x8xf32, #tpu.memory_space<vmem>>
        %dma_wait3A_428 = arith.constant 0 : i32
        %dma_wait3A_429 = tpu.memref_slice %arg44[%multiple_of3A_34, %dma_wait3A_428] : memref<10016x8xf32, #tpu.memory_space<vmem_shared>> -> memref<632x8xf32, #tpu.memory_space<vmem_shared>>
        tpu.wait_dma2 semaphore(%run_scoped3A_409 : memref<!tpu.dma_semaphore, #tpu.memory_space<semaphore_mem>>) src(%dma_wait3A_429 : memref<632x8xf32, #tpu.memory_space<vmem_shared>>) dst(%dma_wait3A_427 : memref<632x8xf32, #tpu.memory_space<vmem>>)
        tpu.yield
      }) : () -> ()
    } else {
    }
    %eq3A_384 = arith.constant 15 : i32
    %eq3A_385 = arith.cmpi eq, %arg1, %eq3A_384 : i32
    %convert_element_type3A_386 = arith.extui %eq3A_385 : i1 to i32
    %cond3A_387 = arith.constant 0 : i32
    %cond3A_388 = arith.cmpi ne, %convert_element_type3A_386, %cond3A_387 : i32
    scf.if %cond3A_388 {
      "tpu.region"() ({
        %run_scoped3A_409 = tpu.sem_alloc : memref<!tpu.dma_semaphore, #tpu.memory_space<semaphore_mem>>
        %dma_start3A_410 = arith.constant 0 : i32
        %dma_start3A_411 = arith.constant 0 : i32
        %dma_start3A_412 = tpu.memref_slice %arg34[%dma_start3A_410, %dma_start3A_411] : memref<632x8xf32, #tpu.memory_space<vmem>> -> memref<520x8xf32, #tpu.memory_space<vmem>>
        %dma_start3A_413 = arith.constant 0 : i32
        %dma_start3A_414 = tpu.memref_slice %arg44[%multiple_of3A_34, %dma_start3A_413] : memref<10016x8xf32, #tpu.memory_space<vmem_shared>> -> memref<520x8xf32, #tpu.memory_space<vmem_shared>>
        %dma_start3A_415 = arith.constant 0 : i32
        %dma_start3A_416 = arith.constant 0 : i32
        %dma_start3A_417 = tpu.memref_slice %arg34[%dma_start3A_415, %dma_start3A_416] : memref<632x8xf32, #tpu.memory_space<vmem>> -> memref<520x8xf32, #tpu.memory_space<vmem>>
        %dma_start3A_418 = arith.constant 0 : i32
        %dma_start3A_419 = tpu.memref_slice %arg44[%multiple_of3A_34, %dma_start3A_418] : memref<10016x8xf32, #tpu.memory_space<vmem_shared>> -> memref<520x8xf32, #tpu.memory_space<vmem_shared>>
        tpu.enqueue_dma source(%dma_start3A_419 : memref<520x8xf32, #tpu.memory_space<vmem_shared>>) target(%dma_start3A_417 : memref<520x8xf32, #tpu.memory_space<vmem>>) target_semaphore(%run_scoped3A_409 : memref<!tpu.dma_semaphore, #tpu.memory_space<semaphore_mem>>)
        %dma_wait3A_420 = arith.constant 0 : i32
        %dma_wait3A_421 = arith.constant 0 : i32
        %dma_wait3A_422 = tpu.memref_slice %arg34[%dma_wait3A_420, %dma_wait3A_421] : memref<632x8xf32, #tpu.memory_space<vmem>> -> memref<520x8xf32, #tpu.memory_space<vmem>>
        %dma_wait3A_423 = arith.constant 0 : i32
        %dma_wait3A_424 = tpu.memref_slice %arg44[%multiple_of3A_34, %dma_wait3A_423] : memref<10016x8xf32, #tpu.memory_space<vmem_shared>> -> memref<520x8xf32, #tpu.memory_space<vmem_shared>>
        %dma_wait3A_425 = arith.constant 0 : i32
        %dma_wait3A_426 = arith.constant 0 : i32
        %dma_wait3A_427 = tpu.memref_slice %arg34[%dma_wait3A_425, %dma_wait3A_426] : memref<632x8xf32, #tpu.memory_space<vmem>> -> memref<520x8xf32, #tpu.memory_space<vmem>>
        %dma_wait3A_428 = arith.constant 0 : i32
        %dma_wait3A_429 = tpu.memref_slice %arg44[%multiple_of3A_34, %dma_wait3A_428] : memref<10016x8xf32, #tpu.memory_space<vmem_shared>> -> memref<520x8xf32, #tpu.memory_space<vmem_shared>>
        tpu.wait_dma2 semaphore(%run_scoped3A_409 : memref<!tpu.dma_semaphore, #tpu.memory_space<semaphore_mem>>) src(%dma_wait3A_429 : memref<520x8xf32, #tpu.memory_space<vmem_shared>>) dst(%dma_wait3A_427 : memref<520x8xf32, #tpu.memory_space<vmem>>)
        tpu.yield
      }) : () -> ()
    } else {
    }
    %while3A_389 = arith.constant 0 : i32
    %while3A_390 = arith.constant 0 : i32
    %while3A_391 = arith.subi %select_n3A, %while3A_390 : i32
    %while3A_392 = arith.addi %while3A_390, %while3A_391 : i32
    %while3A_393 = arith.constant 1 : i32
    %while3A_394 = arith.divsi %while3A_391, %while3A_393 : i32
    %while3A_395 = arith.muli %while3A_394, %while3A_393 : i32
    %while3A_396 = arith.addi %while3A_390, %while3A_395 : i32
    %while3A_397 = arith.constant 1 : i32
    scf.for %while3A_409 = %while3A_390 to %while3A_396 step %while3A_397  : i32 {
      %mul3A_410 = arith.constant 2 : i32
      %mul3A_411 = arith.muli %mul3A_410, %while3A_409 : i32
      %add3A = vector.broadcast %mul3A_411 : i32 to vector<16xi32>
      %add3A_412 = arith.addi %shift_right_logical3A_85, %add3A : vector<16xi32>
      %gather3A = tpu.vector_load_idx %arg34[%add3A_412, %and3A] : memref<632x8xf32, #tpu.memory_space<vmem>>[vector<16xi32>, vector<16xi32>], vector<16xf32>,
      %gather3A_413 = tpu.vector_load_idx %arg36[%add3A_412, %and3A] : memref<632x8xf32, #tpu.memory_space<vmem>>[vector<16xi32>, vector<16xi32>], vector<16xf32>,
      %gather3A_414 = tpu.vector_load_idx %arg40[%add3A_412] : memref<640xf32, #tpu.memory_space<vmem>>[vector<16xi32>], vector<16xf32>,
      %add3A_415 = arith.addf %gather3A, %gather3A_413 : vector<16xf32>
      %mul3A_416 = arith.mulf %gather3A_414, %add3A_415 : vector<16xf32>
      tpu.vector_store_idx %arg37[%add3A_412, %and3A], %mul3A_416 : memref<632x8xf32, #tpu.memory_space<vmem>>[vector<16xi32>, vector<16xi32>], vector<16xf32>,
    }
    %while3A_398 = arith.constant 1 : i32
    scf.for %while3A_409 = %while3A_396 to %while3A_392 step %while3A_398  : i32 {
      %mul3A_410 = arith.constant 2 : i32
      %mul3A_411 = arith.muli %mul3A_410, %while3A_409 : i32
      %add3A = vector.broadcast %mul3A_411 : i32 to vector<16xi32>
      %add3A_412 = arith.addi %shift_right_logical3A_85, %add3A : vector<16xi32>
      %gather3A = tpu.vector_load_idx %arg34[%add3A_412, %and3A] : memref<632x8xf32, #tpu.memory_space<vmem>>[vector<16xi32>, vector<16xi32>], vector<16xf32>,
      %gather3A_413 = tpu.vector_load_idx %arg36[%add3A_412, %and3A] : memref<632x8xf32, #tpu.memory_space<vmem>>[vector<16xi32>, vector<16xi32>], vector<16xf32>,
      %gather3A_414 = tpu.vector_load_idx %arg40[%add3A_412] : memref<640xf32, #tpu.memory_space<vmem>>[vector<16xi32>], vector<16xf32>,
      %add3A_415 = arith.addf %gather3A, %gather3A_413 : vector<16xf32>
      %mul3A_416 = arith.mulf %gather3A_414, %add3A_415 : vector<16xf32>
      tpu.vector_store_idx %arg37[%add3A_412, %and3A], %mul3A_416 : memref<632x8xf32, #tpu.memory_space<vmem>>[vector<16xi32>, vector<16xi32>], vector<16xf32>,
    }
    %lt3A_399 = arith.constant 15 : i32
    %lt3A_400 = arith.cmpi slt, %arg1, %lt3A_399 : i32
    %convert_element_type3A_401 = arith.extui %lt3A_400 : i1 to i32
    %cond3A_402 = arith.constant 0 : i32
    %cond3A_403 = arith.cmpi ne, %convert_element_type3A_401, %cond3A_402 : i32
    scf.if %cond3A_403 {
      %eq3A_409 = arith.constant 0 : i32
      %eq3A_410 = arith.cmpi eq, %arg0, %eq3A_409 : i32
      %convert_element_type3A_411 = arith.extui %eq3A_410 : i1 to i32
      %cond3A_412 = arith.constant 0 : i32
      %cond3A_413 = arith.cmpi ne, %convert_element_type3A_411, %cond3A_412 : i32
      scf.if %cond3A_413 {
        "tpu.region"() ({
          %run_scoped3A_419 = tpu.sem_alloc : memref<!tpu.dma_semaphore, #tpu.memory_space<semaphore_mem>>
          %dma_start3A_420 = arith.constant 0 : i32
          %dma_start3A_421 = arith.constant 0 : i32
          %dma_start3A_422 = tpu.memref_slice %arg37[%dma_start3A_420, %dma_start3A_421] : memref<632x8xf32, #tpu.memory_space<vmem>> -> memref<632x8xf32, #tpu.memory_space<vmem>>
          %dma_start3A_423 = arith.constant 0 : i32
          %dma_start3A_424 = tpu.memref_slice %arg7[%multiple_of3A_34, %dma_start3A_423] : memref<10000x16xf32, #tpu.memory_space<hbm>> -> memref<632x8xf32, #tpu.memory_space<hbm>>
          %dma_start3A_425 = arith.constant 0 : i32
          %dma_start3A_426 = tpu.memref_slice %arg7[%multiple_of3A_34, %dma_start3A_425] : memref<10000x16xf32, #tpu.memory_space<hbm>> -> memref<632x8xf32, #tpu.memory_space<hbm>>
          %dma_start3A_427 = arith.constant 0 : i32
          %dma_start3A_428 = arith.constant 0 : i32
          %dma_start3A_429 = tpu.memref_slice %arg37[%dma_start3A_427, %dma_start3A_428] : memref<632x8xf32, #tpu.memory_space<vmem>> -> memref<632x8xf32, #tpu.memory_space<vmem>>
          tpu.enqueue_dma source(%dma_start3A_429 : memref<632x8xf32, #tpu.memory_space<vmem>>) target(%dma_start3A_426 : memref<632x8xf32, #tpu.memory_space<hbm>>) target_semaphore(%run_scoped3A_419 : memref<!tpu.dma_semaphore, #tpu.memory_space<semaphore_mem>>)
          %dma_wait3A_430 = arith.constant 0 : i32
          %dma_wait3A_431 = arith.constant 0 : i32
          %dma_wait3A_432 = tpu.memref_slice %arg37[%dma_wait3A_430, %dma_wait3A_431] : memref<632x8xf32, #tpu.memory_space<vmem>> -> memref<632x8xf32, #tpu.memory_space<vmem>>
          %dma_wait3A_433 = arith.constant 0 : i32
          %dma_wait3A_434 = tpu.memref_slice %arg7[%multiple_of3A_34, %dma_wait3A_433] : memref<10000x16xf32, #tpu.memory_space<hbm>> -> memref<632x8xf32, #tpu.memory_space<hbm>>
          %dma_wait3A_435 = arith.constant 0 : i32
          %dma_wait3A_436 = tpu.memref_slice %arg7[%multiple_of3A_34, %dma_wait3A_435] : memref<10000x16xf32, #tpu.memory_space<hbm>> -> memref<632x8xf32, #tpu.memory_space<hbm>>
          %dma_wait3A_437 = arith.constant 0 : i32
          %dma_wait3A_438 = arith.constant 0 : i32
          %dma_wait3A_439 = tpu.memref_slice %arg37[%dma_wait3A_437, %dma_wait3A_438] : memref<632x8xf32, #tpu.memory_space<vmem>> -> memref<632x8xf32, #tpu.memory_space<vmem>>
          tpu.wait_dma2 semaphore(%run_scoped3A_419 : memref<!tpu.dma_semaphore, #tpu.memory_space<semaphore_mem>>) src(%dma_wait3A_439 : memref<632x8xf32, #tpu.memory_space<vmem>>) dst(%dma_wait3A_436 : memref<632x8xf32, #tpu.memory_space<hbm>>)
          tpu.yield
        }) : () -> ()
      } else {
      }
      %eq3A_414 = arith.constant 1 : i32
      %eq3A_415 = arith.cmpi eq, %arg0, %eq3A_414 : i32
      %convert_element_type3A_416 = arith.extui %eq3A_415 : i1 to i32
      %cond3A_417 = arith.constant 0 : i32
      %cond3A_418 = arith.cmpi ne, %convert_element_type3A_416, %cond3A_417 : i32
      scf.if %cond3A_418 {
        "tpu.region"() ({
          %run_scoped3A_419 = tpu.sem_alloc : memref<!tpu.dma_semaphore, #tpu.memory_space<semaphore_mem>>
          %dma_start3A_420 = arith.constant 0 : i32
          %dma_start3A_421 = arith.constant 0 : i32
          %dma_start3A_422 = tpu.memref_slice %arg37[%dma_start3A_420, %dma_start3A_421] : memref<632x8xf32, #tpu.memory_space<vmem>> -> memref<632x8xf32, #tpu.memory_space<vmem>>
          %dma_start3A_423 = arith.constant 8 : i32
          %dma_start3A_424 = tpu.memref_slice %arg7[%multiple_of3A_34, %dma_start3A_423] : memref<10000x16xf32, #tpu.memory_space<hbm>> -> memref<632x8xf32, #tpu.memory_space<hbm>>
          %dma_start3A_425 = arith.constant 8 : i32
          %dma_start3A_426 = tpu.memref_slice %arg7[%multiple_of3A_34, %dma_start3A_425] : memref<10000x16xf32, #tpu.memory_space<hbm>> -> memref<632x8xf32, #tpu.memory_space<hbm>>
          %dma_start3A_427 = arith.constant 0 : i32
          %dma_start3A_428 = arith.constant 0 : i32
          %dma_start3A_429 = tpu.memref_slice %arg37[%dma_start3A_427, %dma_start3A_428] : memref<632x8xf32, #tpu.memory_space<vmem>> -> memref<632x8xf32, #tpu.memory_space<vmem>>
          tpu.enqueue_dma source(%dma_start3A_429 : memref<632x8xf32, #tpu.memory_space<vmem>>) target(%dma_start3A_426 : memref<632x8xf32, #tpu.memory_space<hbm>>) target_semaphore(%run_scoped3A_419 : memref<!tpu.dma_semaphore, #tpu.memory_space<semaphore_mem>>)
          %dma_wait3A_430 = arith.constant 0 : i32
          %dma_wait3A_431 = arith.constant 0 : i32
          %dma_wait3A_432 = tpu.memref_slice %arg37[%dma_wait3A_430, %dma_wait3A_431] : memref<632x8xf32, #tpu.memory_space<vmem>> -> memref<632x8xf32, #tpu.memory_space<vmem>>
          %dma_wait3A_433 = arith.constant 8 : i32
          %dma_wait3A_434 = tpu.memref_slice %arg7[%multiple_of3A_34, %dma_wait3A_433] : memref<10000x16xf32, #tpu.memory_space<hbm>> -> memref<632x8xf32, #tpu.memory_space<hbm>>
          %dma_wait3A_435 = arith.constant 8 : i32
          %dma_wait3A_436 = tpu.memref_slice %arg7[%multiple_of3A_34, %dma_wait3A_435] : memref<10000x16xf32, #tpu.memory_space<hbm>> -> memref<632x8xf32, #tpu.memory_space<hbm>>
          %dma_wait3A_437 = arith.constant 0 : i32
          %dma_wait3A_438 = arith.constant 0 : i32
          %dma_wait3A_439 = tpu.memref_slice %arg37[%dma_wait3A_437, %dma_wait3A_438] : memref<632x8xf32, #tpu.memory_space<vmem>> -> memref<632x8xf32, #tpu.memory_space<vmem>>
          tpu.wait_dma2 semaphore(%run_scoped3A_419 : memref<!tpu.dma_semaphore, #tpu.memory_space<semaphore_mem>>) src(%dma_wait3A_439 : memref<632x8xf32, #tpu.memory_space<vmem>>) dst(%dma_wait3A_436 : memref<632x8xf32, #tpu.memory_space<hbm>>)
          tpu.yield
        }) : () -> ()
      } else {
      }
    } else {
    }
    %eq3A_404 = arith.constant 15 : i32
    %eq3A_405 = arith.cmpi eq, %arg1, %eq3A_404 : i32
    %convert_element_type3A_406 = arith.extui %eq3A_405 : i1 to i32
    %cond3A_407 = arith.constant 0 : i32
    %cond3A_408 = arith.cmpi ne, %convert_element_type3A_406, %cond3A_407 : i32
    scf.if %cond3A_408 {
      %eq3A_409 = arith.constant 0 : i32
      %eq3A_410 = arith.cmpi eq, %arg0, %eq3A_409 : i32
      %convert_element_type3A_411 = arith.extui %eq3A_410 : i1 to i32
      %cond3A_412 = arith.constant 0 : i32
      %cond3A_413 = arith.cmpi ne, %convert_element_type3A_411, %cond3A_412 : i32
      scf.if %cond3A_413 {
        "tpu.region"() ({
          %run_scoped3A_419 = tpu.sem_alloc : memref<!tpu.dma_semaphore, #tpu.memory_space<semaphore_mem>>
          %dma_start3A_420 = arith.constant 0 : i32
          %dma_start3A_421 = arith.constant 0 : i32
          %dma_start3A_422 = tpu.memref_slice %arg37[%dma_start3A_420, %dma_start3A_421] : memref<632x8xf32, #tpu.memory_space<vmem>> -> memref<520x8xf32, #tpu.memory_space<vmem>>
          %dma_start3A_423 = arith.constant 0 : i32
          %dma_start3A_424 = tpu.memref_slice %arg7[%multiple_of3A_34, %dma_start3A_423] : memref<10000x16xf32, #tpu.memory_space<hbm>> -> memref<520x8xf32, #tpu.memory_space<hbm>>
          %dma_start3A_425 = arith.constant 0 : i32
          %dma_start3A_426 = tpu.memref_slice %arg7[%multiple_of3A_34, %dma_start3A_425] : memref<10000x16xf32, #tpu.memory_space<hbm>> -> memref<520x8xf32, #tpu.memory_space<hbm>>
          %dma_start3A_427 = arith.constant 0 : i32
          %dma_start3A_428 = arith.constant 0 : i32
          %dma_start3A_429 = tpu.memref_slice %arg37[%dma_start3A_427, %dma_start3A_428] : memref<632x8xf32, #tpu.memory_space<vmem>> -> memref<520x8xf32, #tpu.memory_space<vmem>>
          tpu.enqueue_dma source(%dma_start3A_429 : memref<520x8xf32, #tpu.memory_space<vmem>>) target(%dma_start3A_426 : memref<520x8xf32, #tpu.memory_space<hbm>>) target_semaphore(%run_scoped3A_419 : memref<!tpu.dma_semaphore, #tpu.memory_space<semaphore_mem>>)
          %dma_wait3A_430 = arith.constant 0 : i32
          %dma_wait3A_431 = arith.constant 0 : i32
          %dma_wait3A_432 = tpu.memref_slice %arg37[%dma_wait3A_430, %dma_wait3A_431] : memref<632x8xf32, #tpu.memory_space<vmem>> -> memref<520x8xf32, #tpu.memory_space<vmem>>
          %dma_wait3A_433 = arith.constant 0 : i32
          %dma_wait3A_434 = tpu.memref_slice %arg7[%multiple_of3A_34, %dma_wait3A_433] : memref<10000x16xf32, #tpu.memory_space<hbm>> -> memref<520x8xf32, #tpu.memory_space<hbm>>
          %dma_wait3A_435 = arith.constant 0 : i32
          %dma_wait3A_436 = tpu.memref_slice %arg7[%multiple_of3A_34, %dma_wait3A_435] : memref<10000x16xf32, #tpu.memory_space<hbm>> -> memref<520x8xf32, #tpu.memory_space<hbm>>
          %dma_wait3A_437 = arith.constant 0 : i32
          %dma_wait3A_438 = arith.constant 0 : i32
          %dma_wait3A_439 = tpu.memref_slice %arg37[%dma_wait3A_437, %dma_wait3A_438] : memref<632x8xf32, #tpu.memory_space<vmem>> -> memref<520x8xf32, #tpu.memory_space<vmem>>
          tpu.wait_dma2 semaphore(%run_scoped3A_419 : memref<!tpu.dma_semaphore, #tpu.memory_space<semaphore_mem>>) src(%dma_wait3A_439 : memref<520x8xf32, #tpu.memory_space<vmem>>) dst(%dma_wait3A_436 : memref<520x8xf32, #tpu.memory_space<hbm>>)
          tpu.yield
        }) : () -> ()
      } else {
      }
      %eq3A_414 = arith.constant 1 : i32
      %eq3A_415 = arith.cmpi eq, %arg0, %eq3A_414 : i32
      %convert_element_type3A_416 = arith.extui %eq3A_415 : i1 to i32
      %cond3A_417 = arith.constant 0 : i32
      %cond3A_418 = arith.cmpi ne, %convert_element_type3A_416, %cond3A_417 : i32
      scf.if %cond3A_418 {
        "tpu.region"() ({
          %run_scoped3A_419 = tpu.sem_alloc : memref<!tpu.dma_semaphore, #tpu.memory_space<semaphore_mem>>
          %dma_start3A_420 = arith.constant 0 : i32
          %dma_start3A_421 = arith.constant 0 : i32
          %dma_start3A_422 = tpu.memref_slice %arg37[%dma_start3A_420, %dma_start3A_421] : memref<632x8xf32, #tpu.memory_space<vmem>> -> memref<520x8xf32, #tpu.memory_space<vmem>>
          %dma_start3A_423 = arith.constant 8 : i32
          %dma_start3A_424 = tpu.memref_slice %arg7[%multiple_of3A_34, %dma_start3A_423] : memref<10000x16xf32, #tpu.memory_space<hbm>> -> memref<520x8xf32, #tpu.memory_space<hbm>>
          %dma_start3A_425 = arith.constant 8 : i32
          %dma_start3A_426 = tpu.memref_slice %arg7[%multiple_of3A_34, %dma_start3A_425] : memref<10000x16xf32, #tpu.memory_space<hbm>> -> memref<520x8xf32, #tpu.memory_space<hbm>>
          %dma_start3A_427 = arith.constant 0 : i32
          %dma_start3A_428 = arith.constant 0 : i32
          %dma_start3A_429 = tpu.memref_slice %arg37[%dma_start3A_427, %dma_start3A_428] : memref<632x8xf32, #tpu.memory_space<vmem>> -> memref<520x8xf32, #tpu.memory_space<vmem>>
          tpu.enqueue_dma source(%dma_start3A_429 : memref<520x8xf32, #tpu.memory_space<vmem>>) target(%dma_start3A_426 : memref<520x8xf32, #tpu.memory_space<hbm>>) target_semaphore(%run_scoped3A_419 : memref<!tpu.dma_semaphore, #tpu.memory_space<semaphore_mem>>)
          %dma_wait3A_430 = arith.constant 0 : i32
          %dma_wait3A_431 = arith.constant 0 : i32
          %dma_wait3A_432 = tpu.memref_slice %arg37[%dma_wait3A_430, %dma_wait3A_431] : memref<632x8xf32, #tpu.memory_space<vmem>> -> memref<520x8xf32, #tpu.memory_space<vmem>>
          %dma_wait3A_433 = arith.constant 8 : i32
          %dma_wait3A_434 = tpu.memref_slice %arg7[%multiple_of3A_34, %dma_wait3A_433] : memref<10000x16xf32, #tpu.memory_space<hbm>> -> memref<520x8xf32, #tpu.memory_space<hbm>>
          %dma_wait3A_435 = arith.constant 8 : i32
          %dma_wait3A_436 = tpu.memref_slice %arg7[%multiple_of3A_34, %dma_wait3A_435] : memref<10000x16xf32, #tpu.memory_space<hbm>> -> memref<520x8xf32, #tpu.memory_space<hbm>>
          %dma_wait3A_437 = arith.constant 0 : i32
          %dma_wait3A_438 = arith.constant 0 : i32
          %dma_wait3A_439 = tpu.memref_slice %arg37[%dma_wait3A_437, %dma_wait3A_438] : memref<632x8xf32, #tpu.memory_space<vmem>> -> memref<520x8xf32, #tpu.memory_space<vmem>>
          tpu.wait_dma2 semaphore(%run_scoped3A_419 : memref<!tpu.dma_semaphore, #tpu.memory_space<semaphore_mem>>) src(%dma_wait3A_439 : memref<520x8xf32, #tpu.memory_space<vmem>>) dst(%dma_wait3A_436 : memref<520x8xf32, #tpu.memory_space<hbm>>)
          tpu.yield
        }) : () -> ()
      } else {
      }
    } else {
    }
    return
  }
}

module attributes {stable_mosaic.version = 14 : i64} {
  func.func @_tc_mm_body(%arg0: memref<10000x128xf32, #tpu.memory_space<vmem>>, %arg1: memref<128x16xf32, #tpu.memory_space<vmem>>, %arg2: memref<10000x16xf32, #tpu.memory_space<vmem>>) attributes {dimension_semantics = [], scalar_prefetch = 0 : i64, scratch_operands = 0 : i64, tpu.core_type = #tpu.core_type<tc>} {
    %get3A = arith.constant 0 : index
    %get3A_0 = arith.constant 0 : index
    %get3A_1 = vector.load %arg0[%get3A, %get3A_0] : memref<10000x128xf32, #tpu.memory_space<vmem>>, vector<10000x128xf32>
    %get3A_2 = arith.constant 0 : index
    %get3A_3 = arith.constant 0 : index
    %get3A_4 = vector.load %arg1[%get3A_2, %get3A_3] : memref<128x16xf32, #tpu.memory_space<vmem>>, vector<128x16xf32>
    %dot_general3A = arith.constant dense<0.000000e+00> : vector<10000x16xf32>
    %dot_general3A_5 = tpu.matmul %get3A_1, %get3A_4, %dot_general3A {dimension_numbers = #tpu.dot_dimension_numbers<[1], [0], [0], [1], [0, 0, 1, 1], [], []>, transpose_lhs_hint = false} : vector<10000x128xf32>, vector<128x16xf32>, vector<10000x16xf32> -> vector<10000x16xf32>
    %swap3A = arith.constant 0 : index
    %swap3A_6 = arith.constant 0 : index
    %swap3A_7 = vector.load %arg2[%swap3A, %swap3A_6] : memref<10000x16xf32, #tpu.memory_space<vmem>>, vector<10000x16xf32>
    tpu.vector_store %arg2[%swap3A, %swap3A_6], %dot_general3A_5 {strides = array<i32>} : memref<10000x16xf32, #tpu.memory_space<vmem>>, vector<10000x16xf32>,
    return
  }
}

module attributes {stable_mosaic.version = 14 : i64} {
  func.func @_tc3_body(%arg0: memref<10000x16xf32, #tpu.memory_space<vmem>>, %arg1: memref<16x40xf32, #tpu.memory_space<vmem>>, %arg2: memref<1x40xf32, #tpu.memory_space<vmem>>, %arg3: memref<10000x40xf32, #tpu.memory_space<vmem>>) attributes {dimension_semantics = [], scalar_prefetch = 0 : i64, scratch_operands = 0 : i64, tpu.core_type = #tpu.core_type<tc>} {
    %get3A = arith.constant 0 : index
    %get3A_0 = arith.constant 0 : index
    %get3A_1 = vector.load %arg0[%get3A, %get3A_0] : memref<10000x16xf32, #tpu.memory_space<vmem>>, vector<10000x16xf32>
    %get3A_2 = arith.constant 0 : index
    %get3A_3 = arith.constant 0 : index
    %get3A_4 = vector.load %arg1[%get3A_2, %get3A_3] : memref<16x40xf32, #tpu.memory_space<vmem>>, vector<16x40xf32>
    %dot_general3A = arith.constant dense<0.000000e+00> : vector<10000x40xf32>
    %dot_general3A_5 = tpu.matmul %get3A_1, %get3A_4, %dot_general3A {dimension_numbers = #tpu.dot_dimension_numbers<[1], [0], [0], [1], [0, 0, 1, 1], [], []>, transpose_lhs_hint = false} : vector<10000x16xf32>, vector<16x40xf32>, vector<10000x40xf32> -> vector<10000x40xf32>
    %get3A_6 = arith.constant 0 : index
    %get3A_7 = arith.constant 0 : index
    %get3A_8 = vector.load %arg2[%get3A_6, %get3A_7] : memref<1x40xf32, #tpu.memory_space<vmem>>, vector<1x40xf32>
    %add3A = vector.broadcast %get3A_8 : vector<1x40xf32> to vector<10000x40xf32>
    %add3A_9 = arith.addf %dot_general3A_5, %add3A : vector<10000x40xf32>
    %reduce_max3A = arith.constant dense<0xFF800000> : vector<10000xf32>
    %reduce_max3A_10 = vector.multi_reduction <maximumf>, %add3A_9, %reduce_max3A [1] : vector<10000x40xf32> to vector<10000xf32>
    %broadcast_in_dim3A = vector.shape_cast %reduce_max3A_10 : vector<10000xf32> to vector<10000x1xf32>
    %sub3A = vector.broadcast %broadcast_in_dim3A : vector<10000x1xf32> to vector<10000x40xf32>
    %sub3A_11 = arith.subf %add3A_9, %sub3A : vector<10000x40xf32>
    %exp3A = math.exp %sub3A_11 : vector<10000x40xf32>
    %reduce_sum3A = arith.constant dense<0.000000e+00> : vector<10000xf32>
    %reduce_sum3A_12 = vector.multi_reduction <add>, %exp3A, %reduce_sum3A [1] : vector<10000x40xf32> to vector<10000xf32>
    %broadcast_in_dim3A_13 = vector.shape_cast %reduce_sum3A_12 : vector<10000xf32> to vector<10000x1xf32>
    %log3A = math.log %broadcast_in_dim3A_13 : vector<10000x1xf32>
    %sub3A_14 = vector.broadcast %log3A : vector<10000x1xf32> to vector<10000x40xf32>
    %sub3A_15 = arith.subf %sub3A_11, %sub3A_14 : vector<10000x40xf32>
    %swap3A = arith.constant 0 : index
    %swap3A_16 = arith.constant 0 : index
    %swap3A_17 = vector.load %arg3[%swap3A, %swap3A_16] : memref<10000x40xf32, #tpu.memory_space<vmem>>, vector<10000x40xf32>
    tpu.vector_store %arg3[%swap3A, %swap3A_16], %sub3A_15 {strides = array<i32>} : memref<10000x40xf32, #tpu.memory_space<vmem>>, vector<10000x40xf32>,
    return
  }
}

</mosaic_0001>

<sc_bundles>
// kernel: kernel.5.cloned.1.call-start
scs
__scs_entry_jumppad:
0x0: {  	(pc) =	sbr.rel $0x88, $3  }
0x1: {  	(tag) =	ssettag $0x0;
	lr =	simm.s32 $0x1  }
0x2: {  	[smem:$0x3F9B] =	sst lr;
	_ =	strace $0xD0000000  }
0x3: {  	_ = 	snop  }
0x4: {  	_ = 	snop  }
0x5: {  	_ = 	snop  }
0x6: {  	_ = 	snop  }
0x7: {  	_ = 	snop  }
__scs_overlays_trampoline_lowered:
0x8: {  	[smem:$0x3FAA] =	sst s0  }
0x9: {  	[smem:$0x3FAB] =	sst s1  }
0xa: {  	[smem:$0x3FAC] =	sst s2  }
0xb: {  	[smem:$0x3FAD] =	sst s3  }
0xc: {  	[smem:$0x3FAE] =	sst s4  }
0xd: {  	[smem:$0x3FAF] =	sst s5  }
0xe: {  	[smem:$0x3FB0] =	sst s6  }
0xf: {  	[smem:$0x3FB1] =	sst s7  }
0x10: {  	[smem:$0x3FB2] =	sst s8  }
0x11: {  	[smem:$0x3FB3] =	sst s9;
	s0 =	simm.s32 @!p0 $0x0  }
0x12: {  	s1 =	sld [smem:$0x3F99];
	s0 =	simm.s32 @p0 $0x1  }
0x13: {  	[smem:$0x3FB4] =	sst s0;
	s0 =	simm.s32 @!p1 $0x0  }
0x14: {  	s2 =	sld [smem:$0x3F98];
	s0 =	simm.s32 @p1 $0x1  }
0x15: {  	[smem:$0x3FB5] =	sst s0;
	s0 =	simm.s32 @!p2 $0x0  }
0x16: {  	s3 =	sld [smem:$0x3FDB];
	s0 =	simm.s32 @p2 $0x1  }
0x17: {  	s4 =	simm.s32 $0x1BF5;
	[smem:$0x3FB7] =	sst s0  }
0x18: {  	s0 =	sld [smem:$0x3F9A];
	_ =	swait.ge [sflag:s4], $0x0  }
0x19: {  	s7 =	sld [smem:$0x3F9B]  }
0x1a: {  	s8 =	sadd.s32 $0xFFFFE003, lr  }
0x1b: {  	s9 =	sadd.s32 $0xFFFFFEF7, lr;
	s5 =	simm.s32 $0xFFFFFFFF;
	p2 =	slt.u32 s8, $0xFFFFF086  }
0x1c: {  	p1 =	slt.u32 s9, $0xF7A;
	s5 =	simm.s32 @!p2 $0x0  }
0x1d: {  	s5 =	simm.s32 @p1 $0x1;
	p0 =	seq.s32 s7, s2  }
0x1e: {  	s7 =	smul.u32 @!p0 $0xF7A, s2;
	p2 =	seq.s32 @!p0 s5, $0x0  }
0x1f: {  	s9 =	smul.u32 $0xF7A, s1;
	s8 =	simm.s32 @!p0 $0x1BF5;
	p2 =	por !p2, p0  }
0x20: {  	[sflag:s8] =	ssyncset.s32 @!p0 $0xFFFFF086;
	s6 =	sadd.s32 @!p0 s3, s7;
	s7 =	simm.s32 @!p0 $0x108  }
0x21: {  	s3 =	sadd.s32 s3, s9;
	s6 =	sadd.s32 @!p0 $0x88, s6;
	s7 =	simm.s32 @p2 $0x1082  }
0x22: {  	[simem:s7], [sflag:s8] =	dma.local @!p0 [hbm:s6], $0xF7A  }
0x23: {  	s9 =	sor.u32 $0xD0000000, s2;
	s6 =	simm.s32 $0x108;
	_ =	swait.ge @!p0 [sflag:s8], $0x0  }
0x24: {  	s3 =	sadd.s32 $0x88, s3;
	s6 =	simm.s32 @!p1 $0x1082;
	[sflag:s4] =	ssyncset.s32 $0xFFFFF086  }
0x25: {  	[simem:s6], [sflag:s4] =	dma.local [hbm:s3], $0xF7A  }
0x26: {  	[smem:$0x3F9B] =	sst s1;
	(tag) =	ssettag s2;
	_ =	strace s9  }
0x27: {  	s1 =	sld [smem:$0x3FAB]  }
0x28: {  	s2 =	sld [smem:$0x3FAC]  }
0x29: {  	s4 =	sld [smem:$0x3FAE]  }
0x2a: {  	p0 =	seq.s32 s5, $0x0;
	s5 =	sld [smem:$0x3FAF]  }
0x2b: {  	s6 =	sld [smem:$0x3FB0]  }
0x2c: {  	s7 =	sld [smem:$0x3FB1]  }
0x2d: {  	s3 =	simm.s32 $0x108;
	s8 =	sld [smem:$0x3FB2]  }
0x2e: {  	s3 =	simm.s32 @!p0 $0x1082;
	s9 =	sld [smem:$0x3FB3]  }
0x2f: {  	lr =	sadd.s32 s0, s3;
	s0 =	sld [smem:$0x3FAA]  }
0x30: {  	s3 =	sld [smem:$0x3FAD]  }
0x31: {  	[smem:$0x3FB6] =	sst s10  }
0x32: {  	s10 =	sld [smem:$0x3FB4];
	_ =	sdelay $0x3  }
0x33: {  	p0 =	seq.s32 s10, $0x1;
	s10 =	sld [smem:$0x3FB6];
	_ =	sdelay $0x3  }
0x34: {  	[smem:$0x3FB6] =	sst s10  }
0x35: {  	s10 =	sld [smem:$0x3FB5];
	_ =	sdelay $0x3  }
0x36: {  	p1 =	seq.s32 s10, $0x1;
	s10 =	sld [smem:$0x3FB6];
	_ =	sdelay $0x3  }
0x37: {  	[smem:$0x3FB6] =	sst s10  }
0x38: {  	s10 =	sld [smem:$0x3FB7]  }
0x39: {  	_ = 	snop;
	(pc) =	sbr.ind lr, $3  }
0x3a: {  	_ = 	snop  }
0x3b: {  	_ = 	snop  }
0x3c: {  	p2 =	seq.s32 s10, $0x1;
	s10 =	sld [smem:$0x3FB6]  }
0x3d: {  	_ =	shalt  }
0x3e: {  	_ =	shalt  }
0x3f: {  	_ =	shalt  }
0x40: {  	_ =	shalt  }
0x41: {  	_ =	shalt  }
0x42: {  	_ =	shalt  }
0x43: {  	_ =	shalt  }
0x44: {  	_ =	shalt  }
0x45: {  	_ =	shalt  }
0x46: {  	_ =	shalt  }
0x47: {  	_ =	shalt  }
0x48: {  	_ =	shalt  }
0x49: {  	_ =	shalt  }
0x4a: {  	_ =	shalt  }
0x4b: {  	_ =	shalt  }
0x4c: {  	_ =	shalt  }
0x4d: {  	_ =	shalt  }
0x4e: {  	_ =	shalt  }
0x4f: {  	_ =	shalt  }
0x50: {  	_ =	shalt  }
0x51: {  	_ =	shalt  }
0x52: {  	_ =	shalt  }
0x53: {  	_ =	shalt  }
0x54: {  	_ =	shalt  }
0x55: {  	_ =	shalt  }
0x56: {  	_ =	shalt  }
0x57: {  	_ =	shalt  }
0x58: {  	_ =	shalt  }
0x59: {  	_ =	shalt  }
0x5a: {  	_ =	shalt  }
0x5b: {  	_ =	shalt  }
0x5c: {  	_ =	shalt  }
0x5d: {  	_ =	shalt  }
0x5e: {  	_ =	shalt  }
0x5f: {  	_ =	shalt  }
0x60: {  	_ =	shalt  }
0x61: {  	_ =	shalt  }
0x62: {  	_ =	shalt  }
0x63: {  	_ =	shalt  }
0x64: {  	_ =	shalt  }
0x65: {  	_ =	shalt  }
0x66: {  	_ =	shalt  }
0x67: {  	_ =	shalt  }
0x68: {  	_ =	shalt  }
0x69: {  	_ =	shalt  }
0x6a: {  	_ =	shalt  }
0x6b: {  	_ =	shalt  }
0x6c: {  	_ =	shalt  }
0x6d: {  	_ =	shalt  }
0x6e: {  	_ =	shalt  }
0x6f: {  	_ =	shalt  }
0x70: {  	_ =	shalt  }
0x71: {  	_ =	shalt  }
0x72: {  	_ =	shalt  }
0x73: {  	_ =	shalt  }
0x74: {  	_ =	shalt  }
0x75: {  	_ =	shalt  }
0x76: {  	_ =	shalt  }
0x77: {  	_ =	shalt  }
0x78: {  	_ =	shalt  }
0x79: {  	_ =	shalt  }
0x7a: {  	_ =	shalt  }
0x7b: {  	_ =	shalt  }
0x7c: {  	_ =	shalt  }
0x7d: {  	_ =	shalt  }
0x7e: {  	_ =	shalt  }
0x7f: {  	_ =	shalt  }
0x80: {  	_ =	shalt  }
0x81: {  	_ =	shalt  }
0x82: {  	_ =	shalt  }
0x83: {  	_ =	shalt  }
0x84: {  	_ =	shalt  }
0x85: {  	_ =	shalt  }
0x86: {  	_ =	shalt  }
0x87: {  	_ =	shalt  }
.Lfunc_end0:
.L_simem_size_0:
called_computation_lowered:
.L_overlay_start_0:
0x88: {  	s2 =	sld [smem:$0x3FD9]  }
0x89: {  	s3 =	sld [smem:$0x3FFE];
	_ =	sdelay $0x1  }
0x8a: {  	s1 =	srdreg.scid  }
0x8b: {  	s0 =	sand.u32 $0x1, s1  }
0x8c: {  	s17 =	sshll.u32 s0, $0xA;
	s2 =	sadd.s32 s3, s2  }
0x8d: {  	s2 =	sadd.s32 s2, s17  }
0x8e: {  	[smem:$0x3FC2] =	sst s2  }
0x8f: {  	_ = 	snop  }
0x90: {  	s2 =	sld [smem:$0x3FD0];
	(tm) =	ssettm $0x1  }
0x91: {  	s18 =	sld [smem:$0x3FFB];
	_ =	sdelay $0x3  }
0x92: {  	_ =	strace s18  }
0x93: {  	s3 =	sld [smem:$0x3FFC];
	_ =	sdelay $0x3  }
0x94: {  	_ =	strace s3  }
0x95: {  	s3 =	sld [smem:$0x3FFD];
	_ =	sdelay $0x3  }
0x96: {  	_ =	strace s3  }
0x97: {  	_ =	strace $0x8FFFFFFF  }
0x98: {  	s19 =	sld [smem:$0x3FDB];
	_ =	sdelay $0x1  }
0x99: {  	s4 =	simm.s32 $_scs_section_size  }
0x9a: {  	s5 =	simm.s32 $_size__tile_overlayer_lowered;
	s6 =	simm.s32 $_tile_overlayer_lowered  }
0x9b: {  	s22 =	simm.s32 $0x1BFF;
	s21 =	sshll.u32 s6, $0x1;
	s3 =	sadd.s32 s4, s19  }
0x9c: {  	s7 =	simm.s32 $0x0;
	s20 =	sshll.u32 s5, $0x1;
	s5 =	sadd.s32 s21, s3  }
0x9d: {  	[timem:s7], [sflag:s22] =	dma.local [hbm:s5], s20  }
0x9e: {  	_ =	swait.ge [sflag:s22], s20  }
0x9f: {  	s4 =	ssub.s32 $0x0, s20;
	[sflag:s22] =	ssyncset.done $0x0  }
0xa0: {  	[sflag:s22] =	ssyncadd.s32 s4;
	_ =	sdelay $0x1  }
0xa1: {  	s23 =	simm.s32 $0x1B8B  }
0xa2: {  	_ =	swait.ge [sflag:s23], $0x1  }
0xa3: {  	[sflag:s23] =	ssyncset.done $0x0  }
0xa4: {  	s25 =	simm.s32 $0x1B8E;
	s24 =	sld [smem:$0x3FFE];
	[sflag:s23] =	ssyncadd.s32 $0xFFFFFFFF  }
0xa5: {  	s26 =	simm.s32 $execute0_lowered;
	[smem:$0x3FD2] =	sst s25  }
0xa6: {  	s5 =	sshll.u32 s26, $0x1;
	_ =	strace $0x80000046;
	[dreg:$0x1] =	wrdreg $0xFFFFFFFF  }
0xa7: {  	s28 =	simm.s32 $_size_execute0_lowered;
	s3 =	sadd.s32 s3, s5;
	[dreg:$0x0] =	wrdreg $0x0  }
0xa8: {  	s5 =	sshll.u32 s28, $0x1;
	[dreg:$0x2] =	wrdreg s3  }
0xa9: {  	[dreg:$0x3] =	wrdreg s5  }
0xaa: {  	[dreg:$0x4] =	wrdreg $0xC0  }
0xab: {  	_ =	task [dreg:s7], $0x5FFFF  }
0xac: {  	[dreg:$0x1] =	wrdreg $0xFFFFFFFF  }
0xad: {  	[dreg:$0x0] =	wrdreg $0x60  }
0xae: {  	[dreg:$0x2] =	wrdreg s2  }
0xaf: {  	[dreg:$0x3] =	wrdreg s24  }
0xb0: {  	[dreg:$0x4] =	wrdreg $0x14CB00  }
0xb1: {  	[dreg:$0x5] =	wrdreg $0x139200  }
0xb2: {  	[dreg:$0x6] =	wrdreg $0x112100  }
0xb3: {  	[dreg:$0x7] =	wrdreg $0x125980  }
0xb4: {  	[dreg:$0x8] =	wrdreg $0x9  }
0xb5: {  	_ =	task.clear_ibuf [dreg:s7], $0x9FFFF;
	_ =	strace $0x90000046  }
0xb6: {  	s29 =	simm.s32 $0x9;
	_ =	strace $0x80000048  }
0xb7: {  	_ =	swait.ge [sflag:s29], $0x1  }
0xb8: {  	[sflag:s29] =	ssyncadd.s32 $0xFFFFFFFF  }
0xb9: {  	_ =	strace $0x90000048  }
0xba: {  	_ =	sfence  }
0xbb: {  	s30 =	sld [smem:$0x0];
	_ =	sdelay $0x2  }
0xbc: {  	s31 =	sshll.u32 s1, $0xD;
	s1 =	sshrl.u32 s1, $0x2  }
0xbd: {  	s3 =	sand.u32 $0x4000, s31;
	s1 =	sadd.s32 s1, s30  }
0xbe: {  	s0 =	sor.u32 s3, s0;
	s1 =	sshll.u32 s1, $0x11  }
0xbf: {  	s0 =	sor.u32 s1, s0  }
0xc0: {  	s0 =	sadd.s32 $0x8F2B, s0  }
0xc1: {  	[sflag:s0] =	ssyncadd.remote.s32 $0x1  }
0xc2: {  	_ =	sfence.sel $0xFFFF  }
0xc3: {  	[dreg:$0x0] =	wrdreg $0xFFFFFFFF;
	(pc) =	sbr.abs _section_cstart, $3  }
0xc4: {  	[dreg:$0x1] =	wrdreg $0xFFFFFFFF  }
0xc5: {  	_ =	task.clear_ibuf [dreg:s7], $0x2FFFF;
	_ =	strace $0x9FFFFFFF  }
0xc6: {  	(tm) =	ssettm $0x7FFFFFFF  }
0xc7: {  	_ =	shalt  }
tec
execute0_lowered:
.L_overlay_start_1:
0x0: {  	(tag) =	ssettag $0x1  }
0x1: {  	s0 =	rddreg [dreg:$0x0]  }
0x2: {  	s4 =	rddreg [dreg:$0x1]  }
0x3: {  	s1 =	rddreg [dreg:$0x2]  }
0x4: {  	s2 =	rddreg [dreg:$0x3]  }
0x5: {  	s3 =	rddreg [dreg:$0x4];
	s17 =	stileid.u32  }
0x6: {  	s5 =	rddreg [dreg:$0x5];
	s6 =	simm.s32 $0x0;
	s20 =	smul.u32 $0x5000, s17  }
0x7: {  	s7 =	srdreg.scid;
	s28 =	simm.s32 $0x7;
	s8 =	smul.u32 $0x13C0, s17  }
0x8: {  	s29 =	simm.s32 $0xF;
	s31 =	simm.s32 $0x10;
	s10 =	smul.u32 $0x278, s17  }
0x9: {  	s30 =	simm.s32 $0xC000;
	[smem:$0x7FF] =	sst s6;
	s13 =	smul.u32 $0x4F0, s17  }
0xa: {  	s7 =	sand.u32 $0x1, s7;
	p0 =	seq.s32 s17, $0xF;
	s24 =	smul.u32 $0x4F00, s17  }
0xb: {  	s25 =	sadd.s32 $0x152A1, s4;
	s19 =	sadd.s32 $0x17908, s4;
	_ =	strace $0x80000047  }
0xc: {  	s9 =	sshll.u32 s7, $0x1;
	s14 =	ssub.s32 $0x2, s7;
	[dreg:$0xc] =	wrdreg s25  }
0xd: {  	p4 =	seq.s32 s7, $0x1;
	s7 =	sadd.s32 s7, s0;
	[dreg:$0x17] =	wrdreg s19  }
0xe: {  	s25 =	sadd.s32 $0x12840, s3;
	s19 =	simm.s32 $0xB800;
	s6 =	sshrl.u32 s20, $0x3  }
0xf: {  	s9 =	sadd.s32 s9, s4;
	s11 =	sshrl.u32 s8, $0x3;
	s12 =	sshrl.u32 s10, $0x3  }
0x10: {  	s15 =	sshrl.u32 s14, $0x1;
	s16 =	sadd.s32 s13, s4;
	s20 =	sadd.s32 s10, s1  }
0x11: {  	s26 =	sadd.s32 s8, s2;
	s7 =	sadd.s32 s13, s7;
	p1 =	por !p4, !p0  }
0x12: {  	p2 =	por p4, !p0;
	p3 =	por !p4, p0;
	[dreg:$0x1d] =	wrdreg s25  }
0x13: {  	s25 =	simm.s32 $0xB000;
	s6 =	sadd.s32 s6, s4;
	[dreg:$0xd] =	wrdreg s26  }
0x14: {  	s11 =	sadd.s32 s11, s4;
	s12 =	sadd.s32 s12, s4;
	[dreg:$0x11] =	wrdreg s7  }
0x15: {  	s14 =	ssub.s32 s14, s15;
	s22 =	sadd.s32 $0xC00, s9;
	[dreg:$0xa] =	wrdreg s20  }
0x16: {  	s15 =	simm.s32 $0x208;
	s17 =	sadd.s32 $0x17C00, s16;
	[dreg:$0x9] =	wrdreg s22  }
0x17: {  	s7 =	simm.s32 $0x4A11;
	s18 =	sadd.s32 $0x17C01, s16;
	[dreg:$0x15] =	wrdreg s17  }
0x18: {  	s26 =	sadd.s32 $0x12840, s5;
	s9 =	simm.s32 $0x11;
	[dreg:$0x16] =	wrdreg s18  }
0x19: {  	s16 =	simm.s32 $0xFB40;
	s21 =	sadd.s32 $0xE00, s6;
	[dreg:$0x1e] =	wrdreg s26  }
0x1a: {  	s6 =	sadd.s32 $0xAE00, s6;
	s23 =	sadd.s32 $0x14E00, s12;
	[dreg:$0x7] =	wrdreg s21  }
0x1b: {  	s10 =	sadd.s32 $0x15400, s11;
	s15 =	simm.s32 @!p0 $0x278;
	[dreg:$0x8] =	wrdreg s6  }
0x1c: {  	s12 =	sadd.s32 s8, s3;
	s8 =	sadd.s32 s8, s5;
	[dreg:$0xb] =	wrdreg s23  }
0x1d: {  	s7 =	simm.s32 @!p4 $0x4A10;
	s22 =	sadd.s32 $0x1C611, s4;
	[dreg:$0xe] =	wrdreg s10  }
0x1e: {  	p4 =	por p4, p0;
	s26 =	simm.s32 $0x5;
	[dreg:$0x10] =	wrdreg s12  }
0x1f: {  	s18 =	simm.s32 $0x8;
	s6 =	sshrl.u32 s24, $0x2;
	[dreg:$0x12] =	wrdreg s8  }
0x20: {  	s0 =	sadd.s32 s7, s0;
	s21 =	sadd.s32 $0x1C610, s4;
	[dreg:$0x19] =	wrdreg s22  }
0x21: {  	s23 =	smax.u32 s14, $0x1;
	s14 =	sadd.s32 $0x2508, s1;
	[dreg:$0x14] =	wrdreg s0  }
0x22: {  	s24 =	sadd.s32 $0x12840, s2;
	s7 =	simm.s32 $0x80;
	[dreg:$0x18] =	wrdreg s21  }
0x23: {  	s8 =	simm.s32 $0x10F10;
	s12 =	simm.s32 $0xD3C0;
	[dreg:$0x1a] =	wrdreg s23  }
0x24: {  	s22 =	simm.s32 $0x1;
	s10 =	simm.s32 $0x0;
	[dreg:$0x1c] =	wrdreg s24  }
0x25: {  	s11 =	sadd.s32 s6, s3;
	s6 =	sadd.s32 s6, s2;
	[dreg:$0x1b] =	wrdreg s14  }
0x26: {  	v2 =	vlaneseq.u32;
	s21 =	simm.s32 $0xBC00;
	s23 =	simm.s32 $0x3;
	[dreg:$0xf] =	wrdreg s11  }
0x27: {  	v0 =	vimm.f32 $1.000000000e+00;
	v1 =	vshrl.u32 v2, $0x3;
	v2 =	vand.u32 $0x7, v2;
	s0 =	simm.s32 $0xE780;
	[dreg:$0x13] =	wrdreg s6;
	s11 =	simm.s32 $0x10F90  }
.LBB2_1:
0x28: {  	[dreg:$0x1f] =	wrdreg s10  }
0x29: {  	s4 =	simm.s32 $0x0;
	s6 =	rddreg [dreg:$0x7];
	s10 =	simm.s32 $0x12  }
0x2a: {  	[tilespmem:s4], [sflag:$0x12] =	stream.linear.gather [hbm4b:s6+s4], $0x5000, $0x38;
	[tilespmem:$0x14F28] =	vst v63  }
0x2b: {  	_ =	swait.ge [sflag:s10], $0x5000  }
0x2c: {  	[sflag:s10] =	ssyncset.done $0x0  }
0x2d: {  	s13 =	simm.s32 $0x5000;
	s24 =	rddreg [dreg:$0x8];
	[sflag:s10] =	ssyncadd.s32 $0xFFFFB000  }
0x2e: {  	[tilespmem:s13], [sflag:$0x12] =	stream.linear.gather [hbm4b:s24+s4], $0x5000, $0x38;
	[tilespmem:$0x14F28] =	vst v63  }
0x2f: {  	_ =	swait.ge [sflag:s10], $0x5000  }
0x30: {  	[sflag:s10] =	ssyncset.done $0x0  }
0x31: {  	s24 =	simm.s32 $0x10F00;
	s17 =	rddreg [dreg:$0x9];
	[sflag:s10] =	ssyncadd.s32 $0xFFFFB000  }
0x32: {  	[tilespmem:s24], [sflag:$0x12] =	stream.linear.gather [hbm4b:s17+s4], $0x10, $0x38;
	[tilespmem:$0x14F28] =	vst v63  }
0x33: {  	_ =	swait.ge [sflag:s10], $0x10  }
0x34: {  	[sflag:s10] =	ssyncset.done $0x0  }
0x35: {  	[sflag:s10] =	ssyncadd.s32 $0xFFFFFFF0  }
0x36: {  	[tilespmem:$0x10F10] =	vst v0  }
0x37: {  	[tilespmem:$0x10F20] =	vst v0  }
0x38: {  	[tilespmem:$0x10F30] =	vst v0  }
0x39: {  	[tilespmem:$0x10F40] =	vst v0  }
0x3a: {  	[tilespmem:$0x10F50] =	vst v0  }
0x3b: {  	[tilespmem:$0x10F60] =	vst v0  }
0x3c: {  	[tilespmem:$0x10F70] =	vst v0  }
0x3d: {  	s6 =	simm.s32 @p0 $0x1FD2;
	s4 =	sshrl.u32 @p0 s14, $0x3;
	s10 =	rddreg [dreg:$0xc];
	[tilespmem:$0x10F80] =	vst v0  }
0x3e: {  	[spmem:s4], [sflag:s6] =	dma.local @p0 [hbm:s10], $0x43  }
0x3f: {  	s4 =	simm.s32 @p0 $0x12;
	s6 =	stileid.u32  }
0x40: {  	_ =	swait.ge @p0 [sflag:s4], $0x43;
	s6 =	sshll.u32 @!p0 s6, $0x6  }
0x41: {  	[sflag:s4] =	ssyncset.done @p0 $0x0;
	s17 =	sor.u32 @!p0 $0x1C12, s6  }
0x42: {  	s6 =	rddreg [dreg:$0xb];
	[sflag:s4] =	ssyncadd.s32 @p0 $0xFFFFFFBD;
	s4 =	sshrl.u32 @!p0 s20, $0x3  }
0x43: {  	[spmem:s4], [sflag:s17] =	dma.local @!p0 [hbm:s6], $0x4F  }
0x44: {  	s4 =	simm.s32 @!p0 $0x12  }
0x45: {  	_ =	swait.ge @!p0 [sflag:s4], $0x4F  }
0x46: {  	[sflag:s4] =	ssyncset.done @!p0 $0x0  }
0x47: {  	[sflag:s4] =	ssyncadd.s32 @!p0 $0xFFFFFFB1  }
0x48: {  	s6 =	simm.s32 $0x5000;
	s4 =	simm.s32 $0x200;
	[bflag:$0x0] =	sbarrier.arrive $0xFFFF  }
.LBB2_2:
0x49: {  	[spmem:s1] =	stream.indirect.scatter.add.f32 [tilespmem:s8], [sflag:$0x11], $0x1, s6, s7, $0xb8;
	[tilespmem:$0x14F28] =	vst v63  }
0x4a: {  	s6 =	smov.u32 s4;
	p5 =	sne.s32 s4, $0x13E00  }
.Ltmp0:
0x4b: {  	s4 =	sadd.s32 $0x200, s4;
	(pc) =	sbr.rel @p5 .LBB2_2-.Ltmp0, $3  }
0x4c: {  	_ =	sdelay $0x1  }
0x4d: {  	s6 =	sshra.s32 s6, $0x2  }
0x4e: {  	s6 =	sadd.s32 $0x5000, s6  }
0x4f: {  	[spmem:s1] =	stream.indirect.scatter.add.f32 [tilespmem:s8], [sflag:$0x11], $0x1, s6, s7, $0xb8;
	[tilespmem:$0x14F28] =	vst v63  }
0x50: {  	s4 =	simm.s32 @p0 $0x8  }
0x51: {  	s6 =	simm.s32 @p0 $0x10;
	s10 =	simm.s32 @p0 $0xD3C0;
	s13 =	rddreg [dreg:$0x14]  }
0x52: {  	[tilespmem:s10], [sflag:$0x12] =	stream.strided.gather @p0 [hbm4b:s13+s4], $0x1040, s6, s4, $0x38;
	[tilespmem:$0x14F28] =	vst v63  }
0x53: {  	s4 =	simm.s32 @p0 $0x12  }
0x54: {  	_ =	swait.ge @p0 [sflag:s4], $0x1040  }
0x55: {  	s6 =	rddreg [dreg:$0x1c]  }
0x56: {  	[sflag:s4] =	ssyncset.done @p0 $0x0;
	s10 =	rddreg [dreg:$0x17];
	s13 =	sshrl.u32 @p0 s6, $0x3  }
0x57: {  	[sflag:s4] =	ssyncadd.s32 @p0 $0xFFFFEFC0;
	s6 =	simm.s32 @p0 $0x1FD2;
	[smem:$0x7FC] =	sst s13  }
0x58: {  	[spmem:s13], [sflag:s6] =	dma.local @p0 [hbm:s10], $0x218  }
0x59: {  	_ =	swait.ge @p0 [sflag:s4], $0x218  }
0x5a: {  	s6 =	simm.s32 @!p0 $0x10;
	s10 =	simm.s32 @!p0 $0xD3C0;
	[sflag:s4] =	ssyncset.done @p0 $0x0  }
0x5b: {  	s13 =	rddreg [dreg:$0x11];
	[sflag:s4] =	ssyncadd.s32 @p0 $0xFFFFFDE8;
	s4 =	simm.s32 @!p0 $0x8  }
0x5c: {  	[tilespmem:s10], [sflag:$0x12] =	stream.strided.gather @!p0 [hbm4b:s13+s4], $0x13C0, s6, s4, $0x38;
	[tilespmem:$0x14F28] =	vst v63  }
0x5d: {  	s4 =	simm.s32 @!p0 $0x12  }
0x5e: {  	_ =	swait.ge @!p0 [sflag:s4], $0x13C0  }
0x5f: {  	s6 =	rddreg [dreg:$0xd]  }
0x60: {  	[sflag:s4] =	ssyncset.done @!p0 $0x0;
	s10 =	sshrl.u32 @!p0 s6, $0x3;
	s6 =	rddreg [dreg:$0xe]  }
0x61: {  	[sflag:s4] =	ssyncadd.s32 @!p0 $0xFFFFEC40;
	[smem:$0x7FD] =	sst s10  }
0x62: {  	[spmem:s10], [sflag:s17] =	dma.local @!p0 [hbm:s6], $0x278  }
0x63: {  	_ =	swait.ge @!p0 [sflag:s4], $0x278  }
0x64: {  	[sflag:s4] =	ssyncset.done @!p0 $0x0  }
0x65: {  	[sflag:s4] =	ssyncadd.s32 @!p0 $0xFFFFFD88  }
0x66: {  	_ =	swait.ge [sflag:s9], $0x80  }
0x67: {  	s4 =	simm.s32 $0x9F;
	[sflag:s9] =	ssyncset.done $0x0  }
.LBB2_4:
0x68: {  	p5 =	sne.s32 s4, $0x1;
	s4 =	sadd.s32 $0xFFFFFFFF, s4;
	[sflag:s9] =	ssyncadd.s32 $0xFFFFFF80  }
.Ltmp1:
0x69: {  	(pc) =	sbr.rel @p5 .LBB2_4-.Ltmp1, $3  }
0x6a: {  	_ =	sdelay $0x1  }
0x6b: {  	_ =	swait.ge [sflag:s9], $0x80  }
0x6c: {  	[sflag:s9] =	ssyncset.done $0x0  }
0x6d: {  	[sflag:s9] =	ssyncadd.s32 $0xFFFFFF80  }
0x6e: {  	s4 =	simm.s32 @p0 $0x10F90;
	[bflag:$0x0] =	sbarrier.arrive $0xFFFF  }
0x6f: {  	[tilespmem:s4], [sflag:$0x12] =	stream.linear.gather @p0 [spmem:s14], $0x208, $0x38;
	[tilespmem:$0x14F28] =	vst v63  }
0x70: {  	s4 =	simm.s32 @p0 $0x12  }
0x71: {  	_ =	swait.ge @p0 [sflag:s4], $0x208  }
0x72: {  	[sflag:s4] =	ssyncset.done @p0 $0x0  }
0x73: {  	[sflag:s4] =	ssyncadd.s32 @p0 $0xFFFFFDF8;
	s4 =	simm.s32 @!p0 $0x10F90  }
0x74: {  	[tilespmem:s4], [sflag:$0x12] =	stream.linear.gather @!p0 [spmem:s20], $0x278, $0x38;
	[tilespmem:$0x14F28] =	vst v63  }
0x75: {  	s4 =	simm.s32 @!p0 $0x12  }
0x76: {  	_ =	swait.ge @!p0 [sflag:s4], $0x278  }
0x77: {  	s13 =	simm.s32 $0x0;
	[sflag:s4] =	ssyncset.done @!p0 $0x0  }
0x78: {  	s6 =	simm.s32 $0x40;
	[sflag:s4] =	ssyncadd.s32 @!p0 $0xFFFFFD88;
	s4 =	simm.s32 $0x0  }
.LBB2_6:
0x79: {  	p5 =	sne.s32 s6, $0x9C0;
	v3 =	vld [tilespmem:s4+$0x10F90];
	_ =	sdelay $0x4  }
0x7a: {  	v3 =	vadd.f32 $1.000000000e+00, v3;
	_ =	sdelay $0x1  }
0x7b: {  	v4 =	vshrl.u32 v3, $0x1;
	v3 =	vmul.f32 $5.000000000e-01, v3  }
0x7c: {  	v4 =	vsub.s32 $0x5F3759DF, v4  }
0x7d: {  	v5 =	vmul.f32 v4, v3;
	_ =	sdelay $0x1  }
0x7e: {  	v5 =	vmul.f32 v4, v5;
	_ =	sdelay $0x1  }
0x7f: {  	v5 =	vsub.f32 $1.500000000e+00, v5;
	_ =	sdelay $0x1  }
0x80: {  	v4 =	vmul.f32 v4, v5;
	_ =	sdelay $0x1  }
0x81: {  	v5 =	vmul.f32 v4, v3;
	_ =	sdelay $0x1  }
0x82: {  	v5 =	vmul.f32 v5, v4;
	_ =	sdelay $0x1  }
0x83: {  	v5 =	vsub.f32 $1.500000000e+00, v5;
	_ =	sdelay $0x1  }
0x84: {  	v4 =	vmul.f32 v5, v4;
	_ =	sdelay $0x1  }
0x85: {  	v3 =	vmul.f32 v4, v3;
	_ =	sdelay $0x1  }
0x86: {  	v3 =	vmul.f32 v3, v4;
	_ =	sdelay $0x1  }
.Ltmp2:
0x87: {  	v3 =	vsub.f32 $1.500000000e+00, v3;
	(pc) =	sbr.rel @p5 .LBB2_6-.Ltmp2, $3  }
0x88: {  	_ = 	snop  }
0x89: {  	v3 =	vmul.f32 v3, v4;
	_ =	sdelay $0x1  }
0x8a: {  	[tilespmem:s4+$0x10F90] =	vst v3;
	s4 =	sshra.s32 s6, $0x2;
	s6 =	sadd.s32 $0x40, s6  }
0x8b: {  	v3 =	vld [tilespmem:s4+$0x10F90];
	_ =	sdelay $0x4  }
0x8c: {  	v3 =	vadd.f32 $1.000000000e+00, v3;
	_ =	sdelay $0x1  }
0x8d: {  	v4 =	vshrl.u32 v3, $0x1;
	v3 =	vmul.f32 $5.000000000e-01, v3  }
0x8e: {  	v4 =	vsub.s32 $0x5F3759DF, v4  }
0x8f: {  	v5 =	vmul.f32 v4, v3;
	_ =	sdelay $0x1  }
0x90: {  	v5 =	vmul.f32 v4, v5;
	_ =	sdelay $0x1  }
0x91: {  	v5 =	vsub.f32 $1.500000000e+00, v5;
	_ =	sdelay $0x1  }
0x92: {  	v4 =	vmul.f32 v4, v5;
	_ =	sdelay $0x1  }
0x93: {  	v5 =	vmul.f32 v4, v3;
	_ =	sdelay $0x1  }
0x94: {  	v5 =	vmul.f32 v5, v4;
	_ =	sdelay $0x1  }
0x95: {  	v5 =	vsub.f32 $1.500000000e+00, v5;
	_ =	sdelay $0x1  }
0x96: {  	v4 =	vmul.f32 v5, v4;
	_ =	sdelay $0x1  }
0x97: {  	v3 =	vmul.f32 v4, v3;
	_ =	sdelay $0x1  }
0x98: {  	v5 =	vor.u32 s13, v1;
	v3 =	vmul.f32 v3, v4  }
0x99: {  	v6 =	vshll.u32 v5, $0x3  }
0x9a: {  	v7 =	vsub.f32 $1.500000000e+00, v3;
	v3 =	vor.u32 v2, v6  }
0x9b: {  	p5 =	sne.s32 s15, $0x2  }
.Ltmp3:
0x9c: {  	v4 =	vmul.f32 v7, v4;
	(pc) =	sbr.rel @!p5 .LBB2_9-.Ltmp3, $4  }
0x9d: {  	_ = 	snop  }
0x9e: {  	[tilespmem:s4+$0x10F90] =	vst v4  }
0x9f: {  	v4 =	vld.idx.msk [tilespmem:v3+s12+$0x0], $0xffff  }
0xa0: {  	[smem:$0x7FB] =	sst s17;
	s4 =	simm.s32 $0x2;
	v5 =	vld.idx.msk [tilespmem:v5+s11+$0x0], $0xffff  }
.LBB2_8:
0xa1: {  	v6 =	vor.u32 s4, v1  }
0xa2: {  	s4 =	sadd.s32 $0x2, s4;
	v7 =	vshll.u32 v6, $0x3  }
0xa3: {  	p5 =	sne.s32 s15, s4;
	v7 =	vor.u32 v2, v7;
	_ =	sdelay $0x1  }
.Ltmp4:
0xa4: {  	v4 =	vmul.f32 v4, v5;
	(pc) =	sbr.rel @p5 .LBB2_8-.Ltmp4, $4  }
0xa5: {  	_ = 	snop  }
0xa6: {  	[tilespmem:v3+s16+$0x0] =	vst.idx.msk $0xffff, v4;
	v3 =	vmov v7  }
0xa7: {  	v4 =	vld.idx.msk [tilespmem:v7+s12+$0x0], $0xffff  }
0xa8: {  	v5 =	vld.idx.msk [tilespmem:v6+s11+$0x0], $0xffff  }
.LBB2_9:
0xa9: {  	_ =	sdelay $0x3  }
0xaa: {  	v4 =	vmul.f32 v4, v5;
	_ =	sdelay $0x1  }
0xab: {  	s4 =	simm.s32 @p0 $0xFB40;
	s6 =	rddreg [dreg:$0x1d];
	[tilespmem:v3+s16+$0x0] =	vst.idx.msk $0xffff, v4  }
0xac: {  	[spmem:s6] =	stream.linear.scatter @p0 [tilespmem:s4], [sflag:$0x12], $0x1040, $0x38;
	[tilespmem:$0x14F28] =	vst v63  }
0xad: {  	s4 =	simm.s32 @p0 $0x12  }
0xae: {  	_ =	swait.ge @p0 [sflag:s4], $0x1040  }
0xaf: {  	[sflag:s4] =	ssyncset.done @p0 $0x0  }
0xb0: {  	s6 =	rddreg [dreg:$0xf];
	[sflag:s4] =	ssyncadd.s32 @p0 $0xFFFFEFC0;
	s4 =	simm.s32 @!p0 $0xFB40  }
0xb1: {  	[spmem:s6] =	stream.linear.scatter @!p0 [tilespmem:s4], [sflag:$0x12], $0x13C0, $0x38;
	[tilespmem:$0x14F28] =	vst v63  }
0xb2: {  	s4 =	simm.s32 @!p0 $0x12  }
0xb3: {  	_ =	swait.ge @!p0 [sflag:s4], $0x13C0  }
0xb4: {  	[sflag:s4] =	ssyncset.done @!p0 $0x0  }
0xb5: {  	[sflag:s4] =	ssyncadd.s32 @!p0 $0xFFFFEC40  }
0xb6: {  	s24 =	simm.s32 $0x0;
	s6 =	simm.s32 $0xA000;
	[bflag:$0x0] =	sbarrier.arrive $0xFFFF  }
0xb7: {  	[tilespmem:s6], [sflag:$0x1] =	stream.indirect.gather [spmem:s3], $0x8, s24, s7, $0xb8;
	[tilespmem:$0x14F28] =	vst v63  }
0xb8: {  	s10 =	simm.s32 $0xA400  }
0xb9: {  	[tilespmem:s10], [sflag:$0x2] =	stream.indirect.gather [spmem:s3], $0x8, s7, s7, $0xb8;
	[tilespmem:$0x14F28] =	vst v63  }
0xba: {  	s13 =	simm.s32 $0x100;
	s14 =	simm.s32 $0xA800  }
0xbb: {  	[tilespmem:s14], [sflag:$0x3] =	stream.indirect.gather [spmem:s3], $0x8, s13, s7, $0xb8;
	[tilespmem:$0x14F28] =	vst v63  }
0xbc: {  	s17 =	simm.s32 $0x180;
	s20 =	simm.s32 $0xAC00  }
0xbd: {  	[tilespmem:s20], [sflag:$0x4] =	stream.indirect.gather [spmem:s3], $0x8, s17, s7, $0xb8;
	[tilespmem:$0x14F28] =	vst v63  }
0xbe: {  	s10 =	simm.s32 $0x200  }
0xbf: {  	[tilespmem:s25], [sflag:$0x5] =	stream.indirect.gather [spmem:s3], $0x8, s10, s7, $0xb8;
	[tilespmem:$0x14F28] =	vst v63  }
0xc0: {  	s13 =	simm.s32 $0x280;
	s14 =	simm.s32 $0xB400  }
0xc1: {  	[tilespmem:s14], [sflag:$0x6] =	stream.indirect.gather [spmem:s3], $0x8, s13, s7, $0xb8;
	[tilespmem:$0x14F28] =	vst v63  }
0xc2: {  	s17 =	simm.s32 $0x300  }
0xc3: {  	[tilespmem:s19], [sflag:$0x7] =	stream.indirect.gather [spmem:s3], $0x8, s17, s7, $0xb8;
	[tilespmem:$0x14F28] =	vst v63  }
0xc4: {  	s20 =	simm.s32 $0x380  }
0xc5: {  	[tilespmem:s21], [sflag:$0x8] =	stream.indirect.gather [spmem:s3], $0x8, s20, s7, $0xb8;
	[tilespmem:$0x14F28] =	vst v63  }
.LBB2_10:
0xc6: {  	_ =	swait.ge [sflag:s22], $0x400  }
0xc7: {  	s4 =	sshra.s32 s24, $0x2;
	s10 =	simm.s32 $0xA000;
	[sflag:s22] =	ssyncset.done $0x0  }
0xc8: {  	p5 =	seq.s32 s24, $0x13000;
	s6 =	sadd.s32 $0x5000, s4;
	[sflag:s22] =	ssyncadd.s32 $0xFFFFFC00  }
0xc9: {  	[spmem:s2] =	stream.indirect.scatter.add.f32 [tilespmem:s10], [sflag:$0x9], $0x8, s6, s7, $0xb8;
	[tilespmem:$0x14F28] =	vst v63  }
0xca: {  	s6 =	simm.s32 @p5 $0x2  }
0xcb: {  	_ =	swait.ge @p5 [sflag:s6], $0x400  }
0xcc: {  	s14 =	simm.s32 @p5 $0xA400;
	s10 =	sshra.s32 @p5 s24, $0x2;
	[sflag:s6] =	ssyncset.done @p5 $0x0  }
0xcd: {  	s13 =	sadd.s32 @p5 $0x5080, s10;
	[sflag:s6] =	ssyncadd.s32 @p5 $0xFFFFFC00;
	s6 =	simm.s32 @p5 $0x80  }
0xce: {  	[spmem:s2] =	stream.indirect.scatter.add.f32 @p5 [tilespmem:s14], [sflag:$0xA], $0x8, s13, s6, $0xb8;
	[tilespmem:$0x14F28] =	vst v63  }
0xcf: {  	s13 =	simm.s32 @!p5 $0x9  }
0xd0: {  	_ =	swait.ge @!p5 [sflag:s13], $0x400  }
0xd1: {  	[sflag:s13] =	ssyncset.done @!p5 $0x0  }
0xd2: {  	[sflag:s13] =	ssyncadd.s32 @!p5 $0xFFFFFC00;
	s13 =	sshra.s32 @!p5 s24, $0x2  }
0xd3: {  	s20 =	simm.s32 @!p5 $0xA000;
	s14 =	simm.s32 @!p5 $0x80;
	s17 =	sadd.s32 @!p5 $0x400, s13  }
0xd4: {  	[tilespmem:s20], [sflag:$0x1] =	stream.indirect.gather @!p5 [spmem:s3], $0x8, s17, s14, $0xb8;
	[tilespmem:$0x14F28] =	vst v63  }
0xd5: {  	s17 =	simm.s32 @!p5 $0x2  }
0xd6: {  	_ =	swait.ge @!p5 [sflag:s17], $0x400  }
0xd7: {  	[sflag:s17] =	ssyncset.done @!p5 $0x0  }
0xd8: {  	s20 =	simm.s32 @!p5 $0xA400;
	[sflag:s17] =	ssyncadd.s32 @!p5 $0xFFFFFC00;
	s17 =	sadd.s32 @!p5 $0x5080, s13  }
0xd9: {  	[spmem:s2] =	stream.indirect.scatter.add.f32 @!p5 [tilespmem:s20], [sflag:$0xA], $0x8, s17, s14, $0xb8;
	[tilespmem:$0x14F28] =	vst v63  }
0xda: {  	s17 =	simm.s32 @!p5 $0xA  }
0xdb: {  	_ =	swait.ge @!p5 [sflag:s17], $0x400  }
0xdc: {  	[sflag:s17] =	ssyncset.done @!p5 $0x0  }
0xdd: {  	[sflag:s17] =	ssyncadd.s32 @!p5 $0xFFFFFC00;
	s17 =	sadd.s32 @!p5 $0x480, s13  }
0xde: {  	[tilespmem:s20], [sflag:$0x2] =	stream.indirect.gather @!p5 [spmem:s3], $0x8, s17, s14, $0xb8;
	[tilespmem:$0x14F28] =	vst v63  }
0xdf: {  	_ =	swait.ge [sflag:s23], $0x400  }
0xe0: {  	[sflag:s23] =	ssyncset.done $0x0  }
0xe1: {  	s17 =	sadd.s32 $0x5100, s4;
	s20 =	simm.s32 $0xA800;
	[sflag:s23] =	ssyncadd.s32 $0xFFFFFC00  }
0xe2: {  	[spmem:s2] =	stream.indirect.scatter.add.f32 [tilespmem:s20], [sflag:$0xB], $0x8, s17, s7, $0xb8;
	[tilespmem:$0x14F28] =	vst v63  }
0xe3: {  	s17 =	simm.s32 @p5 $0x4  }
0xe4: {  	_ =	swait.ge @p5 [sflag:s17], $0x400  }
0xe5: {  	[sflag:s17] =	ssyncset.done @p5 $0x0  }
0xe6: {  	s20 =	simm.s32 @p5 $0xAC00;
	[sflag:s17] =	ssyncadd.s32 @p5 $0xFFFFFC00;
	s17 =	sadd.s32 @p5 $0x5180, s10  }
0xe7: {  	[spmem:s2] =	stream.indirect.scatter.add.f32 @p5 [tilespmem:s20], [sflag:$0xC], $0x8, s17, s6, $0xb8;
	[tilespmem:$0x14F28] =	vst v63  }
0xe8: {  	s17 =	simm.s32 @!p5 $0xB  }
0xe9: {  	_ =	swait.ge @!p5 [sflag:s17], $0x400  }
0xea: {  	[sflag:s17] =	ssyncset.done @!p5 $0x0  }
0xeb: {  	s20 =	simm.s32 @!p5 $0xA800;
	[sflag:s17] =	ssyncadd.s32 @!p5 $0xFFFFFC00;
	s17 =	sadd.s32 @!p5 $0x500, s13  }
0xec: {  	[tilespmem:s20], [sflag:$0x3] =	stream.indirect.gather @!p5 [spmem:s3], $0x8, s17, s14, $0xb8;
	[tilespmem:$0x14F28] =	vst v63  }
0xed: {  	s17 =	simm.s32 @!p5 $0x4  }
0xee: {  	_ =	swait.ge @!p5 [sflag:s17], $0x400  }
0xef: {  	[sflag:s17] =	ssyncset.done @!p5 $0x0  }
0xf0: {  	s20 =	simm.s32 @!p5 $0xAC00;
	[sflag:s17] =	ssyncadd.s32 @!p5 $0xFFFFFC00;
	s17 =	sadd.s32 @!p5 $0x5180, s13  }
0xf1: {  	[spmem:s2] =	stream.indirect.scatter.add.f32 @!p5 [tilespmem:s20], [sflag:$0xC], $0x8, s17, s14, $0xb8;
	[tilespmem:$0x14F28] =	vst v63  }
0xf2: {  	s17 =	simm.s32 @!p5 $0xC  }
0xf3: {  	_ =	swait.ge @!p5 [sflag:s17], $0x400  }
0xf4: {  	[sflag:s17] =	ssyncset.done @!p5 $0x0  }
0xf5: {  	[sflag:s17] =	ssyncadd.s32 @!p5 $0xFFFFFC00;
	s17 =	sadd.s32 @!p5 $0x580, s13  }
0xf6: {  	[tilespmem:s20], [sflag:$0x4] =	stream.indirect.gather @!p5 [spmem:s3], $0x8, s17, s14, $0xb8;
	[tilespmem:$0x14F28] =	vst v63  }
0xf7: {  	_ =	swait.ge [sflag:s26], $0x400  }
0xf8: {  	[sflag:s26] =	ssyncset.done $0x0  }
0xf9: {  	s20 =	sadd.s32 $0x5200, s4;
	s17 =	simm.s32 @p5 $0x6;
	[sflag:s26] =	ssyncadd.s32 $0xFFFFFC00  }
0xfa: {  	[spmem:s2] =	stream.indirect.scatter.add.f32 [tilespmem:s25], [sflag:$0xD], $0x8, s20, s7, $0xb8;
	[tilespmem:$0x14F28] =	vst v63  }
0xfb: {  	_ =	swait.ge @p5 [sflag:s17], $0x400  }
0xfc: {  	[sflag:s17] =	ssyncset.done @p5 $0x0  }
0xfd: {  	s10 =	sadd.s32 @p5 $0x5280, s10;
	[sflag:s17] =	ssyncadd.s32 @p5 $0xFFFFFC00;
	s17 =	simm.s32 @p5 $0xB400  }
0xfe: {  	[spmem:s2] =	stream.indirect.scatter.add.f32 @p5 [tilespmem:s17], [sflag:$0xE], $0x8, s10, s6, $0xb8;
	[tilespmem:$0x14F28] =	vst v63  }
0xff: {  	s6 =	simm.s32 @!p5 $0xD  }
0x100: {  	_ =	swait.ge @!p5 [sflag:s6], $0x400  }
0x101: {  	[sflag:s6] =	ssyncset.done @!p5 $0x0  }
0x102: {  	s10 =	simm.s32 @!p5 $0xB000;
	[sflag:s6] =	ssyncadd.s32 @!p5 $0xFFFFFC00;
	s6 =	sadd.s32 @!p5 $0x600, s13  }
0x103: {  	[tilespmem:s10], [sflag:$0x5] =	stream.indirect.gather @!p5 [spmem:s3], $0x8, s6, s14, $0xb8;
	[tilespmem:$0x14F28] =	vst v63  }
0x104: {  	s6 =	simm.s32 @!p5 $0x6  }
0x105: {  	_ =	swait.ge @!p5 [sflag:s6], $0x400  }
0x106: {  	[sflag:s6] =	ssyncset.done @!p5 $0x0  }
0x107: {  	s10 =	simm.s32 @!p5 $0xB400;
	[sflag:s6] =	ssyncadd.s32 @!p5 $0xFFFFFC00;
	s6 =	sadd.s32 @!p5 $0x5280, s13  }
0x108: {  	[spmem:s2] =	stream.indirect.scatter.add.f32 @!p5 [tilespmem:s10], [sflag:$0xE], $0x8, s6, s14, $0xb8;
	[tilespmem:$0x14F28] =	vst v63  }
0x109: {  	s6 =	simm.s32 @!p5 $0xE  }
0x10a: {  	_ =	swait.ge @!p5 [sflag:s6], $0x400  }
0x10b: {  	[sflag:s6] =	ssyncset.done @!p5 $0x0  }
0x10c: {  	[sflag:s6] =	ssyncadd.s32 @!p5 $0xFFFFFC00;
	s6 =	sadd.s32 @!p5 $0x680, s13  }
0x10d: {  	[tilespmem:s10], [sflag:$0x6] =	stream.indirect.gather @!p5 [spmem:s3], $0x8, s6, s14, $0xb8;
	[tilespmem:$0x14F28] =	vst v63  }
.Ltmp5:
0x10e: {  	_ = 	snop;
	(pc) =	sbr.rel @p5 .LBB2_12-.Ltmp5, $4  }
0x10f: {  	_ =	swait.ge [sflag:s28], $0x400  }
0x110: {  	[sflag:s28] =	ssyncset.done $0x0  }
0x111: {  	s20 =	sadd.s32 $0x5300, s4;
	s6 =	sadd.s32 $0x5380, s4;
	[sflag:s28] =	ssyncadd.s32 $0xFFFFFC00  }
0x112: {  	[spmem:s2] =	stream.indirect.scatter.add.f32 [tilespmem:s19], [sflag:$0xF], $0x8, s20, s7, $0xb8;
	[tilespmem:$0x14F28] =	vst v63  }
0x113: {  	_ =	swait.ge [sflag:s29], $0x400  }
0x114: {  	[sflag:s29] =	ssyncset.done $0x0  }
0x115: {  	s10 =	sadd.s32 $0x700, s4;
	[sflag:s29] =	ssyncadd.s32 $0xFFFFFC00  }
0x116: {  	[tilespmem:s19], [sflag:$0x7] =	stream.indirect.gather [spmem:s3], $0x8, s10, s7, $0xb8;
	[tilespmem:$0x14F28] =	vst v63  }
0x117: {  	_ =	swait.ge [sflag:s18], $0x400  }
0x118: {  	[sflag:s18] =	ssyncset.done $0x0  }
0x119: {  	[sflag:s18] =	ssyncadd.s32 $0xFFFFFC00  }
0x11a: {  	[spmem:s2] =	stream.indirect.scatter.add.f32 [tilespmem:s21], [sflag:$0x10], $0x8, s6, s7, $0xb8;
	[tilespmem:$0x14F28] =	vst v63  }
.Ltmp6:
0x11b: {  	_ = 	snop;
	(pc) =	sbr.rel .LBB2_10-.Ltmp6, $4  }
0x11c: {  	_ =	swait.ge [sflag:s31], $0x400  }
0x11d: {  	[sflag:s31] =	ssyncset.done $0x0  }
0x11e: {  	s20 =	sadd.s32 $0x780, s4;
	s24 =	sadd.s32 $0x1000, s24;
	[sflag:s31] =	ssyncadd.s32 $0xFFFFFC00  }
0x11f: {  	[tilespmem:s21], [sflag:$0x8] =	stream.indirect.gather [spmem:s3], $0x8, s20, s7, $0xb8;
	[tilespmem:$0x14F28] =	vst v63  }
.LBB2_12:
0x120: {  	_ =	swait.ge [sflag:s18], $0x400  }
0x121: {  	[sflag:s18] =	ssyncset.done $0x0  }
0x122: {  	s4 =	simm.s32 $0x9;
	[sflag:s18] =	ssyncadd.s32 $0xFFFFFC00  }
0x123: {  	[spmem:s2] =	stream.indirect.scatter.add.f32 [tilespmem:s21], [sflag:$0x10], $0x8, s6, s7, $0xb8;
	[tilespmem:$0x14F28] =	vst v63  }
0x124: {  	_ =	swait.ge [sflag:s4], $0x400  }
0x125: {  	[sflag:s4] =	ssyncset.done $0x0  }
0x126: {  	s13 =	simm.s32 $0xA;
	[sflag:s4] =	ssyncadd.s32 $0xFFFFFC00  }
0x127: {  	_ =	swait.ge [sflag:s13], $0x400  }
0x128: {  	[sflag:s13] =	ssyncset.done $0x0  }
0x129: {  	s14 =	simm.s32 $0xB;
	[sflag:s13] =	ssyncadd.s32 $0xFFFFFC00  }
0x12a: {  	_ =	swait.ge [sflag:s14], $0x400  }
0x12b: {  	[sflag:s14] =	ssyncset.done $0x0  }
0x12c: {  	s17 =	simm.s32 $0xC;
	[sflag:s14] =	ssyncadd.s32 $0xFFFFFC00  }
0x12d: {  	_ =	swait.ge [sflag:s17], $0x400  }
0x12e: {  	[sflag:s17] =	ssyncset.done $0x0  }
0x12f: {  	s20 =	simm.s32 $0xD;
	[sflag:s17] =	ssyncadd.s32 $0xFFFFFC00  }
0x130: {  	_ =	swait.ge [sflag:s20], $0x400  }
0x131: {  	[sflag:s20] =	ssyncset.done $0x0  }
0x132: {  	s24 =	simm.s32 $0xE;
	[sflag:s20] =	ssyncadd.s32 $0xFFFFFC00  }
0x133: {  	_ =	swait.ge [sflag:s24], $0x400  }
0x134: {  	[sflag:s24] =	ssyncset.done $0x0  }
0x135: {  	[sflag:s24] =	ssyncadd.s32 $0xFFFFFC00  }
0x136: {  	_ =	swait.ge [sflag:s29], $0x400  }
0x137: {  	[sflag:s29] =	ssyncset.done $0x0  }
0x138: {  	[sflag:s29] =	ssyncadd.s32 $0xFFFFFC00  }
0x139: {  	_ =	swait.ge [sflag:s31], $0x400  }
0x13a: {  	[sflag:s31] =	ssyncset.done $0x0  }
0x13b: {  	[sflag:s31] =	ssyncadd.s32 $0xFFFFFC00  }
0x13c: {  	[bflag:$0x0] =	sbarrier.arrive $0xFFFF  }
0x13d: {  	s4 =	simm.s32 @p0 $0xC000;
	s6 =	rddreg [dreg:$0x1c]  }
0x13e: {  	v3 =	vld [tilespmem:$0x10F00];
	[tilespmem:s4], [sflag:$0x12] =	stream.linear.gather @p0 [spmem:s6], $0x1040, $0x38  }
0x13f: {  	s4 =	simm.s32 @p0 $0x12  }
0x140: {  	_ =	swait.ge @p0 [sflag:s4], $0x1040  }
0x141: {  	[sflag:s4] =	ssyncset.done @p0 $0x0  }
0x142: {  	s6 =	simm.s32 @p0 $0xD3C0;
	s10 =	rddreg [dreg:$0x1d];
	[sflag:s4] =	ssyncadd.s32 @p0 $0xFFFFEFC0  }
0x143: {  	[tilespmem:s6], [sflag:$0x12] =	stream.linear.gather @p0 [spmem:s10], $0x1040, $0x38;
	[tilespmem:$0x14F28] =	vst v63  }
0x144: {  	_ =	swait.ge @p0 [sflag:s4], $0x1040  }
0x145: {  	s13 =	simm.s32 @!p0 $0x12;
	s24 =	simm.s32 $0x0;
	[sflag:s4] =	ssyncset.done @p0 $0x0  }
0x146: {  	s6 =	simm.s32 @!p0 $0xC000;
	s10 =	rddreg [dreg:$0xd];
	[sflag:s4] =	ssyncadd.s32 @p0 $0xFFFFEFC0  }
0x147: {  	[tilespmem:s6], [sflag:$0x12] =	stream.linear.gather @!p0 [spmem:s10], $0x13C0, $0x38;
	[tilespmem:$0x14F28] =	vst v63  }
0x148: {  	v5 =	vor.u32 s24, v1;
	_ =	swait.ge @!p0 [sflag:s13], $0x13C0  }
0x149: {  	v4 =	vshll.u32 v5, $0x3;
	[sflag:s13] =	ssyncset.done @!p0 $0x0  }
0x14a: {  	v4 =	vor.u32 v2, v4;
	s6 =	simm.s32 @!p0 $0xD3C0;
	s10 =	rddreg [dreg:$0x10];
	[sflag:s13] =	ssyncadd.s32 @!p0 $0xFFFFEC40  }
0x14b: {  	[tilespmem:s6], [sflag:$0x12] =	stream.linear.gather @!p0 [spmem:s10], $0x13C0, $0x38;
	[tilespmem:$0x14F28] =	vst v63  }
0x14c: {  	_ =	swait.ge @!p0 [sflag:s13], $0x13C0  }
0x14d: {  	[sflag:s13] =	ssyncset.done @!p0 $0x0  }
0x14e: {  	[sflag:s13] =	ssyncadd.s32 @!p0 $0xFFFFEC40  }
0x14f: {  	v6 =	vld.idx.msk [tilespmem:v4+s12+$0x0], $0xffff  }
0x150: {  	v7 =	vld.idx.msk [tilespmem:v4+s30+$0x0], $0xffff;
	_ =	sdelay $0x1  }
0x151: {  	p5 =	sne.s32 s15, $0x2;
	v5 =	vld.idx.msk [tilespmem:v5+s11+$0x0], $0xffff  }
.Ltmp7:
0x152: {  	_ = 	snop;
	(pc) =	sbr.rel @!p5 .LBB2_14-.Ltmp7, $3  }
0x153: {  	_ = 	snop  }
0x154: {  	v6 =	vadd.f32 v6, v7;
	_ =	sdelay $0x1  }
0x155: {  	s6 =	simm.s32 $0x2;
	v6 =	vmul.f32 v6, v5  }
.LBB2_13:
0x156: {  	v7 =	vor.u32 s6, v1  }
0x157: {  	s6 =	sadd.s32 $0x2, s6;
	v8 =	vshll.u32 v7, $0x3;
	v6 =	vadd.f32 v6, v3  }
0x158: {  	p5 =	sne.s32 s15, s6;
	v8 =	vor.u32 v2, v8  }
0x159: {  	v6 =	vmax.f32 v6, $0.0e+00  }
0x15a: {  	v5 =	vmul.f32 v6, v5;
	_ =	sdelay $0x1  }
0x15b: {  	[tilespmem:v4+s0+$0x0] =	vst.idx.msk $0xffff, v5;
	v4 =	vmov v8  }
0x15c: {  	v6 =	vld.idx.msk [tilespmem:v8+s12+$0x0], $0xffff  }
0x15d: {  	v8 =	vld.idx.msk [tilespmem:v8+s30+$0x0], $0xffff;
	_ =	sdelay $0x1  }
0x15e: {  	v5 =	vld.idx.msk [tilespmem:v7+s11+$0x0], $0xffff;
	_ =	sdelay $0x1  }
.Ltmp8:
0x15f: {  	(pc) =	sbr.rel @p5 .LBB2_13-.Ltmp8, $3  }
0x160: {  	_ = 	snop  }
0x161: {  	v6 =	vadd.f32 v6, v8;
	_ =	sdelay $0x1  }
0x162: {  	v6 =	vmul.f32 v6, v5  }
.LBB2_14:
0x163: {  	_ = 	snop  }
0x164: {  	v3 =	vadd.f32 v6, v3;
	_ =	sdelay $0x1  }
0x165: {  	v3 =	vmax.f32 v3, $0.0e+00  }
0x166: {  	v3 =	vmul.f32 v3, v5;
	_ =	sdelay $0x1  }
0x167: {  	s6 =	simm.s32 @p0 $0xE780;
	s10 =	rddreg [dreg:$0x1e];
	[tilespmem:v4+s0+$0x0] =	vst.idx.msk $0xffff, v3  }
0x168: {  	[spmem:s10] =	stream.linear.scatter @p0 [tilespmem:s6], [sflag:$0x12], $0x1040, $0x38;
	[tilespmem:$0x14F28] =	vst v63  }
0x169: {  	_ =	swait.ge @p0 [sflag:s4], $0x1040  }
0x16a: {  	s14 =	sld [smem:$0x7FC]  }
0x16b: {  	[sflag:s4] =	ssyncset.done @p0 $0x0  }
0x16c: {  	s6 =	simm.s32 @p0 $0x1FD2;
	s10 =	rddreg [dreg:$0x17];
	[sflag:s4] =	ssyncadd.s32 @p0 $0xFFFFEFC0  }
0x16d: {  	[spmem:s14], [sflag:s6] =	dma.local @p0 [hbm:s10], $0x218  }
0x16e: {  	_ =	swait.ge @p0 [sflag:s4], $0x218  }
0x16f: {  	[sflag:s4] =	ssyncset.done @p0 $0x0  }
0x170: {  	s6 =	rddreg [dreg:$0x12];
	[sflag:s4] =	ssyncadd.s32 @p0 $0xFFFFFDE8;
	s4 =	simm.s32 @!p0 $0xE780  }
0x171: {  	[spmem:s6] =	stream.linear.scatter @!p0 [tilespmem:s4], [sflag:$0x12], $0x13C0, $0x38;
	[tilespmem:$0x14F28] =	vst v63  }
0x172: {  	_ =	swait.ge @!p0 [sflag:s13], $0x13C0  }
0x173: {  	s6 =	sld [smem:$0x7FB]  }
0x174: {  	s10 =	sld [smem:$0x7FD]  }
0x175: {  	[sflag:s13] =	ssyncset.done @!p0 $0x0  }
0x176: {  	s4 =	rddreg [dreg:$0xe];
	[sflag:s13] =	ssyncadd.s32 @!p0 $0xFFFFEC40  }
0x177: {  	[spmem:s10], [sflag:s6] =	dma.local @!p0 [hbm:s4], $0x278  }
0x178: {  	_ =	swait.ge @!p0 [sflag:s13], $0x278  }
0x179: {  	[sflag:s13] =	ssyncset.done @!p0 $0x0  }
0x17a: {  	[sflag:s13] =	ssyncadd.s32 @!p0 $0xFFFFFD88  }
0x17b: {  	s6 =	simm.s32 $0xA000;
	[bflag:$0x0] =	sbarrier.arrive $0xFFFF  }
0x17c: {  	[tilespmem:s6], [sflag:$0x1] =	stream.indirect.gather [spmem:s5], $0x8, s24, s7, $0xb8;
	[tilespmem:$0x14F28] =	vst v63  }
0x17d: {  	s10 =	simm.s32 $0xA400  }
0x17e: {  	[tilespmem:s10], [sflag:$0x2] =	stream.indirect.gather [spmem:s5], $0x8, s7, s7, $0xb8;
	[tilespmem:$0x14F28] =	vst v63  }
0x17f: {  	s14 =	simm.s32 $0xA800;
	s13 =	simm.s32 $0x100  }
0x180: {  	[tilespmem:s14], [sflag:$0x3] =	stream.indirect.gather [spmem:s5], $0x8, s13, s7, $0xb8;
	[tilespmem:$0x14F28] =	vst v63  }
0x181: {  	s17 =	simm.s32 $0x180;
	s20 =	simm.s32 $0xAC00  }
0x182: {  	[tilespmem:s20], [sflag:$0x4] =	stream.indirect.gather [spmem:s5], $0x8, s17, s7, $0xb8;
	[tilespmem:$0x14F28] =	vst v63  }
0x183: {  	s10 =	simm.s32 $0x200  }
0x184: {  	[tilespmem:s25], [sflag:$0x5] =	stream.indirect.gather [spmem:s5], $0x8, s10, s7, $0xb8;
	[tilespmem:$0x14F28] =	vst v63  }
0x185: {  	s13 =	simm.s32 $0x280;
	s14 =	simm.s32 $0xB400  }
0x186: {  	[tilespmem:s14], [sflag:$0x6] =	stream.indirect.gather [spmem:s5], $0x8, s13, s7, $0xb8;
	[tilespmem:$0x14F28] =	vst v63  }
0x187: {  	s17 =	simm.s32 $0x300  }
0x188: {  	[tilespmem:s19], [sflag:$0x7] =	stream.indirect.gather [spmem:s5], $0x8, s17, s7, $0xb8;
	[tilespmem:$0x14F28] =	vst v63  }
0x189: {  	s20 =	simm.s32 $0x380  }
0x18a: {  	[tilespmem:s21], [sflag:$0x8] =	stream.indirect.gather [spmem:s5], $0x8, s20, s7, $0xb8;
	[tilespmem:$0x14F28] =	vst v63  }
.LBB2_15:
0x18b: {  	_ =	swait.ge [sflag:s22], $0x400  }
0x18c: {  	s4 =	sshra.s32 s24, $0x2;
	s10 =	simm.s32 $0xA000;
	[sflag:s22] =	ssyncset.done $0x0  }
0x18d: {  	p5 =	seq.s32 s24, $0x13000;
	s6 =	sadd.s32 $0x5000, s4;
	[sflag:s22] =	ssyncadd.s32 $0xFFFFFC00  }
0x18e: {  	[spmem:s2] =	stream.indirect.scatter.add.f32 [tilespmem:s10], [sflag:$0x9], $0x8, s6, s7, $0xb8;
	[tilespmem:$0x14F28] =	vst v63  }
0x18f: {  	s6 =	simm.s32 @p5 $0x2  }
0x190: {  	_ =	swait.ge @p5 [sflag:s6], $0x400  }
0x191: {  	[sflag:s6] =	ssyncset.done @p5 $0x0  }
0x192: {  	[sflag:s6] =	ssyncadd.s32 @p5 $0xFFFFFC00;
	s6 =	sshra.s32 @p5 s24, $0x2  }
0x193: {  	s14 =	simm.s32 @p5 $0x80;
	s13 =	simm.s32 @p5 $0xA400;
	s10 =	sadd.s32 @p5 $0x5080, s6  }
0x194: {  	[spmem:s2] =	stream.indirect.scatter.add.f32 @p5 [tilespmem:s13], [sflag:$0xA], $0x8, s10, s14, $0xb8;
	[tilespmem:$0x14F28] =	vst v63  }
0x195: {  	s10 =	simm.s32 @!p5 $0x9  }
0x196: {  	_ =	swait.ge @!p5 [sflag:s10], $0x400  }
0x197: {  	[sflag:s10] =	ssyncset.done @!p5 $0x0  }
0x198: {  	[sflag:s10] =	ssyncadd.s32 @!p5 $0xFFFFFC00;
	s10 =	sshra.s32 @!p5 s24, $0x2  }
0x199: {  	s20 =	simm.s32 @!p5 $0xA000;
	s13 =	simm.s32 @!p5 $0x80;
	s17 =	sadd.s32 @!p5 $0x400, s10  }
0x19a: {  	[tilespmem:s20], [sflag:$0x1] =	stream.indirect.gather @!p5 [spmem:s5], $0x8, s17, s13, $0xb8;
	[tilespmem:$0x14F28] =	vst v63  }
0x19b: {  	s17 =	simm.s32 @!p5 $0x2  }
0x19c: {  	_ =	swait.ge @!p5 [sflag:s17], $0x400  }
0x19d: {  	[sflag:s17] =	ssyncset.done @!p5 $0x0  }
0x19e: {  	s20 =	simm.s32 @!p5 $0xA400;
	[sflag:s17] =	ssyncadd.s32 @!p5 $0xFFFFFC00;
	s17 =	sadd.s32 @!p5 $0x5080, s10  }
0x19f: {  	[spmem:s2] =	stream.indirect.scatter.add.f32 @!p5 [tilespmem:s20], [sflag:$0xA], $0x8, s17, s13, $0xb8;
	[tilespmem:$0x14F28] =	vst v63  }
0x1a0: {  	s17 =	simm.s32 @!p5 $0xA  }
0x1a1: {  	_ =	swait.ge @!p5 [sflag:s17], $0x400  }
0x1a2: {  	[sflag:s17] =	ssyncset.done @!p5 $0x0  }
0x1a3: {  	[sflag:s17] =	ssyncadd.s32 @!p5 $0xFFFFFC00;
	s17 =	sadd.s32 @!p5 $0x480, s10  }
0x1a4: {  	[tilespmem:s20], [sflag:$0x2] =	stream.indirect.gather @!p5 [spmem:s5], $0x8, s17, s13, $0xb8;
	[tilespmem:$0x14F28] =	vst v63  }
0x1a5: {  	_ =	swait.ge [sflag:s23], $0x400  }
0x1a6: {  	[sflag:s23] =	ssyncset.done $0x0  }
0x1a7: {  	s17 =	sadd.s32 $0x5100, s4;
	s20 =	simm.s32 $0xA800;
	[sflag:s23] =	ssyncadd.s32 $0xFFFFFC00  }
0x1a8: {  	[spmem:s2] =	stream.indirect.scatter.add.f32 [tilespmem:s20], [sflag:$0xB], $0x8, s17, s7, $0xb8;
	[tilespmem:$0x14F28] =	vst v63  }
0x1a9: {  	s17 =	simm.s32 @p5 $0x4  }
0x1aa: {  	_ =	swait.ge @p5 [sflag:s17], $0x400  }
0x1ab: {  	[sflag:s17] =	ssyncset.done @p5 $0x0  }
0x1ac: {  	s20 =	simm.s32 @p5 $0xAC00;
	[sflag:s17] =	ssyncadd.s32 @p5 $0xFFFFFC00;
	s17 =	sadd.s32 @p5 $0x5180, s6  }
0x1ad: {  	[spmem:s2] =	stream.indirect.scatter.add.f32 @p5 [tilespmem:s20], [sflag:$0xC], $0x8, s17, s14, $0xb8;
	[tilespmem:$0x14F28] =	vst v63  }
0x1ae: {  	s17 =	simm.s32 @!p5 $0xB  }
0x1af: {  	_ =	swait.ge @!p5 [sflag:s17], $0x400  }
0x1b0: {  	[sflag:s17] =	ssyncset.done @!p5 $0x0  }
0x1b1: {  	s20 =	simm.s32 @!p5 $0xA800;
	[sflag:s17] =	ssyncadd.s32 @!p5 $0xFFFFFC00;
	s17 =	sadd.s32 @!p5 $0x500, s10  }
0x1b2: {  	[tilespmem:s20], [sflag:$0x3] =	stream.indirect.gather @!p5 [spmem:s5], $0x8, s17, s13, $0xb8;
	[tilespmem:$0x14F28] =	vst v63  }
0x1b3: {  	s17 =	simm.s32 @!p5 $0x4  }
0x1b4: {  	_ =	swait.ge @!p5 [sflag:s17], $0x400  }
0x1b5: {  	[sflag:s17] =	ssyncset.done @!p5 $0x0  }
0x1b6: {  	s20 =	simm.s32 @!p5 $0xAC00;
	[sflag:s17] =	ssyncadd.s32 @!p5 $0xFFFFFC00;
	s17 =	sadd.s32 @!p5 $0x5180, s10  }
0x1b7: {  	[spmem:s2] =	stream.indirect.scatter.add.f32 @!p5 [tilespmem:s20], [sflag:$0xC], $0x8, s17, s13, $0xb8;
	[tilespmem:$0x14F28] =	vst v63  }
0x1b8: {  	s17 =	simm.s32 @!p5 $0xC  }
0x1b9: {  	_ =	swait.ge @!p5 [sflag:s17], $0x400  }
0x1ba: {  	[sflag:s17] =	ssyncset.done @!p5 $0x0  }
0x1bb: {  	[sflag:s17] =	ssyncadd.s32 @!p5 $0xFFFFFC00;
	s17 =	sadd.s32 @!p5 $0x580, s10  }
0x1bc: {  	[tilespmem:s20], [sflag:$0x4] =	stream.indirect.gather @!p5 [spmem:s5], $0x8, s17, s13, $0xb8;
	[tilespmem:$0x14F28] =	vst v63  }
0x1bd: {  	_ =	swait.ge [sflag:s26], $0x400  }
0x1be: {  	[sflag:s26] =	ssyncset.done $0x0  }
0x1bf: {  	s20 =	sadd.s32 $0x5200, s4;
	s17 =	simm.s32 @p5 $0x6;
	[sflag:s26] =	ssyncadd.s32 $0xFFFFFC00  }
0x1c0: {  	[spmem:s2] =	stream.indirect.scatter.add.f32 [tilespmem:s25], [sflag:$0xD], $0x8, s20, s7, $0xb8;
	[tilespmem:$0x14F28] =	vst v63  }
0x1c1: {  	_ =	swait.ge @p5 [sflag:s17], $0x400  }
0x1c2: {  	[sflag:s17] =	ssyncset.done @p5 $0x0  }
0x1c3: {  	s6 =	sadd.s32 @p5 $0x5280, s6;
	[sflag:s17] =	ssyncadd.s32 @p5 $0xFFFFFC00;
	s17 =	simm.s32 @p5 $0xB400  }
0x1c4: {  	[spmem:s2] =	stream.indirect.scatter.add.f32 @p5 [tilespmem:s17], [sflag:$0xE], $0x8, s6, s14, $0xb8;
	[tilespmem:$0x14F28] =	vst v63  }
0x1c5: {  	s6 =	simm.s32 @!p5 $0xD  }
0x1c6: {  	_ =	swait.ge @!p5 [sflag:s6], $0x400  }
0x1c7: {  	[sflag:s6] =	ssyncset.done @!p5 $0x0  }
0x1c8: {  	s14 =	simm.s32 @!p5 $0xB000;
	[sflag:s6] =	ssyncadd.s32 @!p5 $0xFFFFFC00;
	s6 =	sadd.s32 @!p5 $0x600, s10  }
0x1c9: {  	[tilespmem:s14], [sflag:$0x5] =	stream.indirect.gather @!p5 [spmem:s5], $0x8, s6, s13, $0xb8;
	[tilespmem:$0x14F28] =	vst v63  }
0x1ca: {  	s6 =	simm.s32 @!p5 $0x6  }
0x1cb: {  	_ =	swait.ge @!p5 [sflag:s6], $0x400  }
0x1cc: {  	[sflag:s6] =	ssyncset.done @!p5 $0x0  }
0x1cd: {  	s14 =	simm.s32 @!p5 $0xB400;
	[sflag:s6] =	ssyncadd.s32 @!p5 $0xFFFFFC00;
	s6 =	sadd.s32 @!p5 $0x5280, s10  }
0x1ce: {  	[spmem:s2] =	stream.indirect.scatter.add.f32 @!p5 [tilespmem:s14], [sflag:$0xE], $0x8, s6, s13, $0xb8;
	[tilespmem:$0x14F28] =	vst v63  }
0x1cf: {  	s6 =	simm.s32 @!p5 $0xE  }
0x1d0: {  	_ =	swait.ge @!p5 [sflag:s6], $0x400  }
0x1d1: {  	[sflag:s6] =	ssyncset.done @!p5 $0x0  }
0x1d2: {  	[sflag:s6] =	ssyncadd.s32 @!p5 $0xFFFFFC00;
	s6 =	sadd.s32 @!p5 $0x680, s10  }
0x1d3: {  	[tilespmem:s14], [sflag:$0x6] =	stream.indirect.gather @!p5 [spmem:s5], $0x8, s6, s13, $0xb8;
	[tilespmem:$0x14F28] =	vst v63  }
.Ltmp9:
0x1d4: {  	_ = 	snop;
	(pc) =	sbr.rel @p5 .LBB2_17-.Ltmp9, $4  }
0x1d5: {  	_ =	swait.ge [sflag:s28], $0x400  }
0x1d6: {  	[sflag:s28] =	ssyncset.done $0x0  }
0x1d7: {  	s20 =	sadd.s32 $0x5300, s4;
	s6 =	sadd.s32 $0x5380, s4;
	[sflag:s28] =	ssyncadd.s32 $0xFFFFFC00  }
0x1d8: {  	[spmem:s2] =	stream.indirect.scatter.add.f32 [tilespmem:s19], [sflag:$0xF], $0x8, s20, s7, $0xb8;
	[tilespmem:$0x14F28] =	vst v63  }
0x1d9: {  	_ =	swait.ge [sflag:s29], $0x400  }
0x1da: {  	[sflag:s29] =	ssyncset.done $0x0  }
0x1db: {  	s10 =	sadd.s32 $0x700, s4;
	[sflag:s29] =	ssyncadd.s32 $0xFFFFFC00  }
0x1dc: {  	[tilespmem:s19], [sflag:$0x7] =	stream.indirect.gather [spmem:s5], $0x8, s10, s7, $0xb8;
	[tilespmem:$0x14F28] =	vst v63  }
0x1dd: {  	_ =	swait.ge [sflag:s18], $0x400  }
0x1de: {  	[sflag:s18] =	ssyncset.done $0x0  }
0x1df: {  	[sflag:s18] =	ssyncadd.s32 $0xFFFFFC00  }
0x1e0: {  	[spmem:s2] =	stream.indirect.scatter.add.f32 [tilespmem:s21], [sflag:$0x10], $0x8, s6, s7, $0xb8;
	[tilespmem:$0x14F28] =	vst v63  }
.Ltmp10:
0x1e1: {  	_ = 	snop;
	(pc) =	sbr.rel .LBB2_15-.Ltmp10, $4  }
0x1e2: {  	_ =	swait.ge [sflag:s31], $0x400  }
0x1e3: {  	[sflag:s31] =	ssyncset.done $0x0  }
0x1e4: {  	s20 =	sadd.s32 $0x780, s4;
	s24 =	sadd.s32 $0x1000, s24;
	[sflag:s31] =	ssyncadd.s32 $0xFFFFFC00  }
0x1e5: {  	[tilespmem:s21], [sflag:$0x8] =	stream.indirect.gather [spmem:s5], $0x8, s20, s7, $0xb8;
	[tilespmem:$0x14F28] =	vst v63  }
.LBB2_17:
0x1e6: {  	_ =	swait.ge [sflag:s18], $0x400  }
0x1e7: {  	[sflag:s18] =	ssyncset.done $0x0  }
0x1e8: {  	s4 =	simm.s32 $0x9;
	[sflag:s18] =	ssyncadd.s32 $0xFFFFFC00  }
0x1e9: {  	[spmem:s2] =	stream.indirect.scatter.add.f32 [tilespmem:s21], [sflag:$0x10], $0x8, s6, s7, $0xb8;
	[tilespmem:$0x14F28] =	vst v63  }
0x1ea: {  	_ =	swait.ge [sflag:s4], $0x400  }
0x1eb: {  	[sflag:s4] =	ssyncset.done $0x0  }
0x1ec: {  	s10 =	simm.s32 $0xA;
	[sflag:s4] =	ssyncadd.s32 $0xFFFFFC00  }
0x1ed: {  	_ =	swait.ge [sflag:s10], $0x400  }
0x1ee: {  	[sflag:s10] =	ssyncset.done $0x0  }
0x1ef: {  	s13 =	simm.s32 $0xB;
	[sflag:s10] =	ssyncadd.s32 $0xFFFFFC00  }
0x1f0: {  	_ =	swait.ge [sflag:s13], $0x400  }
0x1f1: {  	[sflag:s13] =	ssyncset.done $0x0  }
0x1f2: {  	s14 =	simm.s32 $0xC;
	[sflag:s13] =	ssyncadd.s32 $0xFFFFFC00  }
0x1f3: {  	_ =	swait.ge [sflag:s14], $0x400  }
0x1f4: {  	[sflag:s14] =	ssyncset.done $0x0  }
0x1f5: {  	s17 =	simm.s32 $0xD;
	[sflag:s14] =	ssyncadd.s32 $0xFFFFFC00  }
0x1f6: {  	_ =	swait.ge [sflag:s17], $0x400  }
0x1f7: {  	[sflag:s17] =	ssyncset.done $0x0  }
0x1f8: {  	s20 =	simm.s32 $0xE;
	[sflag:s17] =	ssyncadd.s32 $0xFFFFFC00  }
0x1f9: {  	_ =	swait.ge [sflag:s20], $0x400  }
0x1fa: {  	[sflag:s20] =	ssyncset.done $0x0  }
0x1fb: {  	[sflag:s20] =	ssyncadd.s32 $0xFFFFFC00  }
0x1fc: {  	_ =	swait.ge [sflag:s29], $0x400  }
0x1fd: {  	[sflag:s29] =	ssyncset.done $0x0  }
0x1fe: {  	[sflag:s29] =	ssyncadd.s32 $0xFFFFFC00  }
0x1ff: {  	_ =	swait.ge [sflag:s31], $0x400  }
0x200: {  	[sflag:s31] =	ssyncset.done $0x0  }
0x201: {  	[sflag:s31] =	ssyncadd.s32 $0xFFFFFC00  }
0x202: {  	[bflag:$0x0] =	sbarrier.arrive $0xFFFF  }
0x203: {  	s4 =	simm.s32 @p0 $0xC000;
	s6 =	rddreg [dreg:$0x1c]  }
0x204: {  	[tilespmem:s4], [sflag:$0x12] =	stream.linear.gather @p0 [spmem:s6], $0x1040, $0x38;
	[tilespmem:$0x14F28] =	vst v63  }
0x205: {  	s4 =	simm.s32 @p0 $0x12  }
0x206: {  	s24 =	simm.s32 $0x0;
	_ =	swait.ge @p0 [sflag:s4], $0x1040  }
0x207: {  	v6 =	vor.u32 s24, v1;
	[sflag:s4] =	ssyncset.done @p0 $0x0  }
0x208: {  	v3 =	vshll.u32 v6, $0x3;
	s6 =	rddreg [dreg:$0x13];
	[sflag:s4] =	ssyncadd.s32 @p0 $0xFFFFEFC0;
	s4 =	simm.s32 @!p0 $0xC000  }
0x209: {  	v3 =	vor.u32 v2, v3;
	[tilespmem:s4], [sflag:$0x12] =	stream.linear.gather @!p0 [spmem:s6], $0x13C0, $0x38;
	[tilespmem:$0x14F28] =	vst v63  }
0x20a: {  	s4 =	simm.s32 @!p0 $0x12  }
0x20b: {  	_ =	swait.ge @!p0 [sflag:s4], $0x13C0  }
0x20c: {  	p5 =	sne.s32 s15, $0x2;
	[sflag:s4] =	ssyncset.done @!p0 $0x0  }
.Ltmp11:
0x20d: {  	[sflag:s4] =	ssyncadd.s32 @!p0 $0xFFFFEC40;
	(pc) =	sbr.rel @!p5 .LBB2_19-.Ltmp11, $3  }
0x20e: {  	v4 =	vld.idx.msk [tilespmem:v3+s0+$0x0], $0xffff  }
0x20f: {  	v5 =	vld.idx.msk [tilespmem:v3+s30+$0x0], $0xffff;
	_ =	sdelay $0x1  }
0x210: {  	s4 =	simm.s32 $0x2;
	v6 =	vld.idx.msk [tilespmem:v6+s11+$0x0], $0xffff  }
.LBB2_18:
0x211: {  	v7 =	vor.u32 s4, v1  }
0x212: {  	s4 =	sadd.s32 $0x2, s4;
	v8 =	vshll.u32 v7, $0x3  }
0x213: {  	p5 =	sne.s32 s15, s4;
	v8 =	vor.u32 v2, v8;
	v4 =	vadd.f32 v4, v5;
	_ =	sdelay $0x1  }
0x214: {  	v4 =	vmul.f32 v4, v6;
	_ =	sdelay $0x1  }
.Ltmp12:
0x215: {  	[tilespmem:v3+s16+$0x0] =	vst.idx.msk $0xffff, v4;
	v3 =	vmov v8;
	(pc) =	sbr.rel @p5 .LBB2_18-.Ltmp12, $3  }
0x216: {  	v4 =	vld.idx.msk [tilespmem:v8+s0+$0x0], $0xffff  }
0x217: {  	v5 =	vld.idx.msk [tilespmem:v8+s30+$0x0], $0xffff;
	_ =	sdelay $0x1  }
0x218: {  	v6 =	vld.idx.msk [tilespmem:v7+s11+$0x0], $0xffff  }
.LBB2_19:
0x219: {  	_ =	sdelay $0x1  }
0x21a: {  	v4 =	vadd.f32 v4, v5;
	_ =	sdelay $0x1  }
0x21b: {  	v4 =	vmul.f32 v4, v6  }
0x21c: {  	s4 =	simm.s32 @!p1 $0x8  }
0x21d: {  	s6 =	simm.s32 @!p1 $0x10;
	s10 =	simm.s32 @!p1 $0xFB40;
	s13 =	rddreg [dreg:$0x19];
	[tilespmem:v3+s16+$0x0] =	vst.idx.msk $0xffff, v4  }
0x21e: {  	[hbm4b:s13+s4] =	stream.strided.scatter @!p1 [tilespmem:s10], [sflag:$0x12], $0x1040, s6, s4, $0x38;
	[tilespmem:$0x14F28] =	vst v63  }
0x21f: {  	s4 =	simm.s32 @!p1 $0x12  }
0x220: {  	_ =	swait.ge @!p1 [sflag:s4], $0x1040  }
0x221: {  	s6 =	simm.s32 @!p2 $0x10;
	s10 =	simm.s32 @!p2 $0xFB40;
	[sflag:s4] =	ssyncset.done @!p1 $0x0  }
0x222: {  	s13 =	rddreg [dreg:$0x18];
	[sflag:s4] =	ssyncadd.s32 @!p1 $0xFFFFEFC0;
	s4 =	simm.s32 @!p2 $0x8  }
0x223: {  	[hbm4b:s13+s4] =	stream.strided.scatter @!p2 [tilespmem:s10], [sflag:$0x12], $0x1040, s6, s4, $0x38;
	[tilespmem:$0x14F28] =	vst v63  }
0x224: {  	s4 =	simm.s32 @!p2 $0x12  }
0x225: {  	_ =	swait.ge @!p2 [sflag:s4], $0x1040  }
0x226: {  	s6 =	simm.s32 @!p3 $0x10;
	s10 =	simm.s32 @!p3 $0xFB40;
	[sflag:s4] =	ssyncset.done @!p2 $0x0  }
0x227: {  	s13 =	rddreg [dreg:$0x16];
	[sflag:s4] =	ssyncadd.s32 @!p2 $0xFFFFEFC0;
	s4 =	simm.s32 @!p3 $0x8  }
0x228: {  	[hbm4b:s13+s4] =	stream.strided.scatter @!p3 [tilespmem:s10], [sflag:$0x12], $0x13C0, s6, s4, $0x38;
	[tilespmem:$0x14F28] =	vst v63  }
0x229: {  	s4 =	simm.s32 @!p3 $0x12  }
0x22a: {  	_ =	swait.ge @!p3 [sflag:s4], $0x13C0  }
0x22b: {  	s6 =	simm.s32 @!p4 $0x10;
	s10 =	simm.s32 @!p4 $0xFB40;
	[sflag:s4] =	ssyncset.done @!p3 $0x0  }
0x22c: {  	s13 =	rddreg [dreg:$0x15];
	[sflag:s4] =	ssyncadd.s32 @!p3 $0xFFFFEC40;
	s4 =	simm.s32 @!p4 $0x8  }
0x22d: {  	[hbm4b:s13+s4] =	stream.strided.scatter @!p4 [tilespmem:s10], [sflag:$0x12], $0x13C0, s6, s4, $0x38;
	[tilespmem:$0x14F28] =	vst v63  }
0x22e: {  	s4 =	simm.s32 @!p4 $0x12  }
0x22f: {  	_ =	swait.ge @!p4 [sflag:s4], $0x13C0  }
0x230: {  	s20 =	rddreg [dreg:$0x1f]  }
0x231: {  	s24 =	rddreg [dreg:$0x1a];
	s10 =	sadd.s32 $0x1, s20  }
0x232: {  	p5 =	sne.s32 s10, s24  }
.Ltmp13:
0x233: {  	_ = 	snop;
	(pc) =	sbr.rel @p5 .LBB2_1-.Ltmp13, $3  }
0x234: {  	_ =	sdelay $0x1  }
0x235: {  	[sflag:s4] =	ssyncset.done @!p4 $0x0;
	s14 =	rddreg [dreg:$0x1b]  }
0x236: {  	[sflag:s4] =	ssyncadd.s32 @!p4 $0xFFFFEC40;
	s20 =	rddreg [dreg:$0xa]  }
0x237: {  	_ =	sfence.sel $0x180000  }
0x238: {  	[bflag:$0x0] =	sbarrier.arrive $0xFFFF  }
0x239: {  	_ =	strace $0x90000047  }
0x23a: {  	s0 =	stileid.u32;
	[bflag:$0x2] =	sbarrier.arrive $0xFFFF  }
0x23b: {  	p0 =	sne.s32 s0, $0x0;
	s0 =	rddreg [dreg:$0x6]  }
0x23c: {  	s0 =	sadd.s32 @!p0 $0x100000, s0  }
0x23d: {  	[sflag:s0] =	ssyncadd.tile.s32 @!p0 $0x1;
	_ =	shalt  }
.Lfunc_end2:
_tile_overlayer_lowered:
.L_overlay_start_2:
0x23e: {  	(tag) =	ssettag $0x2  }
0x23f: {  	s0 =	rddreg [dreg:$0x0];
	s2 =	stileid.u32  }
0x240: {  	s1 =	rddreg [dreg:$0x1];
	p0 =	sne.s32 s2, $0x0  }
0x241: {  	s3 =	rddreg [dreg:$0x2];
	[bflag:$0x3] =	sbarrier.arrive $0xFFFF;
	s2 =	simm.s32 @!p0 $0x1C12  }
0x242: {  	[timem:s3], [sflag:s2] =	dma.local @!p0 [hbm:s0], s1  }
0x243: {  	s0 =	simm.s32 @!p0 $0x12  }
0x244: {  	_ =	swait.ge @!p0 [sflag:s0], s1  }
0x245: {  	s1 =	ssub.s32 @!p0 $0x0, s1;
	[sflag:s0] =	ssyncset.done @!p0 $0x0  }
0x246: {  	[sflag:s0] =	ssyncadd.s32 @!p0 s1  }
0x247: {  	[bflag:$0x3] =	sbarrier.arrive $0xFFFF  }
0x248: {  	_ =	shalt  }

</sc_bundles>
